<compile_context>
chip_gen: v7x
topology: tpu7x:2x2x1
jax: 0.10.2.dev20260603
libtpu: 0.0.44.dev20260713+nightly
codegen_flags: <defaults>
</compile_context>

<pallas_src>
import functools

import jax
import jax.numpy as jnp
import numpy as np
from jax import lax
from jax.experimental import pallas as pl
from jax.experimental.pallas import tpu as pltpu
from jax.experimental.pallas import tpu_sc as plsc

N = 32768
TOP_K = 25
NS = 16
CHUNK = N // NS
NSEG = 8
SEG = CHUNK // NSEG
SEGV = SEG // 16
CAND = 32
ILP = 4
NEG_INF = np.float32(-np.inf)
BIG_I32 = np.int32(2**31 - 1)

_mesh = plsc.VectorSubcoreMesh(core_axis_name="c", subcore_axis_name="s",
                               num_cores=1)


@functools.partial(
    pl.kernel,
    mesh=_mesh,
    out_type=jax.ShapeDtypeStruct((N,), jnp.float32),
    compiler_params=pltpu.CompilerParams(needs_layout_passes=False),
    scratch_types=[
        pltpu.VMEM((CHUNK,), jnp.float32),
        pltpu.VMEM((CHUNK,), jnp.float32),
        pltpu.VMEM((2 * CAND,), jnp.int32),
        pltpu.VMEM((NS * 2 * CAND,), jnp.int32),
        pltpu.VMEM((CAND,), jnp.float32),
        pltpu.VMEM((CAND,), jnp.int32),
        pltpu.VMEM_SHARED((NS * 2 * CAND,), jnp.int32),
        pltpu.VMEM_SHARED((NS * 16,), jnp.int32),
        pltpu.SemaphoreType.DMA,
        pltpu.SemaphoreType.DMA,
    ],
)
def _topk_mask_kernel(x_hbm, out_hbm, w, zbuf, cb, mb,
                      sv, si, cb_sh, pool_sh, sem, zsem):
    s = lax.axis_index("s")
    lanes = lax.iota(jnp.int32, 16)
    lane0 = lanes == 0
    chunk_base = s * np.int32(CHUNK)

    icopy = pltpu.async_copy(x_hbm.at[pl.ds(s * CHUNK, CHUNK)], w, sem)

    zeros16 = jnp.zeros((16,), jnp.float32)

    def zfill(j, _):
        zbuf[pl.ds(j * 16, 16)] = zeros16
        return 0

    lax.fori_loop(0, CHUNK // 16, zfill, 0, unroll=4)
    zcopy = pltpu.async_copy(zbuf, out_hbm.at[pl.ds(s * CHUNK, CHUNK)], zsem)
    icopy.wait()

    neg = jnp.full((16,), NEG_INF, jnp.float32)
    zero = jnp.zeros((16,), jnp.int32)

    def better(a, b):
        av, ai = a
        bv, bi = b
        m = (bv > av) | ((bv == av) & (bi < ai))
        return jnp.where(m, bv, av), jnp.where(m, bi, ai)

    def scan_segment(base):
        def scan_body(q, carry):
            out = []
            for a in range(ILP):
                cmax, cpos = carry[a]
                j = q * ILP + a
                v = w[pl.ds(base + j * 16, 16)]
                m = v > cmax
                out.append((jnp.where(m, v, cmax),
                            jnp.where(m, jnp.full((16,), j, jnp.int32), cpos)))
            return tuple(out)

        acc = lax.fori_loop(0, SEGV // ILP, scan_body, ((neg, zero),) * ILP,
                            unroll=SEGV // ILP)

        def with_idx(a):
            cmax, cpos = a
            return cmax, cpos * 16 + lanes + base + chunk_base

        return functools.reduce(better, [with_idx(acc[a]) for a in range(ILP)])

    pool = [scan_segment(np.int32(g * SEG)) for g in range(NSEG)]

    red = functools.reduce(jnp.maximum, [p[0] for p in pool])
    si[pl.ds(0, 16)] = plsc.bitcast(red, jnp.int32)
    pltpu.sync_copy(si.at[pl.ds(0, 16)], pool_sh.at[pl.ds(s * 16, 16)])
    plsc.subcore_barrier()
    pltpu.sync_copy(pool_sh, mb.at[pl.ds(0, NS * 16)])
    m1 = neg
    m2 = neg
    for r in range(NS):
        v = plsc.bitcast(mb[pl.ds(r * 16, 16)], jnp.float32)
        gt1 = v > m1
        gt2 = v > m2
        m2 = jnp.where(gt1, m1, jnp.where(gt2, v, m2))
        m1 = jnp.where(gt1, v, m1)
    t_bound = jnp.min(m2)

    def lane_set(pair, i, val):
        a, b = pair
        return (jnp.where(lanes == i, val, a),
                jnp.where(lanes == i - 16, val, b))

    def ext_cond(carry):
        i, go, _, _, _ = carry
        return (i < TOP_K) & go

    def ext_body(carry):
        i, _, v01, i01, pool = carry
        red_v, red_i = functools.reduce(better, pool)
        gmax = jnp.max(red_v)
        gidx = jnp.min(jnp.where(red_v == gmax, red_i, BIG_I32))
        pos = gidx - chunk_base
        plsc.store_scatter(w, [jnp.full((16,), pos, jnp.int32)],
                           jnp.full((16,), NEG_INF, jnp.float32), mask=lane0)
        g = lax.shift_right_logical(pos, 8)
        fresh = scan_segment(g * np.int32(SEG))
        pool = tuple(
            (jnp.where(g == r, fresh[0], pool[r][0]),
             jnp.where(g == r, fresh[1], pool[r][1]))
            for r in range(NSEG))
        return (i + 1, gmax >= t_bound, lane_set(v01, i, gmax),
                lane_set(i01, i, gidx), pool)

    init_v = (neg, neg)
    init_i = (jnp.full((16,), -1, jnp.int32),) * 2
    _, _, (av0, av1), (ai0, ai1), _ = lax.while_loop(
        ext_cond, ext_body,
        (np.int32(0), np.True_, init_v, init_i, tuple(pool)))
    cb[pl.ds(0, 16)] = plsc.bitcast(av0, jnp.int32)
    cb[pl.ds(16, 16)] = plsc.bitcast(av1, jnp.int32)
    cb[pl.ds(CAND, 16)] = ai0
    cb[pl.ds(CAND + 16, 16)] = ai1

    pltpu.sync_copy(cb, cb_sh.at[pl.ds(s * (2 * CAND), 2 * CAND)])
    zcopy.wait()
    plsc.subcore_barrier()

    @pl.when(s == 0)
    def _merge_and_scatter():
        pltpu.sync_copy(cb_sh, mb)
        minus1 = jnp.full((16,), -1, jnp.int32)
        si[pl.ds(0, 16)] = minus1
        si[pl.ds(16, 16)] = minus1

        def merge(i, carry):
            ptr = carry
            pos = lanes * (2 * CAND) + ptr
            hv = plsc.bitcast(plsc.load_gather(mb, [pos]), jnp.float32)
            hi = plsc.load_gather(mb, [pos + CAND])
            won = hv == jnp.max(hv)
            wlane = lanes == plsc.all_reduce_ffs(won)
            isplat = jnp.full((16,), i, jnp.int32)
            plsc.store_scatter(sv, [isplat], hv, mask=wlane)
            plsc.store_scatter(si, [isplat], hi, mask=wlane)
            return ptr + jnp.where(wlane, 1, 0).astype(jnp.int32)

        lax.fori_loop(0, TOP_K, merge, zero)
        w0 = sv[pl.ds(0, 16)]
        w1 = sv[pl.ds(16, 16)]
        i0 = si[pl.ds(0, 16)]
        i1 = si[pl.ds(16, 16)]

        at0 = jnp.maximum(jnp.max(jnp.where(i0 == 0, w0, NEG_INF)),
                          jnp.max(jnp.where(i1 == 0, w1, NEG_INF)))
        v0 = jnp.where(at0 == NEG_INF, np.float32(0.0), at0)

        in0 = i0 >= 0
        in1 = i1 >= 0
        sv[pl.ds(0, 16)] = jnp.where(in0, w0, v0)
        sv[pl.ds(16, 16)] = jnp.where(in1, w1, v0)
        si[pl.ds(0, 16)] = jnp.where(in0, i0, 0)
        si[pl.ds(16, 16)] = jnp.where(in1, i1, 0)

        pltpu.async_copy(sv, out_hbm.at[si], sem).wait()


def kernel(score_vector):
    out = _topk_mask_kernel(jnp.reshape(score_vector, (N,)))
    return jnp.reshape(out, (1, N))

# --- scband reference (transcript-rebuilt; emitter-appended) ---
"""Pipeline reference for scband-top-kgroup-17781164606014 (READ-ONLY COPY).

The authoritative reference and input builder live on the scoring server;
editing this copy changes nothing except your own understanding.
"""

import jax, jax.numpy as jnp
import numpy as np

TOP_K = 25

def setup_inputs(seed: int = 0) -> dict:
    key = jax.random.key(seed)
    score_vector = jax.random.normal(key, (1, 32768), dtype=jnp.float32)
    return {"score_vector": score_vector}

def reference(score_vector):
    n = score_vector.shape[-1]
    k = min(TOP_K, n)
    _, top_k_indices = jax.lax.top_k(score_vector, k)
    top_k_indices = jnp.squeeze(top_k_indices, axis=0)
    mask = jnp.zeros((n,), dtype=score_vector.dtype)
    mask = mask.at[top_k_indices].set(1.0)
    mask = mask[None, :]
    return score_vector * mask

if __name__ == "__main__":
    import jax
    _d = setup_inputs()
    print(jax.jit(kernel)(*tuple(_d.values())))

</pallas_src>

<mosaic_0001>
#map = affine_map<(d0, d1) -> (0)>
module attributes {stable_mosaic.version = 14 : i64} {
  func.func @_topk_mask_kernel(%arg0: i32, %arg1: i32, %arg2: memref<32768xf32, #tpu.memory_space<hbm>>, %arg3: memref<32768xf32, #tpu.memory_space<hbm>>, %arg4: memref<2048xf32, #tpu.memory_space<vmem>>, %arg5: memref<2048xf32, #tpu.memory_space<vmem>>, %arg6: memref<64xi32, #tpu.memory_space<vmem>>, %arg7: memref<1024xi32, #tpu.memory_space<vmem>>, %arg8: memref<32xf32, #tpu.memory_space<vmem>>, %arg9: memref<32xi32, #tpu.memory_space<vmem>>, %arg10: memref<1024xi32, #tpu.memory_space<vmem_shared>>, %arg11: memref<256xi32, #tpu.memory_space<vmem_shared>>, %arg12: memref<!tpu.dma_semaphore, #tpu.memory_space<semaphore_mem>>, %arg13: memref<!tpu.dma_semaphore, #tpu.memory_space<semaphore_mem>>) attributes {dimension_semantics = [#tpu.dimension_semantics<core_parallel>, #tpu.dimension_semantics<subcore_parallel>], iteration_bounds = array<i64: 1, 16>, scalar_prefetch = 0 : i64, scratch_operands = 10 : i64, tpu.core_type = #tpu.core_type<sc_vector_subcore>, window_params = [{transform_indices = #map}, {transform_indices = #map}]} {
    %iota3A = tpu.iota {dimensions = array<i32: 0>} : vector<16xi32>
    %eq3A = arith.constant 0 : i32
    %eq3A_0 = vector.broadcast %eq3A : i32 to vector<16xi32>
    %eq3A_1 = arith.cmpi eq, %iota3A, %eq3A_0 : vector<16xi32>
    %mul3A = arith.constant 2048 : i32
    %mul3A_2 = arith.muli %arg1, %mul3A : i32
    %mul3A_3 = arith.constant 2048 : i32
    %mul3A_4 = arith.muli %arg1, %mul3A_3 : i32
    %dma_start3A = tpu.memref_slice %arg2[%mul3A_4] : memref<32768xf32, #tpu.memory_space<hbm>> -> memref<2048xf32, #tpu.memory_space<hbm>>
    %dma_start3A_5 = tpu.memref_slice %arg2[%mul3A_4] : memref<32768xf32, #tpu.memory_space<hbm>> -> memref<2048xf32, #tpu.memory_space<hbm>>
    tpu.enqueue_dma source(%dma_start3A_5 : memref<2048xf32, #tpu.memory_space<hbm>>) target(%arg4 : memref<2048xf32, #tpu.memory_space<vmem>>) target_semaphore(%arg12 : memref<!tpu.dma_semaphore, #tpu.memory_space<semaphore_mem>>)
    %broadcast_in_dim3A = arith.constant 0.000000e+00 : f32
    %broadcast_in_dim3A_6 = vector.broadcast %broadcast_in_dim3A : f32 to vector<16xf32>
    %scan3A = arith.constant 0 : i32
    %scan3A_7 = arith.constant 0 : i32
    %scan3A_8 = arith.constant 128 : i32
    %scan3A_9 = arith.addi %scan3A_7, %scan3A_8 : i32
    %scan3A_10 = arith.constant 4 : i32
    %scan3A_11 = scf.for %scan3A_2465 = %scan3A_7 to %scan3A_9 step %scan3A_10 iter_args(%scan3A_2466 = %scan3A) -> (i32)  : i32 {
      %mul3A_2467 = arith.constant 16 : i32
      %mul3A_2468 = arith.muli %scan3A_2465, %mul3A_2467 : i32
      %swap3A_2469 = arith.index_cast %mul3A_2468 : i32 to index
      %swap3A_2470 = tpu.vector_load %arg5[%swap3A_2469] {strides = array<i32>} : memref<2048xf32, #tpu.memory_space<vmem>>, vector<16xf32>,
      tpu.vector_store %arg5[%swap3A_2469], %broadcast_in_dim3A_6 {strides = array<i32>} : memref<2048xf32, #tpu.memory_space<vmem>>, vector<16xf32>,
      %scan3A_2471 = arith.constant 0 : i32
      %scan3A_2472 = arith.constant 1 : i32
      %scan3A_2473 = arith.addi %scan3A_2465, %scan3A_2472 : i32
      %mul3A_2474 = arith.constant 16 : i32
      %mul3A_2475 = arith.muli %scan3A_2473, %mul3A_2474 : i32
      %swap3A_2476 = arith.index_cast %mul3A_2475 : i32 to index
      %swap3A_2477 = tpu.vector_load %arg5[%swap3A_2476] {strides = array<i32>} : memref<2048xf32, #tpu.memory_space<vmem>>, vector<16xf32>,
      tpu.vector_store %arg5[%swap3A_2476], %broadcast_in_dim3A_6 {strides = array<i32>} : memref<2048xf32, #tpu.memory_space<vmem>>, vector<16xf32>,
      %scan3A_2478 = arith.constant 0 : i32
      %scan3A_2479 = arith.constant 2 : i32
      %scan3A_2480 = arith.addi %scan3A_2465, %scan3A_2479 : i32
      %mul3A_2481 = arith.constant 16 : i32
      %mul3A_2482 = arith.muli %scan3A_2480, %mul3A_2481 : i32
      %swap3A_2483 = arith.index_cast %mul3A_2482 : i32 to index
      %swap3A_2484 = tpu.vector_load %arg5[%swap3A_2483] {strides = array<i32>} : memref<2048xf32, #tpu.memory_space<vmem>>, vector<16xf32>,
      tpu.vector_store %arg5[%swap3A_2483], %broadcast_in_dim3A_6 {strides = array<i32>} : memref<2048xf32, #tpu.memory_space<vmem>>, vector<16xf32>,
      %scan3A_2485 = arith.constant 0 : i32
      %scan3A_2486 = arith.constant 3 : i32
      %scan3A_2487 = arith.addi %scan3A_2465, %scan3A_2486 : i32
      %mul3A_2488 = arith.constant 16 : i32
      %mul3A_2489 = arith.muli %scan3A_2487, %mul3A_2488 : i32
      %swap3A_2490 = arith.index_cast %mul3A_2489 : i32 to index
      %swap3A_2491 = tpu.vector_load %arg5[%swap3A_2490] {strides = array<i32>} : memref<2048xf32, #tpu.memory_space<vmem>>, vector<16xf32>,
      tpu.vector_store %arg5[%swap3A_2490], %broadcast_in_dim3A_6 {strides = array<i32>} : memref<2048xf32, #tpu.memory_space<vmem>>, vector<16xf32>,
      %scan3A_2492 = arith.constant 0 : i32
      scf.yield %scan3A_2492 : i32
    }
    %scan3A_12 = arith.constant 128 : i32
    %mul3A_13 = arith.constant 2048 : i32
    %mul3A_14 = arith.muli %arg1, %mul3A_13 : i32
    %dma_start3A_15 = tpu.memref_slice %arg3[%mul3A_14] : memref<32768xf32, #tpu.memory_space<hbm>> -> memref<2048xf32, #tpu.memory_space<hbm>>
    %dma_start3A_16 = tpu.memref_slice %arg3[%mul3A_14] : memref<32768xf32, #tpu.memory_space<hbm>> -> memref<2048xf32, #tpu.memory_space<hbm>>
    tpu.enqueue_dma source(%arg5 : memref<2048xf32, #tpu.memory_space<vmem>>) target(%dma_start3A_16 : memref<2048xf32, #tpu.memory_space<hbm>>) target_semaphore(%arg13 : memref<!tpu.dma_semaphore, #tpu.memory_space<semaphore_mem>>)
    %dma_wait3A = tpu.memref_slice %arg2[%mul3A_4] : memref<32768xf32, #tpu.memory_space<hbm>> -> memref<2048xf32, #tpu.memory_space<hbm>>
    %dma_wait3A_17 = tpu.memref_slice %arg2[%mul3A_4] : memref<32768xf32, #tpu.memory_space<hbm>> -> memref<2048xf32, #tpu.memory_space<hbm>>
    tpu.wait_dma2 semaphore(%arg12 : memref<!tpu.dma_semaphore, #tpu.memory_space<semaphore_mem>>) src(%dma_wait3A_17 : memref<2048xf32, #tpu.memory_space<hbm>>) dst(%arg4 : memref<2048xf32, #tpu.memory_space<vmem>>)
    %broadcast_in_dim3A_18 = arith.constant 0xFF800000 : f32
    %broadcast_in_dim3A_19 = vector.broadcast %broadcast_in_dim3A_18 : f32 to vector<16xf32>
    %broadcast_in_dim3A_20 = arith.constant 0 : i32
    %broadcast_in_dim3A_21 = vector.broadcast %broadcast_in_dim3A_20 : i32 to vector<16xi32>
    %scan3A_22 = arith.constant 0 : i32
    %mul3A_23 = arith.constant 4 : i32
    %mul3A_24 = arith.muli %scan3A_22, %mul3A_23 : i32
    %add3A = arith.constant 0 : i32
    %add3A_25 = arith.addi %mul3A_24, %add3A : i32
    %mul3A_26 = arith.constant 16 : i32
    %mul3A_27 = arith.muli %add3A_25, %mul3A_26 : i32
    %add3A_28 = arith.constant 0 : i32
    %add3A_29 = arith.addi %add3A_28, %mul3A_27 : i32
    %get3A = arith.index_cast %add3A_29 : i32 to index
    %get3A_30 = tpu.vector_load %arg4[%get3A] {strides = array<i32>} : memref<2048xf32, #tpu.memory_space<vmem>>, vector<16xf32>,
    %gt3A = arith.cmpf ogt, %get3A_30, %broadcast_in_dim3A_19 : vector<16xf32>
    %select_n3A = arith.select %gt3A, %get3A_30, %broadcast_in_dim3A_19 : vector<16xi1>, vector<16xf32>
    %broadcast_in_dim3A_31 = vector.broadcast %add3A_25 : i32 to vector<16xi32>
    %select_n3A_32 = arith.select %gt3A, %broadcast_in_dim3A_31, %broadcast_in_dim3A_21 : vector<16xi1>, vector<16xi32>
    %mul3A_33 = arith.constant 4 : i32
    %mul3A_34 = arith.muli %scan3A_22, %mul3A_33 : i32
    %add3A_35 = arith.constant 1 : i32
    %add3A_36 = arith.addi %mul3A_34, %add3A_35 : i32
    %mul3A_37 = arith.constant 16 : i32
    %mul3A_38 = arith.muli %add3A_36, %mul3A_37 : i32
    %add3A_39 = arith.constant 0 : i32
    %add3A_40 = arith.addi %add3A_39, %mul3A_38 : i32
    %get3A_41 = arith.index_cast %add3A_40 : i32 to index
    %get3A_42 = tpu.vector_load %arg4[%get3A_41] {strides = array<i32>} : memref<2048xf32, #tpu.memory_space<vmem>>, vector<16xf32>,
    %gt3A_43 = arith.cmpf ogt, %get3A_42, %broadcast_in_dim3A_19 : vector<16xf32>
    %select_n3A_44 = arith.select %gt3A_43, %get3A_42, %broadcast_in_dim3A_19 : vector<16xi1>, vector<16xf32>
    %broadcast_in_dim3A_45 = vector.broadcast %add3A_36 : i32 to vector<16xi32>
    %select_n3A_46 = arith.select %gt3A_43, %broadcast_in_dim3A_45, %broadcast_in_dim3A_21 : vector<16xi1>, vector<16xi32>
    %mul3A_47 = arith.constant 4 : i32
    %mul3A_48 = arith.muli %scan3A_22, %mul3A_47 : i32
    %add3A_49 = arith.constant 2 : i32
    %add3A_50 = arith.addi %mul3A_48, %add3A_49 : i32
    %mul3A_51 = arith.constant 16 : i32
    %mul3A_52 = arith.muli %add3A_50, %mul3A_51 : i32
    %add3A_53 = arith.constant 0 : i32
    %add3A_54 = arith.addi %add3A_53, %mul3A_52 : i32
    %get3A_55 = arith.index_cast %add3A_54 : i32 to index
    %get3A_56 = tpu.vector_load %arg4[%get3A_55] {strides = array<i32>} : memref<2048xf32, #tpu.memory_space<vmem>>, vector<16xf32>,
    %gt3A_57 = arith.cmpf ogt, %get3A_56, %broadcast_in_dim3A_19 : vector<16xf32>
    %select_n3A_58 = arith.select %gt3A_57, %get3A_56, %broadcast_in_dim3A_19 : vector<16xi1>, vector<16xf32>
    %broadcast_in_dim3A_59 = vector.broadcast %add3A_50 : i32 to vector<16xi32>
    %select_n3A_60 = arith.select %gt3A_57, %broadcast_in_dim3A_59, %broadcast_in_dim3A_21 : vector<16xi1>, vector<16xi32>
    %mul3A_61 = arith.constant 4 : i32
    %mul3A_62 = arith.muli %scan3A_22, %mul3A_61 : i32
    %add3A_63 = arith.constant 3 : i32
    %add3A_64 = arith.addi %mul3A_62, %add3A_63 : i32
    %mul3A_65 = arith.constant 16 : i32
    %mul3A_66 = arith.muli %add3A_64, %mul3A_65 : i32
    %add3A_67 = arith.constant 0 : i32
    %add3A_68 = arith.addi %add3A_67, %mul3A_66 : i32
    %get3A_69 = arith.index_cast %add3A_68 : i32 to index
    %get3A_70 = tpu.vector_load %arg4[%get3A_69] {strides = array<i32>} : memref<2048xf32, #tpu.memory_space<vmem>>, vector<16xf32>,
    %gt3A_71 = arith.cmpf ogt, %get3A_70, %broadcast_in_dim3A_19 : vector<16xf32>
    %select_n3A_72 = arith.select %gt3A_71, %get3A_70, %broadcast_in_dim3A_19 : vector<16xi1>, vector<16xf32>
    %broadcast_in_dim3A_73 = vector.broadcast %add3A_64 : i32 to vector<16xi32>
    %select_n3A_74 = arith.select %gt3A_71, %broadcast_in_dim3A_73, %broadcast_in_dim3A_21 : vector<16xi1>, vector<16xi32>
    %scan3A_75 = arith.constant 1 : i32
    %mul3A_76 = arith.constant 4 : i32
    %mul3A_77 = arith.muli %scan3A_75, %mul3A_76 : i32
    %add3A_78 = arith.constant 0 : i32
    %add3A_79 = arith.addi %mul3A_77, %add3A_78 : i32
    %mul3A_80 = arith.constant 16 : i32
    %mul3A_81 = arith.muli %add3A_79, %mul3A_80 : i32
    %add3A_82 = arith.constant 0 : i32
    %add3A_83 = arith.addi %add3A_82, %mul3A_81 : i32
    %get3A_84 = arith.index_cast %add3A_83 : i32 to index
    %get3A_85 = tpu.vector_load %arg4[%get3A_84] {strides = array<i32>} : memref<2048xf32, #tpu.memory_space<vmem>>, vector<16xf32>,
    %gt3A_86 = arith.cmpf ogt, %get3A_85, %select_n3A : vector<16xf32>
    %select_n3A_87 = arith.select %gt3A_86, %get3A_85, %select_n3A : vector<16xi1>, vector<16xf32>
    %broadcast_in_dim3A_88 = vector.broadcast %add3A_79 : i32 to vector<16xi32>
    %select_n3A_89 = arith.select %gt3A_86, %broadcast_in_dim3A_88, %select_n3A_32 : vector<16xi1>, vector<16xi32>
    %mul3A_90 = arith.constant 4 : i32
    %mul3A_91 = arith.muli %scan3A_75, %mul3A_90 : i32
    %add3A_92 = arith.constant 1 : i32
    %add3A_93 = arith.addi %mul3A_91, %add3A_92 : i32
    %mul3A_94 = arith.constant 16 : i32
    %mul3A_95 = arith.muli %add3A_93, %mul3A_94 : i32
    %add3A_96 = arith.constant 0 : i32
    %add3A_97 = arith.addi %add3A_96, %mul3A_95 : i32
    %get3A_98 = arith.index_cast %add3A_97 : i32 to index
    %get3A_99 = tpu.vector_load %arg4[%get3A_98] {strides = array<i32>} : memref<2048xf32, #tpu.memory_space<vmem>>, vector<16xf32>,
    %gt3A_100 = arith.cmpf ogt, %get3A_99, %select_n3A_44 : vector<16xf32>
    %select_n3A_101 = arith.select %gt3A_100, %get3A_99, %select_n3A_44 : vector<16xi1>, vector<16xf32>
    %broadcast_in_dim3A_102 = vector.broadcast %add3A_93 : i32 to vector<16xi32>
    %select_n3A_103 = arith.select %gt3A_100, %broadcast_in_dim3A_102, %select_n3A_46 : vector<16xi1>, vector<16xi32>
    %mul3A_104 = arith.constant 4 : i32
    %mul3A_105 = arith.muli %scan3A_75, %mul3A_104 : i32
    %add3A_106 = arith.constant 2 : i32
    %add3A_107 = arith.addi %mul3A_105, %add3A_106 : i32
    %mul3A_108 = arith.constant 16 : i32
    %mul3A_109 = arith.muli %add3A_107, %mul3A_108 : i32
    %add3A_110 = arith.constant 0 : i32
    %add3A_111 = arith.addi %add3A_110, %mul3A_109 : i32
    %get3A_112 = arith.index_cast %add3A_111 : i32 to index
    %get3A_113 = tpu.vector_load %arg4[%get3A_112] {strides = array<i32>} : memref<2048xf32, #tpu.memory_space<vmem>>, vector<16xf32>,
    %gt3A_114 = arith.cmpf ogt, %get3A_113, %select_n3A_58 : vector<16xf32>
    %select_n3A_115 = arith.select %gt3A_114, %get3A_113, %select_n3A_58 : vector<16xi1>, vector<16xf32>
    %broadcast_in_dim3A_116 = vector.broadcast %add3A_107 : i32 to vector<16xi32>
    %select_n3A_117 = arith.select %gt3A_114, %broadcast_in_dim3A_116, %select_n3A_60 : vector<16xi1>, vector<16xi32>
    %mul3A_118 = arith.constant 4 : i32
    %mul3A_119 = arith.muli %scan3A_75, %mul3A_118 : i32
    %add3A_120 = arith.constant 3 : i32
    %add3A_121 = arith.addi %mul3A_119, %add3A_120 : i32
    %mul3A_122 = arith.constant 16 : i32
    %mul3A_123 = arith.muli %add3A_121, %mul3A_122 : i32
    %add3A_124 = arith.constant 0 : i32
    %add3A_125 = arith.addi %add3A_124, %mul3A_123 : i32
    %get3A_126 = arith.index_cast %add3A_125 : i32 to index
    %get3A_127 = tpu.vector_load %arg4[%get3A_126] {strides = array<i32>} : memref<2048xf32, #tpu.memory_space<vmem>>, vector<16xf32>,
    %gt3A_128 = arith.cmpf ogt, %get3A_127, %select_n3A_72 : vector<16xf32>
    %select_n3A_129 = arith.select %gt3A_128, %get3A_127, %select_n3A_72 : vector<16xi1>, vector<16xf32>
    %broadcast_in_dim3A_130 = vector.broadcast %add3A_121 : i32 to vector<16xi32>
    %select_n3A_131 = arith.select %gt3A_128, %broadcast_in_dim3A_130, %select_n3A_74 : vector<16xi1>, vector<16xi32>
    %scan3A_132 = arith.constant 2 : i32
    %mul3A_133 = arith.constant 4 : i32
    %mul3A_134 = arith.muli %scan3A_132, %mul3A_133 : i32
    %add3A_135 = arith.constant 0 : i32
    %add3A_136 = arith.addi %mul3A_134, %add3A_135 : i32
    %mul3A_137 = arith.constant 16 : i32
    %mul3A_138 = arith.muli %add3A_136, %mul3A_137 : i32
    %add3A_139 = arith.constant 0 : i32
    %add3A_140 = arith.addi %add3A_139, %mul3A_138 : i32
    %get3A_141 = arith.index_cast %add3A_140 : i32 to index
    %get3A_142 = tpu.vector_load %arg4[%get3A_141] {strides = array<i32>} : memref<2048xf32, #tpu.memory_space<vmem>>, vector<16xf32>,
    %gt3A_143 = arith.cmpf ogt, %get3A_142, %select_n3A_87 : vector<16xf32>
    %select_n3A_144 = arith.select %gt3A_143, %get3A_142, %select_n3A_87 : vector<16xi1>, vector<16xf32>
    %broadcast_in_dim3A_145 = vector.broadcast %add3A_136 : i32 to vector<16xi32>
    %select_n3A_146 = arith.select %gt3A_143, %broadcast_in_dim3A_145, %select_n3A_89 : vector<16xi1>, vector<16xi32>
    %mul3A_147 = arith.constant 4 : i32
    %mul3A_148 = arith.muli %scan3A_132, %mul3A_147 : i32
    %add3A_149 = arith.constant 1 : i32
    %add3A_150 = arith.addi %mul3A_148, %add3A_149 : i32
    %mul3A_151 = arith.constant 16 : i32
    %mul3A_152 = arith.muli %add3A_150, %mul3A_151 : i32
    %add3A_153 = arith.constant 0 : i32
    %add3A_154 = arith.addi %add3A_153, %mul3A_152 : i32
    %get3A_155 = arith.index_cast %add3A_154 : i32 to index
    %get3A_156 = tpu.vector_load %arg4[%get3A_155] {strides = array<i32>} : memref<2048xf32, #tpu.memory_space<vmem>>, vector<16xf32>,
    %gt3A_157 = arith.cmpf ogt, %get3A_156, %select_n3A_101 : vector<16xf32>
    %select_n3A_158 = arith.select %gt3A_157, %get3A_156, %select_n3A_101 : vector<16xi1>, vector<16xf32>
    %broadcast_in_dim3A_159 = vector.broadcast %add3A_150 : i32 to vector<16xi32>
    %select_n3A_160 = arith.select %gt3A_157, %broadcast_in_dim3A_159, %select_n3A_103 : vector<16xi1>, vector<16xi32>
    %mul3A_161 = arith.constant 4 : i32
    %mul3A_162 = arith.muli %scan3A_132, %mul3A_161 : i32
    %add3A_163 = arith.constant 2 : i32
    %add3A_164 = arith.addi %mul3A_162, %add3A_163 : i32
    %mul3A_165 = arith.constant 16 : i32
    %mul3A_166 = arith.muli %add3A_164, %mul3A_165 : i32
    %add3A_167 = arith.constant 0 : i32
    %add3A_168 = arith.addi %add3A_167, %mul3A_166 : i32
    %get3A_169 = arith.index_cast %add3A_168 : i32 to index
    %get3A_170 = tpu.vector_load %arg4[%get3A_169] {strides = array<i32>} : memref<2048xf32, #tpu.memory_space<vmem>>, vector<16xf32>,
    %gt3A_171 = arith.cmpf ogt, %get3A_170, %select_n3A_115 : vector<16xf32>
    %select_n3A_172 = arith.select %gt3A_171, %get3A_170, %select_n3A_115 : vector<16xi1>, vector<16xf32>
    %broadcast_in_dim3A_173 = vector.broadcast %add3A_164 : i32 to vector<16xi32>
    %select_n3A_174 = arith.select %gt3A_171, %broadcast_in_dim3A_173, %select_n3A_117 : vector<16xi1>, vector<16xi32>
    %mul3A_175 = arith.constant 4 : i32
    %mul3A_176 = arith.muli %scan3A_132, %mul3A_175 : i32
    %add3A_177 = arith.constant 3 : i32
    %add3A_178 = arith.addi %mul3A_176, %add3A_177 : i32
    %mul3A_179 = arith.constant 16 : i32
    %mul3A_180 = arith.muli %add3A_178, %mul3A_179 : i32
    %add3A_181 = arith.constant 0 : i32
    %add3A_182 = arith.addi %add3A_181, %mul3A_180 : i32
    %get3A_183 = arith.index_cast %add3A_182 : i32 to index
    %get3A_184 = tpu.vector_load %arg4[%get3A_183] {strides = array<i32>} : memref<2048xf32, #tpu.memory_space<vmem>>, vector<16xf32>,
    %gt3A_185 = arith.cmpf ogt, %get3A_184, %select_n3A_129 : vector<16xf32>
    %select_n3A_186 = arith.select %gt3A_185, %get3A_184, %select_n3A_129 : vector<16xi1>, vector<16xf32>
    %broadcast_in_dim3A_187 = vector.broadcast %add3A_178 : i32 to vector<16xi32>
    %select_n3A_188 = arith.select %gt3A_185, %broadcast_in_dim3A_187, %select_n3A_131 : vector<16xi1>, vector<16xi32>
    %scan3A_189 = arith.constant 3 : i32
    %mul3A_190 = arith.constant 4 : i32
    %mul3A_191 = arith.muli %scan3A_189, %mul3A_190 : i32
    %add3A_192 = arith.constant 0 : i32
    %add3A_193 = arith.addi %mul3A_191, %add3A_192 : i32
    %mul3A_194 = arith.constant 16 : i32
    %mul3A_195 = arith.muli %add3A_193, %mul3A_194 : i32
    %add3A_196 = arith.constant 0 : i32
    %add3A_197 = arith.addi %add3A_196, %mul3A_195 : i32
    %get3A_198 = arith.index_cast %add3A_197 : i32 to index
    %get3A_199 = tpu.vector_load %arg4[%get3A_198] {strides = array<i32>} : memref<2048xf32, #tpu.memory_space<vmem>>, vector<16xf32>,
    %gt3A_200 = arith.cmpf ogt, %get3A_199, %select_n3A_144 : vector<16xf32>
    %select_n3A_201 = arith.select %gt3A_200, %get3A_199, %select_n3A_144 : vector<16xi1>, vector<16xf32>
    %broadcast_in_dim3A_202 = vector.broadcast %add3A_193 : i32 to vector<16xi32>
    %select_n3A_203 = arith.select %gt3A_200, %broadcast_in_dim3A_202, %select_n3A_146 : vector<16xi1>, vector<16xi32>
    %mul3A_204 = arith.constant 4 : i32
    %mul3A_205 = arith.muli %scan3A_189, %mul3A_204 : i32
    %add3A_206 = arith.constant 1 : i32
    %add3A_207 = arith.addi %mul3A_205, %add3A_206 : i32
    %mul3A_208 = arith.constant 16 : i32
    %mul3A_209 = arith.muli %add3A_207, %mul3A_208 : i32
    %add3A_210 = arith.constant 0 : i32
    %add3A_211 = arith.addi %add3A_210, %mul3A_209 : i32
    %get3A_212 = arith.index_cast %add3A_211 : i32 to index
    %get3A_213 = tpu.vector_load %arg4[%get3A_212] {strides = array<i32>} : memref<2048xf32, #tpu.memory_space<vmem>>, vector<16xf32>,
    %gt3A_214 = arith.cmpf ogt, %get3A_213, %select_n3A_158 : vector<16xf32>
    %select_n3A_215 = arith.select %gt3A_214, %get3A_213, %select_n3A_158 : vector<16xi1>, vector<16xf32>
    %broadcast_in_dim3A_216 = vector.broadcast %add3A_207 : i32 to vector<16xi32>
    %select_n3A_217 = arith.select %gt3A_214, %broadcast_in_dim3A_216, %select_n3A_160 : vector<16xi1>, vector<16xi32>
    %mul3A_218 = arith.constant 4 : i32
    %mul3A_219 = arith.muli %scan3A_189, %mul3A_218 : i32
    %add3A_220 = arith.constant 2 : i32
    %add3A_221 = arith.addi %mul3A_219, %add3A_220 : i32
    %mul3A_222 = arith.constant 16 : i32
    %mul3A_223 = arith.muli %add3A_221, %mul3A_222 : i32
    %add3A_224 = arith.constant 0 : i32
    %add3A_225 = arith.addi %add3A_224, %mul3A_223 : i32
    %get3A_226 = arith.index_cast %add3A_225 : i32 to index
    %get3A_227 = tpu.vector_load %arg4[%get3A_226] {strides = array<i32>} : memref<2048xf32, #tpu.memory_space<vmem>>, vector<16xf32>,
    %gt3A_228 = arith.cmpf ogt, %get3A_227, %select_n3A_172 : vector<16xf32>
    %select_n3A_229 = arith.select %gt3A_228, %get3A_227, %select_n3A_172 : vector<16xi1>, vector<16xf32>
    %broadcast_in_dim3A_230 = vector.broadcast %add3A_221 : i32 to vector<16xi32>
    %select_n3A_231 = arith.select %gt3A_228, %broadcast_in_dim3A_230, %select_n3A_174 : vector<16xi1>, vector<16xi32>
    %mul3A_232 = arith.constant 4 : i32
    %mul3A_233 = arith.muli %scan3A_189, %mul3A_232 : i32
    %add3A_234 = arith.constant 3 : i32
    %add3A_235 = arith.addi %mul3A_233, %add3A_234 : i32
    %mul3A_236 = arith.constant 16 : i32
    %mul3A_237 = arith.muli %add3A_235, %mul3A_236 : i32
    %add3A_238 = arith.constant 0 : i32
    %add3A_239 = arith.addi %add3A_238, %mul3A_237 : i32
    %get3A_240 = arith.index_cast %add3A_239 : i32 to index
    %get3A_241 = tpu.vector_load %arg4[%get3A_240] {strides = array<i32>} : memref<2048xf32, #tpu.memory_space<vmem>>, vector<16xf32>,
    %gt3A_242 = arith.cmpf ogt, %get3A_241, %select_n3A_186 : vector<16xf32>
    %select_n3A_243 = arith.select %gt3A_242, %get3A_241, %select_n3A_186 : vector<16xi1>, vector<16xf32>
    %broadcast_in_dim3A_244 = vector.broadcast %add3A_235 : i32 to vector<16xi32>
    %select_n3A_245 = arith.select %gt3A_242, %broadcast_in_dim3A_244, %select_n3A_188 : vector<16xi1>, vector<16xi32>
    %scan3A_246 = arith.constant 4 : i32
    %mul3A_247 = arith.constant 16 : i32
    %mul3A_248 = vector.broadcast %mul3A_247 : i32 to vector<16xi32>
    %mul3A_249 = arith.muli %select_n3A_203, %mul3A_248 : vector<16xi32>
    %add3A_250 = arith.addi %mul3A_249, %iota3A : vector<16xi32>
    %add3A_251 = arith.constant 0 : i32
    %add3A_252 = vector.broadcast %add3A_251 : i32 to vector<16xi32>
    %add3A_253 = arith.addi %add3A_250, %add3A_252 : vector<16xi32>
    %add3A_254 = vector.broadcast %mul3A_2 : i32 to vector<16xi32>
    %add3A_255 = arith.addi %add3A_253, %add3A_254 : vector<16xi32>
    %mul3A_256 = arith.constant 16 : i32
    %mul3A_257 = vector.broadcast %mul3A_256 : i32 to vector<16xi32>
    %mul3A_258 = arith.muli %select_n3A_217, %mul3A_257 : vector<16xi32>
    %add3A_259 = arith.addi %mul3A_258, %iota3A : vector<16xi32>
    %add3A_260 = arith.constant 0 : i32
    %add3A_261 = vector.broadcast %add3A_260 : i32 to vector<16xi32>
    %add3A_262 = arith.addi %add3A_259, %add3A_261 : vector<16xi32>
    %add3A_263 = vector.broadcast %mul3A_2 : i32 to vector<16xi32>
    %add3A_264 = arith.addi %add3A_262, %add3A_263 : vector<16xi32>
    %mul3A_265 = arith.constant 16 : i32
    %mul3A_266 = vector.broadcast %mul3A_265 : i32 to vector<16xi32>
    %mul3A_267 = arith.muli %select_n3A_231, %mul3A_266 : vector<16xi32>
    %add3A_268 = arith.addi %mul3A_267, %iota3A : vector<16xi32>
    %add3A_269 = arith.constant 0 : i32
    %add3A_270 = vector.broadcast %add3A_269 : i32 to vector<16xi32>
    %add3A_271 = arith.addi %add3A_268, %add3A_270 : vector<16xi32>
    %add3A_272 = vector.broadcast %mul3A_2 : i32 to vector<16xi32>
    %add3A_273 = arith.addi %add3A_271, %add3A_272 : vector<16xi32>
    %mul3A_274 = arith.constant 16 : i32
    %mul3A_275 = vector.broadcast %mul3A_274 : i32 to vector<16xi32>
    %mul3A_276 = arith.muli %select_n3A_245, %mul3A_275 : vector<16xi32>
    %add3A_277 = arith.addi %mul3A_276, %iota3A : vector<16xi32>
    %add3A_278 = arith.constant 0 : i32
    %add3A_279 = vector.broadcast %add3A_278 : i32 to vector<16xi32>
    %add3A_280 = arith.addi %add3A_277, %add3A_279 : vector<16xi32>
    %add3A_281 = vector.broadcast %mul3A_2 : i32 to vector<16xi32>
    %add3A_282 = arith.addi %add3A_280, %add3A_281 : vector<16xi32>
    %gt3A_283 = arith.cmpf ogt, %select_n3A_215, %select_n3A_201 : vector<16xf32>
    %eq3A_284 = arith.cmpf oeq, %select_n3A_215, %select_n3A_201 : vector<16xf32>
    %lt3A = arith.cmpi slt, %add3A_264, %add3A_255 : vector<16xi32>
    %and3A = arith.andi %eq3A_284, %lt3A : vector<16xi1>
    %or3A = arith.ori %gt3A_283, %and3A : vector<16xi1>
    %select_n3A_285 = arith.select %or3A, %select_n3A_215, %select_n3A_201 : vector<16xi1>, vector<16xf32>
    %select_n3A_286 = arith.select %or3A, %add3A_264, %add3A_255 : vector<16xi1>, vector<16xi32>
    %gt3A_287 = arith.cmpf ogt, %select_n3A_229, %select_n3A_285 : vector<16xf32>
    %eq3A_288 = arith.cmpf oeq, %select_n3A_229, %select_n3A_285 : vector<16xf32>
    %lt3A_289 = arith.cmpi slt, %add3A_273, %select_n3A_286 : vector<16xi32>
    %and3A_290 = arith.andi %eq3A_288, %lt3A_289 : vector<16xi1>
    %or3A_291 = arith.ori %gt3A_287, %and3A_290 : vector<16xi1>
    %select_n3A_292 = arith.select %or3A_291, %select_n3A_229, %select_n3A_285 : vector<16xi1>, vector<16xf32>
    %select_n3A_293 = arith.select %or3A_291, %add3A_273, %select_n3A_286 : vector<16xi1>, vector<16xi32>
    %gt3A_294 = arith.cmpf ogt, %select_n3A_243, %select_n3A_292 : vector<16xf32>
    %eq3A_295 = arith.cmpf oeq, %select_n3A_243, %select_n3A_292 : vector<16xf32>
    %lt3A_296 = arith.cmpi slt, %add3A_282, %select_n3A_293 : vector<16xi32>
    %and3A_297 = arith.andi %eq3A_295, %lt3A_296 : vector<16xi1>
    %or3A_298 = arith.ori %gt3A_294, %and3A_297 : vector<16xi1>
    %select_n3A_299 = arith.select %or3A_298, %select_n3A_243, %select_n3A_292 : vector<16xi1>, vector<16xf32>
    %select_n3A_300 = arith.select %or3A_298, %add3A_282, %select_n3A_293 : vector<16xi1>, vector<16xi32>
    %scan3A_301 = arith.constant 0 : i32
    %mul3A_302 = arith.constant 4 : i32
    %mul3A_303 = arith.muli %scan3A_301, %mul3A_302 : i32
    %add3A_304 = arith.constant 0 : i32
    %add3A_305 = arith.addi %mul3A_303, %add3A_304 : i32
    %mul3A_306 = arith.constant 16 : i32
    %mul3A_307 = arith.muli %add3A_305, %mul3A_306 : i32
    %add3A_308 = arith.constant 256 : i32
    %add3A_309 = arith.addi %add3A_308, %mul3A_307 : i32
    %get3A_310 = arith.index_cast %add3A_309 : i32 to index
    %get3A_311 = tpu.vector_load %arg4[%get3A_310] {strides = array<i32>} : memref<2048xf32, #tpu.memory_space<vmem>>, vector<16xf32>,
    %gt3A_312 = arith.cmpf ogt, %get3A_311, %broadcast_in_dim3A_19 : vector<16xf32>
    %select_n3A_313 = arith.select %gt3A_312, %get3A_311, %broadcast_in_dim3A_19 : vector<16xi1>, vector<16xf32>
    %broadcast_in_dim3A_314 = vector.broadcast %add3A_305 : i32 to vector<16xi32>
    %select_n3A_315 = arith.select %gt3A_312, %broadcast_in_dim3A_314, %broadcast_in_dim3A_21 : vector<16xi1>, vector<16xi32>
    %mul3A_316 = arith.constant 4 : i32
    %mul3A_317 = arith.muli %scan3A_301, %mul3A_316 : i32
    %add3A_318 = arith.constant 1 : i32
    %add3A_319 = arith.addi %mul3A_317, %add3A_318 : i32
    %mul3A_320 = arith.constant 16 : i32
    %mul3A_321 = arith.muli %add3A_319, %mul3A_320 : i32
    %add3A_322 = arith.constant 256 : i32
    %add3A_323 = arith.addi %add3A_322, %mul3A_321 : i32
    %get3A_324 = arith.index_cast %add3A_323 : i32 to index
    %get3A_325 = tpu.vector_load %arg4[%get3A_324] {strides = array<i32>} : memref<2048xf32, #tpu.memory_space<vmem>>, vector<16xf32>,
    %gt3A_326 = arith.cmpf ogt, %get3A_325, %broadcast_in_dim3A_19 : vector<16xf32>
    %select_n3A_327 = arith.select %gt3A_326, %get3A_325, %broadcast_in_dim3A_19 : vector<16xi1>, vector<16xf32>
    %broadcast_in_dim3A_328 = vector.broadcast %add3A_319 : i32 to vector<16xi32>
    %select_n3A_329 = arith.select %gt3A_326, %broadcast_in_dim3A_328, %broadcast_in_dim3A_21 : vector<16xi1>, vector<16xi32>
    %mul3A_330 = arith.constant 4 : i32
    %mul3A_331 = arith.muli %scan3A_301, %mul3A_330 : i32
    %add3A_332 = arith.constant 2 : i32
    %add3A_333 = arith.addi %mul3A_331, %add3A_332 : i32
    %mul3A_334 = arith.constant 16 : i32
    %mul3A_335 = arith.muli %add3A_333, %mul3A_334 : i32
    %add3A_336 = arith.constant 256 : i32
    %add3A_337 = arith.addi %add3A_336, %mul3A_335 : i32
    %get3A_338 = arith.index_cast %add3A_337 : i32 to index
    %get3A_339 = tpu.vector_load %arg4[%get3A_338] {strides = array<i32>} : memref<2048xf32, #tpu.memory_space<vmem>>, vector<16xf32>,
    %gt3A_340 = arith.cmpf ogt, %get3A_339, %broadcast_in_dim3A_19 : vector<16xf32>
    %select_n3A_341 = arith.select %gt3A_340, %get3A_339, %broadcast_in_dim3A_19 : vector<16xi1>, vector<16xf32>
    %broadcast_in_dim3A_342 = vector.broadcast %add3A_333 : i32 to vector<16xi32>
    %select_n3A_343 = arith.select %gt3A_340, %broadcast_in_dim3A_342, %broadcast_in_dim3A_21 : vector<16xi1>, vector<16xi32>
    %mul3A_344 = arith.constant 4 : i32
    %mul3A_345 = arith.muli %scan3A_301, %mul3A_344 : i32
    %add3A_346 = arith.constant 3 : i32
    %add3A_347 = arith.addi %mul3A_345, %add3A_346 : i32
    %mul3A_348 = arith.constant 16 : i32
    %mul3A_349 = arith.muli %add3A_347, %mul3A_348 : i32
    %add3A_350 = arith.constant 256 : i32
    %add3A_351 = arith.addi %add3A_350, %mul3A_349 : i32
    %get3A_352 = arith.index_cast %add3A_351 : i32 to index
    %get3A_353 = tpu.vector_load %arg4[%get3A_352] {strides = array<i32>} : memref<2048xf32, #tpu.memory_space<vmem>>, vector<16xf32>,
    %gt3A_354 = arith.cmpf ogt, %get3A_353, %broadcast_in_dim3A_19 : vector<16xf32>
    %select_n3A_355 = arith.select %gt3A_354, %get3A_353, %broadcast_in_dim3A_19 : vector<16xi1>, vector<16xf32>
    %broadcast_in_dim3A_356 = vector.broadcast %add3A_347 : i32 to vector<16xi32>
    %select_n3A_357 = arith.select %gt3A_354, %broadcast_in_dim3A_356, %broadcast_in_dim3A_21 : vector<16xi1>, vector<16xi32>
    %scan3A_358 = arith.constant 1 : i32
    %mul3A_359 = arith.constant 4 : i32
    %mul3A_360 = arith.muli %scan3A_358, %mul3A_359 : i32
    %add3A_361 = arith.constant 0 : i32
    %add3A_362 = arith.addi %mul3A_360, %add3A_361 : i32
    %mul3A_363 = arith.constant 16 : i32
    %mul3A_364 = arith.muli %add3A_362, %mul3A_363 : i32
    %add3A_365 = arith.constant 256 : i32
    %add3A_366 = arith.addi %add3A_365, %mul3A_364 : i32
    %get3A_367 = arith.index_cast %add3A_366 : i32 to index
    %get3A_368 = tpu.vector_load %arg4[%get3A_367] {strides = array<i32>} : memref<2048xf32, #tpu.memory_space<vmem>>, vector<16xf32>,
    %gt3A_369 = arith.cmpf ogt, %get3A_368, %select_n3A_313 : vector<16xf32>
    %select_n3A_370 = arith.select %gt3A_369, %get3A_368, %select_n3A_313 : vector<16xi1>, vector<16xf32>
    %broadcast_in_dim3A_371 = vector.broadcast %add3A_362 : i32 to vector<16xi32>
    %select_n3A_372 = arith.select %gt3A_369, %broadcast_in_dim3A_371, %select_n3A_315 : vector<16xi1>, vector<16xi32>
    %mul3A_373 = arith.constant 4 : i32
    %mul3A_374 = arith.muli %scan3A_358, %mul3A_373 : i32
    %add3A_375 = arith.constant 1 : i32
    %add3A_376 = arith.addi %mul3A_374, %add3A_375 : i32
    %mul3A_377 = arith.constant 16 : i32
    %mul3A_378 = arith.muli %add3A_376, %mul3A_377 : i32
    %add3A_379 = arith.constant 256 : i32
    %add3A_380 = arith.addi %add3A_379, %mul3A_378 : i32
    %get3A_381 = arith.index_cast %add3A_380 : i32 to index
    %get3A_382 = tpu.vector_load %arg4[%get3A_381] {strides = array<i32>} : memref<2048xf32, #tpu.memory_space<vmem>>, vector<16xf32>,
    %gt3A_383 = arith.cmpf ogt, %get3A_382, %select_n3A_327 : vector<16xf32>
    %select_n3A_384 = arith.select %gt3A_383, %get3A_382, %select_n3A_327 : vector<16xi1>, vector<16xf32>
    %broadcast_in_dim3A_385 = vector.broadcast %add3A_376 : i32 to vector<16xi32>
    %select_n3A_386 = arith.select %gt3A_383, %broadcast_in_dim3A_385, %select_n3A_329 : vector<16xi1>, vector<16xi32>
    %mul3A_387 = arith.constant 4 : i32
    %mul3A_388 = arith.muli %scan3A_358, %mul3A_387 : i32
    %add3A_389 = arith.constant 2 : i32
    %add3A_390 = arith.addi %mul3A_388, %add3A_389 : i32
    %mul3A_391 = arith.constant 16 : i32
    %mul3A_392 = arith.muli %add3A_390, %mul3A_391 : i32
    %add3A_393 = arith.constant 256 : i32
    %add3A_394 = arith.addi %add3A_393, %mul3A_392 : i32
    %get3A_395 = arith.index_cast %add3A_394 : i32 to index
    %get3A_396 = tpu.vector_load %arg4[%get3A_395] {strides = array<i32>} : memref<2048xf32, #tpu.memory_space<vmem>>, vector<16xf32>,
    %gt3A_397 = arith.cmpf ogt, %get3A_396, %select_n3A_341 : vector<16xf32>
    %select_n3A_398 = arith.select %gt3A_397, %get3A_396, %select_n3A_341 : vector<16xi1>, vector<16xf32>
    %broadcast_in_dim3A_399 = vector.broadcast %add3A_390 : i32 to vector<16xi32>
    %select_n3A_400 = arith.select %gt3A_397, %broadcast_in_dim3A_399, %select_n3A_343 : vector<16xi1>, vector<16xi32>
    %mul3A_401 = arith.constant 4 : i32
    %mul3A_402 = arith.muli %scan3A_358, %mul3A_401 : i32
    %add3A_403 = arith.constant 3 : i32
    %add3A_404 = arith.addi %mul3A_402, %add3A_403 : i32
    %mul3A_405 = arith.constant 16 : i32
    %mul3A_406 = arith.muli %add3A_404, %mul3A_405 : i32
    %add3A_407 = arith.constant 256 : i32
    %add3A_408 = arith.addi %add3A_407, %mul3A_406 : i32
    %get3A_409 = arith.index_cast %add3A_408 : i32 to index
    %get3A_410 = tpu.vector_load %arg4[%get3A_409] {strides = array<i32>} : memref<2048xf32, #tpu.memory_space<vmem>>, vector<16xf32>,
    %gt3A_411 = arith.cmpf ogt, %get3A_410, %select_n3A_355 : vector<16xf32>
    %select_n3A_412 = arith.select %gt3A_411, %get3A_410, %select_n3A_355 : vector<16xi1>, vector<16xf32>
    %broadcast_in_dim3A_413 = vector.broadcast %add3A_404 : i32 to vector<16xi32>
    %select_n3A_414 = arith.select %gt3A_411, %broadcast_in_dim3A_413, %select_n3A_357 : vector<16xi1>, vector<16xi32>
    %scan3A_415 = arith.constant 2 : i32
    %mul3A_416 = arith.constant 4 : i32
    %mul3A_417 = arith.muli %scan3A_415, %mul3A_416 : i32
    %add3A_418 = arith.constant 0 : i32
    %add3A_419 = arith.addi %mul3A_417, %add3A_418 : i32
    %mul3A_420 = arith.constant 16 : i32
    %mul3A_421 = arith.muli %add3A_419, %mul3A_420 : i32
    %add3A_422 = arith.constant 256 : i32
    %add3A_423 = arith.addi %add3A_422, %mul3A_421 : i32
    %get3A_424 = arith.index_cast %add3A_423 : i32 to index
    %get3A_425 = tpu.vector_load %arg4[%get3A_424] {strides = array<i32>} : memref<2048xf32, #tpu.memory_space<vmem>>, vector<16xf32>,
    %gt3A_426 = arith.cmpf ogt, %get3A_425, %select_n3A_370 : vector<16xf32>
    %select_n3A_427 = arith.select %gt3A_426, %get3A_425, %select_n3A_370 : vector<16xi1>, vector<16xf32>
    %broadcast_in_dim3A_428 = vector.broadcast %add3A_419 : i32 to vector<16xi32>
    %select_n3A_429 = arith.select %gt3A_426, %broadcast_in_dim3A_428, %select_n3A_372 : vector<16xi1>, vector<16xi32>
    %mul3A_430 = arith.constant 4 : i32
    %mul3A_431 = arith.muli %scan3A_415, %mul3A_430 : i32
    %add3A_432 = arith.constant 1 : i32
    %add3A_433 = arith.addi %mul3A_431, %add3A_432 : i32
    %mul3A_434 = arith.constant 16 : i32
    %mul3A_435 = arith.muli %add3A_433, %mul3A_434 : i32
    %add3A_436 = arith.constant 256 : i32
    %add3A_437 = arith.addi %add3A_436, %mul3A_435 : i32
    %get3A_438 = arith.index_cast %add3A_437 : i32 to index
    %get3A_439 = tpu.vector_load %arg4[%get3A_438] {strides = array<i32>} : memref<2048xf32, #tpu.memory_space<vmem>>, vector<16xf32>,
    %gt3A_440 = arith.cmpf ogt, %get3A_439, %select_n3A_384 : vector<16xf32>
    %select_n3A_441 = arith.select %gt3A_440, %get3A_439, %select_n3A_384 : vector<16xi1>, vector<16xf32>
    %broadcast_in_dim3A_442 = vector.broadcast %add3A_433 : i32 to vector<16xi32>
    %select_n3A_443 = arith.select %gt3A_440, %broadcast_in_dim3A_442, %select_n3A_386 : vector<16xi1>, vector<16xi32>
    %mul3A_444 = arith.constant 4 : i32
    %mul3A_445 = arith.muli %scan3A_415, %mul3A_444 : i32
    %add3A_446 = arith.constant 2 : i32
    %add3A_447 = arith.addi %mul3A_445, %add3A_446 : i32
    %mul3A_448 = arith.constant 16 : i32
    %mul3A_449 = arith.muli %add3A_447, %mul3A_448 : i32
    %add3A_450 = arith.constant 256 : i32
    %add3A_451 = arith.addi %add3A_450, %mul3A_449 : i32
    %get3A_452 = arith.index_cast %add3A_451 : i32 to index
    %get3A_453 = tpu.vector_load %arg4[%get3A_452] {strides = array<i32>} : memref<2048xf32, #tpu.memory_space<vmem>>, vector<16xf32>,
    %gt3A_454 = arith.cmpf ogt, %get3A_453, %select_n3A_398 : vector<16xf32>
    %select_n3A_455 = arith.select %gt3A_454, %get3A_453, %select_n3A_398 : vector<16xi1>, vector<16xf32>
    %broadcast_in_dim3A_456 = vector.broadcast %add3A_447 : i32 to vector<16xi32>
    %select_n3A_457 = arith.select %gt3A_454, %broadcast_in_dim3A_456, %select_n3A_400 : vector<16xi1>, vector<16xi32>
    %mul3A_458 = arith.constant 4 : i32
    %mul3A_459 = arith.muli %scan3A_415, %mul3A_458 : i32
    %add3A_460 = arith.constant 3 : i32
    %add3A_461 = arith.addi %mul3A_459, %add3A_460 : i32
    %mul3A_462 = arith.constant 16 : i32
    %mul3A_463 = arith.muli %add3A_461, %mul3A_462 : i32
    %add3A_464 = arith.constant 256 : i32
    %add3A_465 = arith.addi %add3A_464, %mul3A_463 : i32
    %get3A_466 = arith.index_cast %add3A_465 : i32 to index
    %get3A_467 = tpu.vector_load %arg4[%get3A_466] {strides = array<i32>} : memref<2048xf32, #tpu.memory_space<vmem>>, vector<16xf32>,
    %gt3A_468 = arith.cmpf ogt, %get3A_467, %select_n3A_412 : vector<16xf32>
    %select_n3A_469 = arith.select %gt3A_468, %get3A_467, %select_n3A_412 : vector<16xi1>, vector<16xf32>
    %broadcast_in_dim3A_470 = vector.broadcast %add3A_461 : i32 to vector<16xi32>
    %select_n3A_471 = arith.select %gt3A_468, %broadcast_in_dim3A_470, %select_n3A_414 : vector<16xi1>, vector<16xi32>
    %scan3A_472 = arith.constant 3 : i32
    %mul3A_473 = arith.constant 4 : i32
    %mul3A_474 = arith.muli %scan3A_472, %mul3A_473 : i32
    %add3A_475 = arith.constant 0 : i32
    %add3A_476 = arith.addi %mul3A_474, %add3A_475 : i32
    %mul3A_477 = arith.constant 16 : i32
    %mul3A_478 = arith.muli %add3A_476, %mul3A_477 : i32
    %add3A_479 = arith.constant 256 : i32
    %add3A_480 = arith.addi %add3A_479, %mul3A_478 : i32
    %get3A_481 = arith.index_cast %add3A_480 : i32 to index
    %get3A_482 = tpu.vector_load %arg4[%get3A_481] {strides = array<i32>} : memref<2048xf32, #tpu.memory_space<vmem>>, vector<16xf32>,
    %gt3A_483 = arith.cmpf ogt, %get3A_482, %select_n3A_427 : vector<16xf32>
    %select_n3A_484 = arith.select %gt3A_483, %get3A_482, %select_n3A_427 : vector<16xi1>, vector<16xf32>
    %broadcast_in_dim3A_485 = vector.broadcast %add3A_476 : i32 to vector<16xi32>
    %select_n3A_486 = arith.select %gt3A_483, %broadcast_in_dim3A_485, %select_n3A_429 : vector<16xi1>, vector<16xi32>
    %mul3A_487 = arith.constant 4 : i32
    %mul3A_488 = arith.muli %scan3A_472, %mul3A_487 : i32
    %add3A_489 = arith.constant 1 : i32
    %add3A_490 = arith.addi %mul3A_488, %add3A_489 : i32
    %mul3A_491 = arith.constant 16 : i32
    %mul3A_492 = arith.muli %add3A_490, %mul3A_491 : i32
    %add3A_493 = arith.constant 256 : i32
    %add3A_494 = arith.addi %add3A_493, %mul3A_492 : i32
    %get3A_495 = arith.index_cast %add3A_494 : i32 to index
    %get3A_496 = tpu.vector_load %arg4[%get3A_495] {strides = array<i32>} : memref<2048xf32, #tpu.memory_space<vmem>>, vector<16xf32>,
    %gt3A_497 = arith.cmpf ogt, %get3A_496, %select_n3A_441 : vector<16xf32>
    %select_n3A_498 = arith.select %gt3A_497, %get3A_496, %select_n3A_441 : vector<16xi1>, vector<16xf32>
    %broadcast_in_dim3A_499 = vector.broadcast %add3A_490 : i32 to vector<16xi32>
    %select_n3A_500 = arith.select %gt3A_497, %broadcast_in_dim3A_499, %select_n3A_443 : vector<16xi1>, vector<16xi32>
    %mul3A_501 = arith.constant 4 : i32
    %mul3A_502 = arith.muli %scan3A_472, %mul3A_501 : i32
    %add3A_503 = arith.constant 2 : i32
    %add3A_504 = arith.addi %mul3A_502, %add3A_503 : i32
    %mul3A_505 = arith.constant 16 : i32
    %mul3A_506 = arith.muli %add3A_504, %mul3A_505 : i32
    %add3A_507 = arith.constant 256 : i32
    %add3A_508 = arith.addi %add3A_507, %mul3A_506 : i32
    %get3A_509 = arith.index_cast %add3A_508 : i32 to index
    %get3A_510 = tpu.vector_load %arg4[%get3A_509] {strides = array<i32>} : memref<2048xf32, #tpu.memory_space<vmem>>, vector<16xf32>,
    %gt3A_511 = arith.cmpf ogt, %get3A_510, %select_n3A_455 : vector<16xf32>
    %select_n3A_512 = arith.select %gt3A_511, %get3A_510, %select_n3A_455 : vector<16xi1>, vector<16xf32>
    %broadcast_in_dim3A_513 = vector.broadcast %add3A_504 : i32 to vector<16xi32>
    %select_n3A_514 = arith.select %gt3A_511, %broadcast_in_dim3A_513, %select_n3A_457 : vector<16xi1>, vector<16xi32>
    %mul3A_515 = arith.constant 4 : i32
    %mul3A_516 = arith.muli %scan3A_472, %mul3A_515 : i32
    %add3A_517 = arith.constant 3 : i32
    %add3A_518 = arith.addi %mul3A_516, %add3A_517 : i32
    %mul3A_519 = arith.constant 16 : i32
    %mul3A_520 = arith.muli %add3A_518, %mul3A_519 : i32
    %add3A_521 = arith.constant 256 : i32
    %add3A_522 = arith.addi %add3A_521, %mul3A_520 : i32
    %get3A_523 = arith.index_cast %add3A_522 : i32 to index
    %get3A_524 = tpu.vector_load %arg4[%get3A_523] {strides = array<i32>} : memref<2048xf32, #tpu.memory_space<vmem>>, vector<16xf32>,
    %gt3A_525 = arith.cmpf ogt, %get3A_524, %select_n3A_469 : vector<16xf32>
    %select_n3A_526 = arith.select %gt3A_525, %get3A_524, %select_n3A_469 : vector<16xi1>, vector<16xf32>
    %broadcast_in_dim3A_527 = vector.broadcast %add3A_518 : i32 to vector<16xi32>
    %select_n3A_528 = arith.select %gt3A_525, %broadcast_in_dim3A_527, %select_n3A_471 : vector<16xi1>, vector<16xi32>
    %scan3A_529 = arith.constant 4 : i32
    %mul3A_530 = arith.constant 16 : i32
    %mul3A_531 = vector.broadcast %mul3A_530 : i32 to vector<16xi32>
    %mul3A_532 = arith.muli %select_n3A_486, %mul3A_531 : vector<16xi32>
    %add3A_533 = arith.addi %mul3A_532, %iota3A : vector<16xi32>
    %add3A_534 = arith.constant 256 : i32
    %add3A_535 = vector.broadcast %add3A_534 : i32 to vector<16xi32>
    %add3A_536 = arith.addi %add3A_533, %add3A_535 : vector<16xi32>
    %add3A_537 = vector.broadcast %mul3A_2 : i32 to vector<16xi32>
    %add3A_538 = arith.addi %add3A_536, %add3A_537 : vector<16xi32>
    %mul3A_539 = arith.constant 16 : i32
    %mul3A_540 = vector.broadcast %mul3A_539 : i32 to vector<16xi32>
    %mul3A_541 = arith.muli %select_n3A_500, %mul3A_540 : vector<16xi32>
    %add3A_542 = arith.addi %mul3A_541, %iota3A : vector<16xi32>
    %add3A_543 = arith.constant 256 : i32
    %add3A_544 = vector.broadcast %add3A_543 : i32 to vector<16xi32>
    %add3A_545 = arith.addi %add3A_542, %add3A_544 : vector<16xi32>
    %add3A_546 = vector.broadcast %mul3A_2 : i32 to vector<16xi32>
    %add3A_547 = arith.addi %add3A_545, %add3A_546 : vector<16xi32>
    %mul3A_548 = arith.constant 16 : i32
    %mul3A_549 = vector.broadcast %mul3A_548 : i32 to vector<16xi32>
    %mul3A_550 = arith.muli %select_n3A_514, %mul3A_549 : vector<16xi32>
    %add3A_551 = arith.addi %mul3A_550, %iota3A : vector<16xi32>
    %add3A_552 = arith.constant 256 : i32
    %add3A_553 = vector.broadcast %add3A_552 : i32 to vector<16xi32>
    %add3A_554 = arith.addi %add3A_551, %add3A_553 : vector<16xi32>
    %add3A_555 = vector.broadcast %mul3A_2 : i32 to vector<16xi32>
    %add3A_556 = arith.addi %add3A_554, %add3A_555 : vector<16xi32>
    %mul3A_557 = arith.constant 16 : i32
    %mul3A_558 = vector.broadcast %mul3A_557 : i32 to vector<16xi32>
    %mul3A_559 = arith.muli %select_n3A_528, %mul3A_558 : vector<16xi32>
    %add3A_560 = arith.addi %mul3A_559, %iota3A : vector<16xi32>
    %add3A_561 = arith.constant 256 : i32
    %add3A_562 = vector.broadcast %add3A_561 : i32 to vector<16xi32>
    %add3A_563 = arith.addi %add3A_560, %add3A_562 : vector<16xi32>
    %add3A_564 = vector.broadcast %mul3A_2 : i32 to vector<16xi32>
    %add3A_565 = arith.addi %add3A_563, %add3A_564 : vector<16xi32>
    %gt3A_566 = arith.cmpf ogt, %select_n3A_498, %select_n3A_484 : vector<16xf32>
    %eq3A_567 = arith.cmpf oeq, %select_n3A_498, %select_n3A_484 : vector<16xf32>
    %lt3A_568 = arith.cmpi slt, %add3A_547, %add3A_538 : vector<16xi32>
    %and3A_569 = arith.andi %eq3A_567, %lt3A_568 : vector<16xi1>
    %or3A_570 = arith.ori %gt3A_566, %and3A_569 : vector<16xi1>
    %select_n3A_571 = arith.select %or3A_570, %select_n3A_498, %select_n3A_484 : vector<16xi1>, vector<16xf32>
    %select_n3A_572 = arith.select %or3A_570, %add3A_547, %add3A_538 : vector<16xi1>, vector<16xi32>
    %gt3A_573 = arith.cmpf ogt, %select_n3A_512, %select_n3A_571 : vector<16xf32>
    %eq3A_574 = arith.cmpf oeq, %select_n3A_512, %select_n3A_571 : vector<16xf32>
    %lt3A_575 = arith.cmpi slt, %add3A_556, %select_n3A_572 : vector<16xi32>
    %and3A_576 = arith.andi %eq3A_574, %lt3A_575 : vector<16xi1>
    %or3A_577 = arith.ori %gt3A_573, %and3A_576 : vector<16xi1>
    %select_n3A_578 = arith.select %or3A_577, %select_n3A_512, %select_n3A_571 : vector<16xi1>, vector<16xf32>
    %select_n3A_579 = arith.select %or3A_577, %add3A_556, %select_n3A_572 : vector<16xi1>, vector<16xi32>
    %gt3A_580 = arith.cmpf ogt, %select_n3A_526, %select_n3A_578 : vector<16xf32>
    %eq3A_581 = arith.cmpf oeq, %select_n3A_526, %select_n3A_578 : vector<16xf32>
    %lt3A_582 = arith.cmpi slt, %add3A_565, %select_n3A_579 : vector<16xi32>
    %and3A_583 = arith.andi %eq3A_581, %lt3A_582 : vector<16xi1>
    %or3A_584 = arith.ori %gt3A_580, %and3A_583 : vector<16xi1>
    %select_n3A_585 = arith.select %or3A_584, %select_n3A_526, %select_n3A_578 : vector<16xi1>, vector<16xf32>
    %select_n3A_586 = arith.select %or3A_584, %add3A_565, %select_n3A_579 : vector<16xi1>, vector<16xi32>
    %scan3A_587 = arith.constant 0 : i32
    %mul3A_588 = arith.constant 4 : i32
    %mul3A_589 = arith.muli %scan3A_587, %mul3A_588 : i32
    %add3A_590 = arith.constant 0 : i32
    %add3A_591 = arith.addi %mul3A_589, %add3A_590 : i32
    %mul3A_592 = arith.constant 16 : i32
    %mul3A_593 = arith.muli %add3A_591, %mul3A_592 : i32
    %add3A_594 = arith.constant 512 : i32
    %add3A_595 = arith.addi %add3A_594, %mul3A_593 : i32
    %get3A_596 = arith.index_cast %add3A_595 : i32 to index
    %get3A_597 = tpu.vector_load %arg4[%get3A_596] {strides = array<i32>} : memref<2048xf32, #tpu.memory_space<vmem>>, vector<16xf32>,
    %gt3A_598 = arith.cmpf ogt, %get3A_597, %broadcast_in_dim3A_19 : vector<16xf32>
    %select_n3A_599 = arith.select %gt3A_598, %get3A_597, %broadcast_in_dim3A_19 : vector<16xi1>, vector<16xf32>
    %broadcast_in_dim3A_600 = vector.broadcast %add3A_591 : i32 to vector<16xi32>
    %select_n3A_601 = arith.select %gt3A_598, %broadcast_in_dim3A_600, %broadcast_in_dim3A_21 : vector<16xi1>, vector<16xi32>
    %mul3A_602 = arith.constant 4 : i32
    %mul3A_603 = arith.muli %scan3A_587, %mul3A_602 : i32
    %add3A_604 = arith.constant 1 : i32
    %add3A_605 = arith.addi %mul3A_603, %add3A_604 : i32
    %mul3A_606 = arith.constant 16 : i32
    %mul3A_607 = arith.muli %add3A_605, %mul3A_606 : i32
    %add3A_608 = arith.constant 512 : i32
    %add3A_609 = arith.addi %add3A_608, %mul3A_607 : i32
    %get3A_610 = arith.index_cast %add3A_609 : i32 to index
    %get3A_611 = tpu.vector_load %arg4[%get3A_610] {strides = array<i32>} : memref<2048xf32, #tpu.memory_space<vmem>>, vector<16xf32>,
    %gt3A_612 = arith.cmpf ogt, %get3A_611, %broadcast_in_dim3A_19 : vector<16xf32>
    %select_n3A_613 = arith.select %gt3A_612, %get3A_611, %broadcast_in_dim3A_19 : vector<16xi1>, vector<16xf32>
    %broadcast_in_dim3A_614 = vector.broadcast %add3A_605 : i32 to vector<16xi32>
    %select_n3A_615 = arith.select %gt3A_612, %broadcast_in_dim3A_614, %broadcast_in_dim3A_21 : vector<16xi1>, vector<16xi32>
    %mul3A_616 = arith.constant 4 : i32
    %mul3A_617 = arith.muli %scan3A_587, %mul3A_616 : i32
    %add3A_618 = arith.constant 2 : i32
    %add3A_619 = arith.addi %mul3A_617, %add3A_618 : i32
    %mul3A_620 = arith.constant 16 : i32
    %mul3A_621 = arith.muli %add3A_619, %mul3A_620 : i32
    %add3A_622 = arith.constant 512 : i32
    %add3A_623 = arith.addi %add3A_622, %mul3A_621 : i32
    %get3A_624 = arith.index_cast %add3A_623 : i32 to index
    %get3A_625 = tpu.vector_load %arg4[%get3A_624] {strides = array<i32>} : memref<2048xf32, #tpu.memory_space<vmem>>, vector<16xf32>,
    %gt3A_626 = arith.cmpf ogt, %get3A_625, %broadcast_in_dim3A_19 : vector<16xf32>
    %select_n3A_627 = arith.select %gt3A_626, %get3A_625, %broadcast_in_dim3A_19 : vector<16xi1>, vector<16xf32>
    %broadcast_in_dim3A_628 = vector.broadcast %add3A_619 : i32 to vector<16xi32>
    %select_n3A_629 = arith.select %gt3A_626, %broadcast_in_dim3A_628, %broadcast_in_dim3A_21 : vector<16xi1>, vector<16xi32>
    %mul3A_630 = arith.constant 4 : i32
    %mul3A_631 = arith.muli %scan3A_587, %mul3A_630 : i32
    %add3A_632 = arith.constant 3 : i32
    %add3A_633 = arith.addi %mul3A_631, %add3A_632 : i32
    %mul3A_634 = arith.constant 16 : i32
    %mul3A_635 = arith.muli %add3A_633, %mul3A_634 : i32
    %add3A_636 = arith.constant 512 : i32
    %add3A_637 = arith.addi %add3A_636, %mul3A_635 : i32
    %get3A_638 = arith.index_cast %add3A_637 : i32 to index
    %get3A_639 = tpu.vector_load %arg4[%get3A_638] {strides = array<i32>} : memref<2048xf32, #tpu.memory_space<vmem>>, vector<16xf32>,
    %gt3A_640 = arith.cmpf ogt, %get3A_639, %broadcast_in_dim3A_19 : vector<16xf32>
    %select_n3A_641 = arith.select %gt3A_640, %get3A_639, %broadcast_in_dim3A_19 : vector<16xi1>, vector<16xf32>
    %broadcast_in_dim3A_642 = vector.broadcast %add3A_633 : i32 to vector<16xi32>
    %select_n3A_643 = arith.select %gt3A_640, %broadcast_in_dim3A_642, %broadcast_in_dim3A_21 : vector<16xi1>, vector<16xi32>
    %scan3A_644 = arith.constant 1 : i32
    %mul3A_645 = arith.constant 4 : i32
    %mul3A_646 = arith.muli %scan3A_644, %mul3A_645 : i32
    %add3A_647 = arith.constant 0 : i32
    %add3A_648 = arith.addi %mul3A_646, %add3A_647 : i32
    %mul3A_649 = arith.constant 16 : i32
    %mul3A_650 = arith.muli %add3A_648, %mul3A_649 : i32
    %add3A_651 = arith.constant 512 : i32
    %add3A_652 = arith.addi %add3A_651, %mul3A_650 : i32
    %get3A_653 = arith.index_cast %add3A_652 : i32 to index
    %get3A_654 = tpu.vector_load %arg4[%get3A_653] {strides = array<i32>} : memref<2048xf32, #tpu.memory_space<vmem>>, vector<16xf32>,
    %gt3A_655 = arith.cmpf ogt, %get3A_654, %select_n3A_599 : vector<16xf32>
    %select_n3A_656 = arith.select %gt3A_655, %get3A_654, %select_n3A_599 : vector<16xi1>, vector<16xf32>
    %broadcast_in_dim3A_657 = vector.broadcast %add3A_648 : i32 to vector<16xi32>
    %select_n3A_658 = arith.select %gt3A_655, %broadcast_in_dim3A_657, %select_n3A_601 : vector<16xi1>, vector<16xi32>
    %mul3A_659 = arith.constant 4 : i32
    %mul3A_660 = arith.muli %scan3A_644, %mul3A_659 : i32
    %add3A_661 = arith.constant 1 : i32
    %add3A_662 = arith.addi %mul3A_660, %add3A_661 : i32
    %mul3A_663 = arith.constant 16 : i32
    %mul3A_664 = arith.muli %add3A_662, %mul3A_663 : i32
    %add3A_665 = arith.constant 512 : i32
    %add3A_666 = arith.addi %add3A_665, %mul3A_664 : i32
    %get3A_667 = arith.index_cast %add3A_666 : i32 to index
    %get3A_668 = tpu.vector_load %arg4[%get3A_667] {strides = array<i32>} : memref<2048xf32, #tpu.memory_space<vmem>>, vector<16xf32>,
    %gt3A_669 = arith.cmpf ogt, %get3A_668, %select_n3A_613 : vector<16xf32>
    %select_n3A_670 = arith.select %gt3A_669, %get3A_668, %select_n3A_613 : vector<16xi1>, vector<16xf32>
    %broadcast_in_dim3A_671 = vector.broadcast %add3A_662 : i32 to vector<16xi32>
    %select_n3A_672 = arith.select %gt3A_669, %broadcast_in_dim3A_671, %select_n3A_615 : vector<16xi1>, vector<16xi32>
    %mul3A_673 = arith.constant 4 : i32
    %mul3A_674 = arith.muli %scan3A_644, %mul3A_673 : i32
    %add3A_675 = arith.constant 2 : i32
    %add3A_676 = arith.addi %mul3A_674, %add3A_675 : i32
    %mul3A_677 = arith.constant 16 : i32
    %mul3A_678 = arith.muli %add3A_676, %mul3A_677 : i32
    %add3A_679 = arith.constant 512 : i32
    %add3A_680 = arith.addi %add3A_679, %mul3A_678 : i32
    %get3A_681 = arith.index_cast %add3A_680 : i32 to index
    %get3A_682 = tpu.vector_load %arg4[%get3A_681] {strides = array<i32>} : memref<2048xf32, #tpu.memory_space<vmem>>, vector<16xf32>,
    %gt3A_683 = arith.cmpf ogt, %get3A_682, %select_n3A_627 : vector<16xf32>
    %select_n3A_684 = arith.select %gt3A_683, %get3A_682, %select_n3A_627 : vector<16xi1>, vector<16xf32>
    %broadcast_in_dim3A_685 = vector.broadcast %add3A_676 : i32 to vector<16xi32>
    %select_n3A_686 = arith.select %gt3A_683, %broadcast_in_dim3A_685, %select_n3A_629 : vector<16xi1>, vector<16xi32>
    %mul3A_687 = arith.constant 4 : i32
    %mul3A_688 = arith.muli %scan3A_644, %mul3A_687 : i32
    %add3A_689 = arith.constant 3 : i32
    %add3A_690 = arith.addi %mul3A_688, %add3A_689 : i32
    %mul3A_691 = arith.constant 16 : i32
    %mul3A_692 = arith.muli %add3A_690, %mul3A_691 : i32
    %add3A_693 = arith.constant 512 : i32
    %add3A_694 = arith.addi %add3A_693, %mul3A_692 : i32
    %get3A_695 = arith.index_cast %add3A_694 : i32 to index
    %get3A_696 = tpu.vector_load %arg4[%get3A_695] {strides = array<i32>} : memref<2048xf32, #tpu.memory_space<vmem>>, vector<16xf32>,
    %gt3A_697 = arith.cmpf ogt, %get3A_696, %select_n3A_641 : vector<16xf32>
    %select_n3A_698 = arith.select %gt3A_697, %get3A_696, %select_n3A_641 : vector<16xi1>, vector<16xf32>
    %broadcast_in_dim3A_699 = vector.broadcast %add3A_690 : i32 to vector<16xi32>
    %select_n3A_700 = arith.select %gt3A_697, %broadcast_in_dim3A_699, %select_n3A_643 : vector<16xi1>, vector<16xi32>
    %scan3A_701 = arith.constant 2 : i32
    %mul3A_702 = arith.constant 4 : i32
    %mul3A_703 = arith.muli %scan3A_701, %mul3A_702 : i32
    %add3A_704 = arith.constant 0 : i32
    %add3A_705 = arith.addi %mul3A_703, %add3A_704 : i32
    %mul3A_706 = arith.constant 16 : i32
    %mul3A_707 = arith.muli %add3A_705, %mul3A_706 : i32
    %add3A_708 = arith.constant 512 : i32
    %add3A_709 = arith.addi %add3A_708, %mul3A_707 : i32
    %get3A_710 = arith.index_cast %add3A_709 : i32 to index
    %get3A_711 = tpu.vector_load %arg4[%get3A_710] {strides = array<i32>} : memref<2048xf32, #tpu.memory_space<vmem>>, vector<16xf32>,
    %gt3A_712 = arith.cmpf ogt, %get3A_711, %select_n3A_656 : vector<16xf32>
    %select_n3A_713 = arith.select %gt3A_712, %get3A_711, %select_n3A_656 : vector<16xi1>, vector<16xf32>
    %broadcast_in_dim3A_714 = vector.broadcast %add3A_705 : i32 to vector<16xi32>
    %select_n3A_715 = arith.select %gt3A_712, %broadcast_in_dim3A_714, %select_n3A_658 : vector<16xi1>, vector<16xi32>
    %mul3A_716 = arith.constant 4 : i32
    %mul3A_717 = arith.muli %scan3A_701, %mul3A_716 : i32
    %add3A_718 = arith.constant 1 : i32
    %add3A_719 = arith.addi %mul3A_717, %add3A_718 : i32
    %mul3A_720 = arith.constant 16 : i32
    %mul3A_721 = arith.muli %add3A_719, %mul3A_720 : i32
    %add3A_722 = arith.constant 512 : i32
    %add3A_723 = arith.addi %add3A_722, %mul3A_721 : i32
    %get3A_724 = arith.index_cast %add3A_723 : i32 to index
    %get3A_725 = tpu.vector_load %arg4[%get3A_724] {strides = array<i32>} : memref<2048xf32, #tpu.memory_space<vmem>>, vector<16xf32>,
    %gt3A_726 = arith.cmpf ogt, %get3A_725, %select_n3A_670 : vector<16xf32>
    %select_n3A_727 = arith.select %gt3A_726, %get3A_725, %select_n3A_670 : vector<16xi1>, vector<16xf32>
    %broadcast_in_dim3A_728 = vector.broadcast %add3A_719 : i32 to vector<16xi32>
    %select_n3A_729 = arith.select %gt3A_726, %broadcast_in_dim3A_728, %select_n3A_672 : vector<16xi1>, vector<16xi32>
    %mul3A_730 = arith.constant 4 : i32
    %mul3A_731 = arith.muli %scan3A_701, %mul3A_730 : i32
    %add3A_732 = arith.constant 2 : i32
    %add3A_733 = arith.addi %mul3A_731, %add3A_732 : i32
    %mul3A_734 = arith.constant 16 : i32
    %mul3A_735 = arith.muli %add3A_733, %mul3A_734 : i32
    %add3A_736 = arith.constant 512 : i32
    %add3A_737 = arith.addi %add3A_736, %mul3A_735 : i32
    %get3A_738 = arith.index_cast %add3A_737 : i32 to index
    %get3A_739 = tpu.vector_load %arg4[%get3A_738] {strides = array<i32>} : memref<2048xf32, #tpu.memory_space<vmem>>, vector<16xf32>,
    %gt3A_740 = arith.cmpf ogt, %get3A_739, %select_n3A_684 : vector<16xf32>
    %select_n3A_741 = arith.select %gt3A_740, %get3A_739, %select_n3A_684 : vector<16xi1>, vector<16xf32>
    %broadcast_in_dim3A_742 = vector.broadcast %add3A_733 : i32 to vector<16xi32>
    %select_n3A_743 = arith.select %gt3A_740, %broadcast_in_dim3A_742, %select_n3A_686 : vector<16xi1>, vector<16xi32>
    %mul3A_744 = arith.constant 4 : i32
    %mul3A_745 = arith.muli %scan3A_701, %mul3A_744 : i32
    %add3A_746 = arith.constant 3 : i32
    %add3A_747 = arith.addi %mul3A_745, %add3A_746 : i32
    %mul3A_748 = arith.constant 16 : i32
    %mul3A_749 = arith.muli %add3A_747, %mul3A_748 : i32
    %add3A_750 = arith.constant 512 : i32
    %add3A_751 = arith.addi %add3A_750, %mul3A_749 : i32
    %get3A_752 = arith.index_cast %add3A_751 : i32 to index
    %get3A_753 = tpu.vector_load %arg4[%get3A_752] {strides = array<i32>} : memref<2048xf32, #tpu.memory_space<vmem>>, vector<16xf32>,
    %gt3A_754 = arith.cmpf ogt, %get3A_753, %select_n3A_698 : vector<16xf32>
    %select_n3A_755 = arith.select %gt3A_754, %get3A_753, %select_n3A_698 : vector<16xi1>, vector<16xf32>
    %broadcast_in_dim3A_756 = vector.broadcast %add3A_747 : i32 to vector<16xi32>
    %select_n3A_757 = arith.select %gt3A_754, %broadcast_in_dim3A_756, %select_n3A_700 : vector<16xi1>, vector<16xi32>
    %scan3A_758 = arith.constant 3 : i32
    %mul3A_759 = arith.constant 4 : i32
    %mul3A_760 = arith.muli %scan3A_758, %mul3A_759 : i32
    %add3A_761 = arith.constant 0 : i32
    %add3A_762 = arith.addi %mul3A_760, %add3A_761 : i32
    %mul3A_763 = arith.constant 16 : i32
    %mul3A_764 = arith.muli %add3A_762, %mul3A_763 : i32
    %add3A_765 = arith.constant 512 : i32
    %add3A_766 = arith.addi %add3A_765, %mul3A_764 : i32
    %get3A_767 = arith.index_cast %add3A_766 : i32 to index
    %get3A_768 = tpu.vector_load %arg4[%get3A_767] {strides = array<i32>} : memref<2048xf32, #tpu.memory_space<vmem>>, vector<16xf32>,
    %gt3A_769 = arith.cmpf ogt, %get3A_768, %select_n3A_713 : vector<16xf32>
    %select_n3A_770 = arith.select %gt3A_769, %get3A_768, %select_n3A_713 : vector<16xi1>, vector<16xf32>
    %broadcast_in_dim3A_771 = vector.broadcast %add3A_762 : i32 to vector<16xi32>
    %select_n3A_772 = arith.select %gt3A_769, %broadcast_in_dim3A_771, %select_n3A_715 : vector<16xi1>, vector<16xi32>
    %mul3A_773 = arith.constant 4 : i32
    %mul3A_774 = arith.muli %scan3A_758, %mul3A_773 : i32
    %add3A_775 = arith.constant 1 : i32
    %add3A_776 = arith.addi %mul3A_774, %add3A_775 : i32
    %mul3A_777 = arith.constant 16 : i32
    %mul3A_778 = arith.muli %add3A_776, %mul3A_777 : i32
    %add3A_779 = arith.constant 512 : i32
    %add3A_780 = arith.addi %add3A_779, %mul3A_778 : i32
    %get3A_781 = arith.index_cast %add3A_780 : i32 to index
    %get3A_782 = tpu.vector_load %arg4[%get3A_781] {strides = array<i32>} : memref<2048xf32, #tpu.memory_space<vmem>>, vector<16xf32>,
    %gt3A_783 = arith.cmpf ogt, %get3A_782, %select_n3A_727 : vector<16xf32>
    %select_n3A_784 = arith.select %gt3A_783, %get3A_782, %select_n3A_727 : vector<16xi1>, vector<16xf32>
    %broadcast_in_dim3A_785 = vector.broadcast %add3A_776 : i32 to vector<16xi32>
    %select_n3A_786 = arith.select %gt3A_783, %broadcast_in_dim3A_785, %select_n3A_729 : vector<16xi1>, vector<16xi32>
    %mul3A_787 = arith.constant 4 : i32
    %mul3A_788 = arith.muli %scan3A_758, %mul3A_787 : i32
    %add3A_789 = arith.constant 2 : i32
    %add3A_790 = arith.addi %mul3A_788, %add3A_789 : i32
    %mul3A_791 = arith.constant 16 : i32
    %mul3A_792 = arith.muli %add3A_790, %mul3A_791 : i32
    %add3A_793 = arith.constant 512 : i32
    %add3A_794 = arith.addi %add3A_793, %mul3A_792 : i32
    %get3A_795 = arith.index_cast %add3A_794 : i32 to index
    %get3A_796 = tpu.vector_load %arg4[%get3A_795] {strides = array<i32>} : memref<2048xf32, #tpu.memory_space<vmem>>, vector<16xf32>,
    %gt3A_797 = arith.cmpf ogt, %get3A_796, %select_n3A_741 : vector<16xf32>
    %select_n3A_798 = arith.select %gt3A_797, %get3A_796, %select_n3A_741 : vector<16xi1>, vector<16xf32>
    %broadcast_in_dim3A_799 = vector.broadcast %add3A_790 : i32 to vector<16xi32>
    %select_n3A_800 = arith.select %gt3A_797, %broadcast_in_dim3A_799, %select_n3A_743 : vector<16xi1>, vector<16xi32>
    %mul3A_801 = arith.constant 4 : i32
    %mul3A_802 = arith.muli %scan3A_758, %mul3A_801 : i32
    %add3A_803 = arith.constant 3 : i32
    %add3A_804 = arith.addi %mul3A_802, %add3A_803 : i32
    %mul3A_805 = arith.constant 16 : i32
    %mul3A_806 = arith.muli %add3A_804, %mul3A_805 : i32
    %add3A_807 = arith.constant 512 : i32
    %add3A_808 = arith.addi %add3A_807, %mul3A_806 : i32
    %get3A_809 = arith.index_cast %add3A_808 : i32 to index
    %get3A_810 = tpu.vector_load %arg4[%get3A_809] {strides = array<i32>} : memref<2048xf32, #tpu.memory_space<vmem>>, vector<16xf32>,
    %gt3A_811 = arith.cmpf ogt, %get3A_810, %select_n3A_755 : vector<16xf32>
    %select_n3A_812 = arith.select %gt3A_811, %get3A_810, %select_n3A_755 : vector<16xi1>, vector<16xf32>
    %broadcast_in_dim3A_813 = vector.broadcast %add3A_804 : i32 to vector<16xi32>
    %select_n3A_814 = arith.select %gt3A_811, %broadcast_in_dim3A_813, %select_n3A_757 : vector<16xi1>, vector<16xi32>
    %scan3A_815 = arith.constant 4 : i32
    %mul3A_816 = arith.constant 16 : i32
    %mul3A_817 = vector.broadcast %mul3A_816 : i32 to vector<16xi32>
    %mul3A_818 = arith.muli %select_n3A_772, %mul3A_817 : vector<16xi32>
    %add3A_819 = arith.addi %mul3A_818, %iota3A : vector<16xi32>
    %add3A_820 = arith.constant 512 : i32
    %add3A_821 = vector.broadcast %add3A_820 : i32 to vector<16xi32>
    %add3A_822 = arith.addi %add3A_819, %add3A_821 : vector<16xi32>
    %add3A_823 = vector.broadcast %mul3A_2 : i32 to vector<16xi32>
    %add3A_824 = arith.addi %add3A_822, %add3A_823 : vector<16xi32>
    %mul3A_825 = arith.constant 16 : i32
    %mul3A_826 = vector.broadcast %mul3A_825 : i32 to vector<16xi32>
    %mul3A_827 = arith.muli %select_n3A_786, %mul3A_826 : vector<16xi32>
    %add3A_828 = arith.addi %mul3A_827, %iota3A : vector<16xi32>
    %add3A_829 = arith.constant 512 : i32
    %add3A_830 = vector.broadcast %add3A_829 : i32 to vector<16xi32>
    %add3A_831 = arith.addi %add3A_828, %add3A_830 : vector<16xi32>
    %add3A_832 = vector.broadcast %mul3A_2 : i32 to vector<16xi32>
    %add3A_833 = arith.addi %add3A_831, %add3A_832 : vector<16xi32>
    %mul3A_834 = arith.constant 16 : i32
    %mul3A_835 = vector.broadcast %mul3A_834 : i32 to vector<16xi32>
    %mul3A_836 = arith.muli %select_n3A_800, %mul3A_835 : vector<16xi32>
    %add3A_837 = arith.addi %mul3A_836, %iota3A : vector<16xi32>
    %add3A_838 = arith.constant 512 : i32
    %add3A_839 = vector.broadcast %add3A_838 : i32 to vector<16xi32>
    %add3A_840 = arith.addi %add3A_837, %add3A_839 : vector<16xi32>
    %add3A_841 = vector.broadcast %mul3A_2 : i32 to vector<16xi32>
    %add3A_842 = arith.addi %add3A_840, %add3A_841 : vector<16xi32>
    %mul3A_843 = arith.constant 16 : i32
    %mul3A_844 = vector.broadcast %mul3A_843 : i32 to vector<16xi32>
    %mul3A_845 = arith.muli %select_n3A_814, %mul3A_844 : vector<16xi32>
    %add3A_846 = arith.addi %mul3A_845, %iota3A : vector<16xi32>
    %add3A_847 = arith.constant 512 : i32
    %add3A_848 = vector.broadcast %add3A_847 : i32 to vector<16xi32>
    %add3A_849 = arith.addi %add3A_846, %add3A_848 : vector<16xi32>
    %add3A_850 = vector.broadcast %mul3A_2 : i32 to vector<16xi32>
    %add3A_851 = arith.addi %add3A_849, %add3A_850 : vector<16xi32>
    %gt3A_852 = arith.cmpf ogt, %select_n3A_784, %select_n3A_770 : vector<16xf32>
    %eq3A_853 = arith.cmpf oeq, %select_n3A_784, %select_n3A_770 : vector<16xf32>
    %lt3A_854 = arith.cmpi slt, %add3A_833, %add3A_824 : vector<16xi32>
    %and3A_855 = arith.andi %eq3A_853, %lt3A_854 : vector<16xi1>
    %or3A_856 = arith.ori %gt3A_852, %and3A_855 : vector<16xi1>
    %select_n3A_857 = arith.select %or3A_856, %select_n3A_784, %select_n3A_770 : vector<16xi1>, vector<16xf32>
    %select_n3A_858 = arith.select %or3A_856, %add3A_833, %add3A_824 : vector<16xi1>, vector<16xi32>
    %gt3A_859 = arith.cmpf ogt, %select_n3A_798, %select_n3A_857 : vector<16xf32>
    %eq3A_860 = arith.cmpf oeq, %select_n3A_798, %select_n3A_857 : vector<16xf32>
    %lt3A_861 = arith.cmpi slt, %add3A_842, %select_n3A_858 : vector<16xi32>
    %and3A_862 = arith.andi %eq3A_860, %lt3A_861 : vector<16xi1>
    %or3A_863 = arith.ori %gt3A_859, %and3A_862 : vector<16xi1>
    %select_n3A_864 = arith.select %or3A_863, %select_n3A_798, %select_n3A_857 : vector<16xi1>, vector<16xf32>
    %select_n3A_865 = arith.select %or3A_863, %add3A_842, %select_n3A_858 : vector<16xi1>, vector<16xi32>
    %gt3A_866 = arith.cmpf ogt, %select_n3A_812, %select_n3A_864 : vector<16xf32>
    %eq3A_867 = arith.cmpf oeq, %select_n3A_812, %select_n3A_864 : vector<16xf32>
    %lt3A_868 = arith.cmpi slt, %add3A_851, %select_n3A_865 : vector<16xi32>
    %and3A_869 = arith.andi %eq3A_867, %lt3A_868 : vector<16xi1>
    %or3A_870 = arith.ori %gt3A_866, %and3A_869 : vector<16xi1>
    %select_n3A_871 = arith.select %or3A_870, %select_n3A_812, %select_n3A_864 : vector<16xi1>, vector<16xf32>
    %select_n3A_872 = arith.select %or3A_870, %add3A_851, %select_n3A_865 : vector<16xi1>, vector<16xi32>
    %scan3A_873 = arith.constant 0 : i32
    %mul3A_874 = arith.constant 4 : i32
    %mul3A_875 = arith.muli %scan3A_873, %mul3A_874 : i32
    %add3A_876 = arith.constant 0 : i32
    %add3A_877 = arith.addi %mul3A_875, %add3A_876 : i32
    %mul3A_878 = arith.constant 16 : i32
    %mul3A_879 = arith.muli %add3A_877, %mul3A_878 : i32
    %add3A_880 = arith.constant 768 : i32
    %add3A_881 = arith.addi %add3A_880, %mul3A_879 : i32
    %get3A_882 = arith.index_cast %add3A_881 : i32 to index
    %get3A_883 = tpu.vector_load %arg4[%get3A_882] {strides = array<i32>} : memref<2048xf32, #tpu.memory_space<vmem>>, vector<16xf32>,
    %gt3A_884 = arith.cmpf ogt, %get3A_883, %broadcast_in_dim3A_19 : vector<16xf32>
    %select_n3A_885 = arith.select %gt3A_884, %get3A_883, %broadcast_in_dim3A_19 : vector<16xi1>, vector<16xf32>
    %broadcast_in_dim3A_886 = vector.broadcast %add3A_877 : i32 to vector<16xi32>
    %select_n3A_887 = arith.select %gt3A_884, %broadcast_in_dim3A_886, %broadcast_in_dim3A_21 : vector<16xi1>, vector<16xi32>
    %mul3A_888 = arith.constant 4 : i32
    %mul3A_889 = arith.muli %scan3A_873, %mul3A_888 : i32
    %add3A_890 = arith.constant 1 : i32
    %add3A_891 = arith.addi %mul3A_889, %add3A_890 : i32
    %mul3A_892 = arith.constant 16 : i32
    %mul3A_893 = arith.muli %add3A_891, %mul3A_892 : i32
    %add3A_894 = arith.constant 768 : i32
    %add3A_895 = arith.addi %add3A_894, %mul3A_893 : i32
    %get3A_896 = arith.index_cast %add3A_895 : i32 to index
    %get3A_897 = tpu.vector_load %arg4[%get3A_896] {strides = array<i32>} : memref<2048xf32, #tpu.memory_space<vmem>>, vector<16xf32>,
    %gt3A_898 = arith.cmpf ogt, %get3A_897, %broadcast_in_dim3A_19 : vector<16xf32>
    %select_n3A_899 = arith.select %gt3A_898, %get3A_897, %broadcast_in_dim3A_19 : vector<16xi1>, vector<16xf32>
    %broadcast_in_dim3A_900 = vector.broadcast %add3A_891 : i32 to vector<16xi32>
    %select_n3A_901 = arith.select %gt3A_898, %broadcast_in_dim3A_900, %broadcast_in_dim3A_21 : vector<16xi1>, vector<16xi32>
    %mul3A_902 = arith.constant 4 : i32
    %mul3A_903 = arith.muli %scan3A_873, %mul3A_902 : i32
    %add3A_904 = arith.constant 2 : i32
    %add3A_905 = arith.addi %mul3A_903, %add3A_904 : i32
    %mul3A_906 = arith.constant 16 : i32
    %mul3A_907 = arith.muli %add3A_905, %mul3A_906 : i32
    %add3A_908 = arith.constant 768 : i32
    %add3A_909 = arith.addi %add3A_908, %mul3A_907 : i32
    %get3A_910 = arith.index_cast %add3A_909 : i32 to index
    %get3A_911 = tpu.vector_load %arg4[%get3A_910] {strides = array<i32>} : memref<2048xf32, #tpu.memory_space<vmem>>, vector<16xf32>,
    %gt3A_912 = arith.cmpf ogt, %get3A_911, %broadcast_in_dim3A_19 : vector<16xf32>
    %select_n3A_913 = arith.select %gt3A_912, %get3A_911, %broadcast_in_dim3A_19 : vector<16xi1>, vector<16xf32>
    %broadcast_in_dim3A_914 = vector.broadcast %add3A_905 : i32 to vector<16xi32>
    %select_n3A_915 = arith.select %gt3A_912, %broadcast_in_dim3A_914, %broadcast_in_dim3A_21 : vector<16xi1>, vector<16xi32>
    %mul3A_916 = arith.constant 4 : i32
    %mul3A_917 = arith.muli %scan3A_873, %mul3A_916 : i32
    %add3A_918 = arith.constant 3 : i32
    %add3A_919 = arith.addi %mul3A_917, %add3A_918 : i32
    %mul3A_920 = arith.constant 16 : i32
    %mul3A_921 = arith.muli %add3A_919, %mul3A_920 : i32
    %add3A_922 = arith.constant 768 : i32
    %add3A_923 = arith.addi %add3A_922, %mul3A_921 : i32
    %get3A_924 = arith.index_cast %add3A_923 : i32 to index
    %get3A_925 = tpu.vector_load %arg4[%get3A_924] {strides = array<i32>} : memref<2048xf32, #tpu.memory_space<vmem>>, vector<16xf32>,
    %gt3A_926 = arith.cmpf ogt, %get3A_925, %broadcast_in_dim3A_19 : vector<16xf32>
    %select_n3A_927 = arith.select %gt3A_926, %get3A_925, %broadcast_in_dim3A_19 : vector<16xi1>, vector<16xf32>
    %broadcast_in_dim3A_928 = vector.broadcast %add3A_919 : i32 to vector<16xi32>
    %select_n3A_929 = arith.select %gt3A_926, %broadcast_in_dim3A_928, %broadcast_in_dim3A_21 : vector<16xi1>, vector<16xi32>
    %scan3A_930 = arith.constant 1 : i32
    %mul3A_931 = arith.constant 4 : i32
    %mul3A_932 = arith.muli %scan3A_930, %mul3A_931 : i32
    %add3A_933 = arith.constant 0 : i32
    %add3A_934 = arith.addi %mul3A_932, %add3A_933 : i32
    %mul3A_935 = arith.constant 16 : i32
    %mul3A_936 = arith.muli %add3A_934, %mul3A_935 : i32
    %add3A_937 = arith.constant 768 : i32
    %add3A_938 = arith.addi %add3A_937, %mul3A_936 : i32
    %get3A_939 = arith.index_cast %add3A_938 : i32 to index
    %get3A_940 = tpu.vector_load %arg4[%get3A_939] {strides = array<i32>} : memref<2048xf32, #tpu.memory_space<vmem>>, vector<16xf32>,
    %gt3A_941 = arith.cmpf ogt, %get3A_940, %select_n3A_885 : vector<16xf32>
    %select_n3A_942 = arith.select %gt3A_941, %get3A_940, %select_n3A_885 : vector<16xi1>, vector<16xf32>
    %broadcast_in_dim3A_943 = vector.broadcast %add3A_934 : i32 to vector<16xi32>
    %select_n3A_944 = arith.select %gt3A_941, %broadcast_in_dim3A_943, %select_n3A_887 : vector<16xi1>, vector<16xi32>
    %mul3A_945 = arith.constant 4 : i32
    %mul3A_946 = arith.muli %scan3A_930, %mul3A_945 : i32
    %add3A_947 = arith.constant 1 : i32
    %add3A_948 = arith.addi %mul3A_946, %add3A_947 : i32
    %mul3A_949 = arith.constant 16 : i32
    %mul3A_950 = arith.muli %add3A_948, %mul3A_949 : i32
    %add3A_951 = arith.constant 768 : i32
    %add3A_952 = arith.addi %add3A_951, %mul3A_950 : i32
    %get3A_953 = arith.index_cast %add3A_952 : i32 to index
    %get3A_954 = tpu.vector_load %arg4[%get3A_953] {strides = array<i32>} : memref<2048xf32, #tpu.memory_space<vmem>>, vector<16xf32>,
    %gt3A_955 = arith.cmpf ogt, %get3A_954, %select_n3A_899 : vector<16xf32>
    %select_n3A_956 = arith.select %gt3A_955, %get3A_954, %select_n3A_899 : vector<16xi1>, vector<16xf32>
    %broadcast_in_dim3A_957 = vector.broadcast %add3A_948 : i32 to vector<16xi32>
    %select_n3A_958 = arith.select %gt3A_955, %broadcast_in_dim3A_957, %select_n3A_901 : vector<16xi1>, vector<16xi32>
    %mul3A_959 = arith.constant 4 : i32
    %mul3A_960 = arith.muli %scan3A_930, %mul3A_959 : i32
    %add3A_961 = arith.constant 2 : i32
    %add3A_962 = arith.addi %mul3A_960, %add3A_961 : i32
    %mul3A_963 = arith.constant 16 : i32
    %mul3A_964 = arith.muli %add3A_962, %mul3A_963 : i32
    %add3A_965 = arith.constant 768 : i32
    %add3A_966 = arith.addi %add3A_965, %mul3A_964 : i32
    %get3A_967 = arith.index_cast %add3A_966 : i32 to index
    %get3A_968 = tpu.vector_load %arg4[%get3A_967] {strides = array<i32>} : memref<2048xf32, #tpu.memory_space<vmem>>, vector<16xf32>,
    %gt3A_969 = arith.cmpf ogt, %get3A_968, %select_n3A_913 : vector<16xf32>
    %select_n3A_970 = arith.select %gt3A_969, %get3A_968, %select_n3A_913 : vector<16xi1>, vector<16xf32>
    %broadcast_in_dim3A_971 = vector.broadcast %add3A_962 : i32 to vector<16xi32>
    %select_n3A_972 = arith.select %gt3A_969, %broadcast_in_dim3A_971, %select_n3A_915 : vector<16xi1>, vector<16xi32>
    %mul3A_973 = arith.constant 4 : i32
    %mul3A_974 = arith.muli %scan3A_930, %mul3A_973 : i32
    %add3A_975 = arith.constant 3 : i32
    %add3A_976 = arith.addi %mul3A_974, %add3A_975 : i32
    %mul3A_977 = arith.constant 16 : i32
    %mul3A_978 = arith.muli %add3A_976, %mul3A_977 : i32
    %add3A_979 = arith.constant 768 : i32
    %add3A_980 = arith.addi %add3A_979, %mul3A_978 : i32
    %get3A_981 = arith.index_cast %add3A_980 : i32 to index
    %get3A_982 = tpu.vector_load %arg4[%get3A_981] {strides = array<i32>} : memref<2048xf32, #tpu.memory_space<vmem>>, vector<16xf32>,
    %gt3A_983 = arith.cmpf ogt, %get3A_982, %select_n3A_927 : vector<16xf32>
    %select_n3A_984 = arith.select %gt3A_983, %get3A_982, %select_n3A_927 : vector<16xi1>, vector<16xf32>
    %broadcast_in_dim3A_985 = vector.broadcast %add3A_976 : i32 to vector<16xi32>
    %select_n3A_986 = arith.select %gt3A_983, %broadcast_in_dim3A_985, %select_n3A_929 : vector<16xi1>, vector<16xi32>
    %scan3A_987 = arith.constant 2 : i32
    %mul3A_988 = arith.constant 4 : i32
    %mul3A_989 = arith.muli %scan3A_987, %mul3A_988 : i32
    %add3A_990 = arith.constant 0 : i32
    %add3A_991 = arith.addi %mul3A_989, %add3A_990 : i32
    %mul3A_992 = arith.constant 16 : i32
    %mul3A_993 = arith.muli %add3A_991, %mul3A_992 : i32
    %add3A_994 = arith.constant 768 : i32
    %add3A_995 = arith.addi %add3A_994, %mul3A_993 : i32
    %get3A_996 = arith.index_cast %add3A_995 : i32 to index
    %get3A_997 = tpu.vector_load %arg4[%get3A_996] {strides = array<i32>} : memref<2048xf32, #tpu.memory_space<vmem>>, vector<16xf32>,
    %gt3A_998 = arith.cmpf ogt, %get3A_997, %select_n3A_942 : vector<16xf32>
    %select_n3A_999 = arith.select %gt3A_998, %get3A_997, %select_n3A_942 : vector<16xi1>, vector<16xf32>
    %broadcast_in_dim3A_1000 = vector.broadcast %add3A_991 : i32 to vector<16xi32>
    %select_n3A_1001 = arith.select %gt3A_998, %broadcast_in_dim3A_1000, %select_n3A_944 : vector<16xi1>, vector<16xi32>
    %mul3A_1002 = arith.constant 4 : i32
    %mul3A_1003 = arith.muli %scan3A_987, %mul3A_1002 : i32
    %add3A_1004 = arith.constant 1 : i32
    %add3A_1005 = arith.addi %mul3A_1003, %add3A_1004 : i32
    %mul3A_1006 = arith.constant 16 : i32
    %mul3A_1007 = arith.muli %add3A_1005, %mul3A_1006 : i32
    %add3A_1008 = arith.constant 768 : i32
    %add3A_1009 = arith.addi %add3A_1008, %mul3A_1007 : i32
    %get3A_1010 = arith.index_cast %add3A_1009 : i32 to index
    %get3A_1011 = tpu.vector_load %arg4[%get3A_1010] {strides = array<i32>} : memref<2048xf32, #tpu.memory_space<vmem>>, vector<16xf32>,
    %gt3A_1012 = arith.cmpf ogt, %get3A_1011, %select_n3A_956 : vector<16xf32>
    %select_n3A_1013 = arith.select %gt3A_1012, %get3A_1011, %select_n3A_956 : vector<16xi1>, vector<16xf32>
    %broadcast_in_dim3A_1014 = vector.broadcast %add3A_1005 : i32 to vector<16xi32>
    %select_n3A_1015 = arith.select %gt3A_1012, %broadcast_in_dim3A_1014, %select_n3A_958 : vector<16xi1>, vector<16xi32>
    %mul3A_1016 = arith.constant 4 : i32
    %mul3A_1017 = arith.muli %scan3A_987, %mul3A_1016 : i32
    %add3A_1018 = arith.constant 2 : i32
    %add3A_1019 = arith.addi %mul3A_1017, %add3A_1018 : i32
    %mul3A_1020 = arith.constant 16 : i32
    %mul3A_1021 = arith.muli %add3A_1019, %mul3A_1020 : i32
    %add3A_1022 = arith.constant 768 : i32
    %add3A_1023 = arith.addi %add3A_1022, %mul3A_1021 : i32
    %get3A_1024 = arith.index_cast %add3A_1023 : i32 to index
    %get3A_1025 = tpu.vector_load %arg4[%get3A_1024] {strides = array<i32>} : memref<2048xf32, #tpu.memory_space<vmem>>, vector<16xf32>,
    %gt3A_1026 = arith.cmpf ogt, %get3A_1025, %select_n3A_970 : vector<16xf32>
    %select_n3A_1027 = arith.select %gt3A_1026, %get3A_1025, %select_n3A_970 : vector<16xi1>, vector<16xf32>
    %broadcast_in_dim3A_1028 = vector.broadcast %add3A_1019 : i32 to vector<16xi32>
    %select_n3A_1029 = arith.select %gt3A_1026, %broadcast_in_dim3A_1028, %select_n3A_972 : vector<16xi1>, vector<16xi32>
    %mul3A_1030 = arith.constant 4 : i32
    %mul3A_1031 = arith.muli %scan3A_987, %mul3A_1030 : i32
    %add3A_1032 = arith.constant 3 : i32
    %add3A_1033 = arith.addi %mul3A_1031, %add3A_1032 : i32
    %mul3A_1034 = arith.constant 16 : i32
    %mul3A_1035 = arith.muli %add3A_1033, %mul3A_1034 : i32
    %add3A_1036 = arith.constant 768 : i32
    %add3A_1037 = arith.addi %add3A_1036, %mul3A_1035 : i32
    %get3A_1038 = arith.index_cast %add3A_1037 : i32 to index
    %get3A_1039 = tpu.vector_load %arg4[%get3A_1038] {strides = array<i32>} : memref<2048xf32, #tpu.memory_space<vmem>>, vector<16xf32>,
    %gt3A_1040 = arith.cmpf ogt, %get3A_1039, %select_n3A_984 : vector<16xf32>
    %select_n3A_1041 = arith.select %gt3A_1040, %get3A_1039, %select_n3A_984 : vector<16xi1>, vector<16xf32>
    %broadcast_in_dim3A_1042 = vector.broadcast %add3A_1033 : i32 to vector<16xi32>
    %select_n3A_1043 = arith.select %gt3A_1040, %broadcast_in_dim3A_1042, %select_n3A_986 : vector<16xi1>, vector<16xi32>
    %scan3A_1044 = arith.constant 3 : i32
    %mul3A_1045 = arith.constant 4 : i32
    %mul3A_1046 = arith.muli %scan3A_1044, %mul3A_1045 : i32
    %add3A_1047 = arith.constant 0 : i32
    %add3A_1048 = arith.addi %mul3A_1046, %add3A_1047 : i32
    %mul3A_1049 = arith.constant 16 : i32
    %mul3A_1050 = arith.muli %add3A_1048, %mul3A_1049 : i32
    %add3A_1051 = arith.constant 768 : i32
    %add3A_1052 = arith.addi %add3A_1051, %mul3A_1050 : i32
    %get3A_1053 = arith.index_cast %add3A_1052 : i32 to index
    %get3A_1054 = tpu.vector_load %arg4[%get3A_1053] {strides = array<i32>} : memref<2048xf32, #tpu.memory_space<vmem>>, vector<16xf32>,
    %gt3A_1055 = arith.cmpf ogt, %get3A_1054, %select_n3A_999 : vector<16xf32>
    %select_n3A_1056 = arith.select %gt3A_1055, %get3A_1054, %select_n3A_999 : vector<16xi1>, vector<16xf32>
    %broadcast_in_dim3A_1057 = vector.broadcast %add3A_1048 : i32 to vector<16xi32>
    %select_n3A_1058 = arith.select %gt3A_1055, %broadcast_in_dim3A_1057, %select_n3A_1001 : vector<16xi1>, vector<16xi32>
    %mul3A_1059 = arith.constant 4 : i32
    %mul3A_1060 = arith.muli %scan3A_1044, %mul3A_1059 : i32
    %add3A_1061 = arith.constant 1 : i32
    %add3A_1062 = arith.addi %mul3A_1060, %add3A_1061 : i32
    %mul3A_1063 = arith.constant 16 : i32
    %mul3A_1064 = arith.muli %add3A_1062, %mul3A_1063 : i32
    %add3A_1065 = arith.constant 768 : i32
    %add3A_1066 = arith.addi %add3A_1065, %mul3A_1064 : i32
    %get3A_1067 = arith.index_cast %add3A_1066 : i32 to index
    %get3A_1068 = tpu.vector_load %arg4[%get3A_1067] {strides = array<i32>} : memref<2048xf32, #tpu.memory_space<vmem>>, vector<16xf32>,
    %gt3A_1069 = arith.cmpf ogt, %get3A_1068, %select_n3A_1013 : vector<16xf32>
    %select_n3A_1070 = arith.select %gt3A_1069, %get3A_1068, %select_n3A_1013 : vector<16xi1>, vector<16xf32>
    %broadcast_in_dim3A_1071 = vector.broadcast %add3A_1062 : i32 to vector<16xi32>
    %select_n3A_1072 = arith.select %gt3A_1069, %broadcast_in_dim3A_1071, %select_n3A_1015 : vector<16xi1>, vector<16xi32>
    %mul3A_1073 = arith.constant 4 : i32
    %mul3A_1074 = arith.muli %scan3A_1044, %mul3A_1073 : i32
    %add3A_1075 = arith.constant 2 : i32
    %add3A_1076 = arith.addi %mul3A_1074, %add3A_1075 : i32
    %mul3A_1077 = arith.constant 16 : i32
    %mul3A_1078 = arith.muli %add3A_1076, %mul3A_1077 : i32
    %add3A_1079 = arith.constant 768 : i32
    %add3A_1080 = arith.addi %add3A_1079, %mul3A_1078 : i32
    %get3A_1081 = arith.index_cast %add3A_1080 : i32 to index
    %get3A_1082 = tpu.vector_load %arg4[%get3A_1081] {strides = array<i32>} : memref<2048xf32, #tpu.memory_space<vmem>>, vector<16xf32>,
    %gt3A_1083 = arith.cmpf ogt, %get3A_1082, %select_n3A_1027 : vector<16xf32>
    %select_n3A_1084 = arith.select %gt3A_1083, %get3A_1082, %select_n3A_1027 : vector<16xi1>, vector<16xf32>
    %broadcast_in_dim3A_1085 = vector.broadcast %add3A_1076 : i32 to vector<16xi32>
    %select_n3A_1086 = arith.select %gt3A_1083, %broadcast_in_dim3A_1085, %select_n3A_1029 : vector<16xi1>, vector<16xi32>
    %mul3A_1087 = arith.constant 4 : i32
    %mul3A_1088 = arith.muli %scan3A_1044, %mul3A_1087 : i32
    %add3A_1089 = arith.constant 3 : i32
    %add3A_1090 = arith.addi %mul3A_1088, %add3A_1089 : i32
    %mul3A_1091 = arith.constant 16 : i32
    %mul3A_1092 = arith.muli %add3A_1090, %mul3A_1091 : i32
    %add3A_1093 = arith.constant 768 : i32
    %add3A_1094 = arith.addi %add3A_1093, %mul3A_1092 : i32
    %get3A_1095 = arith.index_cast %add3A_1094 : i32 to index
    %get3A_1096 = tpu.vector_load %arg4[%get3A_1095] {strides = array<i32>} : memref<2048xf32, #tpu.memory_space<vmem>>, vector<16xf32>,
    %gt3A_1097 = arith.cmpf ogt, %get3A_1096, %select_n3A_1041 : vector<16xf32>
    %select_n3A_1098 = arith.select %gt3A_1097, %get3A_1096, %select_n3A_1041 : vector<16xi1>, vector<16xf32>
    %broadcast_in_dim3A_1099 = vector.broadcast %add3A_1090 : i32 to vector<16xi32>
    %select_n3A_1100 = arith.select %gt3A_1097, %broadcast_in_dim3A_1099, %select_n3A_1043 : vector<16xi1>, vector<16xi32>
    %scan3A_1101 = arith.constant 4 : i32
    %mul3A_1102 = arith.constant 16 : i32
    %mul3A_1103 = vector.broadcast %mul3A_1102 : i32 to vector<16xi32>
    %mul3A_1104 = arith.muli %select_n3A_1058, %mul3A_1103 : vector<16xi32>
    %add3A_1105 = arith.addi %mul3A_1104, %iota3A : vector<16xi32>
    %add3A_1106 = arith.constant 768 : i32
    %add3A_1107 = vector.broadcast %add3A_1106 : i32 to vector<16xi32>
    %add3A_1108 = arith.addi %add3A_1105, %add3A_1107 : vector<16xi32>
    %add3A_1109 = vector.broadcast %mul3A_2 : i32 to vector<16xi32>
    %add3A_1110 = arith.addi %add3A_1108, %add3A_1109 : vector<16xi32>
    %mul3A_1111 = arith.constant 16 : i32
    %mul3A_1112 = vector.broadcast %mul3A_1111 : i32 to vector<16xi32>
    %mul3A_1113 = arith.muli %select_n3A_1072, %mul3A_1112 : vector<16xi32>
    %add3A_1114 = arith.addi %mul3A_1113, %iota3A : vector<16xi32>
    %add3A_1115 = arith.constant 768 : i32
    %add3A_1116 = vector.broadcast %add3A_1115 : i32 to vector<16xi32>
    %add3A_1117 = arith.addi %add3A_1114, %add3A_1116 : vector<16xi32>
    %add3A_1118 = vector.broadcast %mul3A_2 : i32 to vector<16xi32>
    %add3A_1119 = arith.addi %add3A_1117, %add3A_1118 : vector<16xi32>
    %mul3A_1120 = arith.constant 16 : i32
    %mul3A_1121 = vector.broadcast %mul3A_1120 : i32 to vector<16xi32>
    %mul3A_1122 = arith.muli %select_n3A_1086, %mul3A_1121 : vector<16xi32>
    %add3A_1123 = arith.addi %mul3A_1122, %iota3A : vector<16xi32>
    %add3A_1124 = arith.constant 768 : i32
    %add3A_1125 = vector.broadcast %add3A_1124 : i32 to vector<16xi32>
    %add3A_1126 = arith.addi %add3A_1123, %add3A_1125 : vector<16xi32>
    %add3A_1127 = vector.broadcast %mul3A_2 : i32 to vector<16xi32>
    %add3A_1128 = arith.addi %add3A_1126, %add3A_1127 : vector<16xi32>
    %mul3A_1129 = arith.constant 16 : i32
    %mul3A_1130 = vector.broadcast %mul3A_1129 : i32 to vector<16xi32>
    %mul3A_1131 = arith.muli %select_n3A_1100, %mul3A_1130 : vector<16xi32>
    %add3A_1132 = arith.addi %mul3A_1131, %iota3A : vector<16xi32>
    %add3A_1133 = arith.constant 768 : i32
    %add3A_1134 = vector.broadcast %add3A_1133 : i32 to vector<16xi32>
    %add3A_1135 = arith.addi %add3A_1132, %add3A_1134 : vector<16xi32>
    %add3A_1136 = vector.broadcast %mul3A_2 : i32 to vector<16xi32>
    %add3A_1137 = arith.addi %add3A_1135, %add3A_1136 : vector<16xi32>
    %gt3A_1138 = arith.cmpf ogt, %select_n3A_1070, %select_n3A_1056 : vector<16xf32>
    %eq3A_1139 = arith.cmpf oeq, %select_n3A_1070, %select_n3A_1056 : vector<16xf32>
    %lt3A_1140 = arith.cmpi slt, %add3A_1119, %add3A_1110 : vector<16xi32>
    %and3A_1141 = arith.andi %eq3A_1139, %lt3A_1140 : vector<16xi1>
    %or3A_1142 = arith.ori %gt3A_1138, %and3A_1141 : vector<16xi1>
    %select_n3A_1143 = arith.select %or3A_1142, %select_n3A_1070, %select_n3A_1056 : vector<16xi1>, vector<16xf32>
    %select_n3A_1144 = arith.select %or3A_1142, %add3A_1119, %add3A_1110 : vector<16xi1>, vector<16xi32>
    %gt3A_1145 = arith.cmpf ogt, %select_n3A_1084, %select_n3A_1143 : vector<16xf32>
    %eq3A_1146 = arith.cmpf oeq, %select_n3A_1084, %select_n3A_1143 : vector<16xf32>
    %lt3A_1147 = arith.cmpi slt, %add3A_1128, %select_n3A_1144 : vector<16xi32>
    %and3A_1148 = arith.andi %eq3A_1146, %lt3A_1147 : vector<16xi1>
    %or3A_1149 = arith.ori %gt3A_1145, %and3A_1148 : vector<16xi1>
    %select_n3A_1150 = arith.select %or3A_1149, %select_n3A_1084, %select_n3A_1143 : vector<16xi1>, vector<16xf32>
    %select_n3A_1151 = arith.select %or3A_1149, %add3A_1128, %select_n3A_1144 : vector<16xi1>, vector<16xi32>
    %gt3A_1152 = arith.cmpf ogt, %select_n3A_1098, %select_n3A_1150 : vector<16xf32>
    %eq3A_1153 = arith.cmpf oeq, %select_n3A_1098, %select_n3A_1150 : vector<16xf32>
    %lt3A_1154 = arith.cmpi slt, %add3A_1137, %select_n3A_1151 : vector<16xi32>
    %and3A_1155 = arith.andi %eq3A_1153, %lt3A_1154 : vector<16xi1>
    %or3A_1156 = arith.ori %gt3A_1152, %and3A_1155 : vector<16xi1>
    %select_n3A_1157 = arith.select %or3A_1156, %select_n3A_1098, %select_n3A_1150 : vector<16xi1>, vector<16xf32>
    %select_n3A_1158 = arith.select %or3A_1156, %add3A_1137, %select_n3A_1151 : vector<16xi1>, vector<16xi32>
    %scan3A_1159 = arith.constant 0 : i32
    %mul3A_1160 = arith.constant 4 : i32
    %mul3A_1161 = arith.muli %scan3A_1159, %mul3A_1160 : i32
    %add3A_1162 = arith.constant 0 : i32
    %add3A_1163 = arith.addi %mul3A_1161, %add3A_1162 : i32
    %mul3A_1164 = arith.constant 16 : i32
    %mul3A_1165 = arith.muli %add3A_1163, %mul3A_1164 : i32
    %add3A_1166 = arith.constant 1024 : i32
    %add3A_1167 = arith.addi %add3A_1166, %mul3A_1165 : i32
    %get3A_1168 = arith.index_cast %add3A_1167 : i32 to index
    %get3A_1169 = tpu.vector_load %arg4[%get3A_1168] {strides = array<i32>} : memref<2048xf32, #tpu.memory_space<vmem>>, vector<16xf32>,
    %gt3A_1170 = arith.cmpf ogt, %get3A_1169, %broadcast_in_dim3A_19 : vector<16xf32>
    %select_n3A_1171 = arith.select %gt3A_1170, %get3A_1169, %broadcast_in_dim3A_19 : vector<16xi1>, vector<16xf32>
    %broadcast_in_dim3A_1172 = vector.broadcast %add3A_1163 : i32 to vector<16xi32>
    %select_n3A_1173 = arith.select %gt3A_1170, %broadcast_in_dim3A_1172, %broadcast_in_dim3A_21 : vector<16xi1>, vector<16xi32>
    %mul3A_1174 = arith.constant 4 : i32
    %mul3A_1175 = arith.muli %scan3A_1159, %mul3A_1174 : i32
    %add3A_1176 = arith.constant 1 : i32
    %add3A_1177 = arith.addi %mul3A_1175, %add3A_1176 : i32
    %mul3A_1178 = arith.constant 16 : i32
    %mul3A_1179 = arith.muli %add3A_1177, %mul3A_1178 : i32
    %add3A_1180 = arith.constant 1024 : i32
    %add3A_1181 = arith.addi %add3A_1180, %mul3A_1179 : i32
    %get3A_1182 = arith.index_cast %add3A_1181 : i32 to index
    %get3A_1183 = tpu.vector_load %arg4[%get3A_1182] {strides = array<i32>} : memref<2048xf32, #tpu.memory_space<vmem>>, vector<16xf32>,
    %gt3A_1184 = arith.cmpf ogt, %get3A_1183, %broadcast_in_dim3A_19 : vector<16xf32>
    %select_n3A_1185 = arith.select %gt3A_1184, %get3A_1183, %broadcast_in_dim3A_19 : vector<16xi1>, vector<16xf32>
    %broadcast_in_dim3A_1186 = vector.broadcast %add3A_1177 : i32 to vector<16xi32>
    %select_n3A_1187 = arith.select %gt3A_1184, %broadcast_in_dim3A_1186, %broadcast_in_dim3A_21 : vector<16xi1>, vector<16xi32>
    %mul3A_1188 = arith.constant 4 : i32
    %mul3A_1189 = arith.muli %scan3A_1159, %mul3A_1188 : i32
    %add3A_1190 = arith.constant 2 : i32
    %add3A_1191 = arith.addi %mul3A_1189, %add3A_1190 : i32
    %mul3A_1192 = arith.constant 16 : i32
    %mul3A_1193 = arith.muli %add3A_1191, %mul3A_1192 : i32
    %add3A_1194 = arith.constant 1024 : i32
    %add3A_1195 = arith.addi %add3A_1194, %mul3A_1193 : i32
    %get3A_1196 = arith.index_cast %add3A_1195 : i32 to index
    %get3A_1197 = tpu.vector_load %arg4[%get3A_1196] {strides = array<i32>} : memref<2048xf32, #tpu.memory_space<vmem>>, vector<16xf32>,
    %gt3A_1198 = arith.cmpf ogt, %get3A_1197, %broadcast_in_dim3A_19 : vector<16xf32>
    %select_n3A_1199 = arith.select %gt3A_1198, %get3A_1197, %broadcast_in_dim3A_19 : vector<16xi1>, vector<16xf32>
    %broadcast_in_dim3A_1200 = vector.broadcast %add3A_1191 : i32 to vector<16xi32>
    %select_n3A_1201 = arith.select %gt3A_1198, %broadcast_in_dim3A_1200, %broadcast_in_dim3A_21 : vector<16xi1>, vector<16xi32>
    %mul3A_1202 = arith.constant 4 : i32
    %mul3A_1203 = arith.muli %scan3A_1159, %mul3A_1202 : i32
    %add3A_1204 = arith.constant 3 : i32
    %add3A_1205 = arith.addi %mul3A_1203, %add3A_1204 : i32
    %mul3A_1206 = arith.constant 16 : i32
    %mul3A_1207 = arith.muli %add3A_1205, %mul3A_1206 : i32
    %add3A_1208 = arith.constant 1024 : i32
    %add3A_1209 = arith.addi %add3A_1208, %mul3A_1207 : i32
    %get3A_1210 = arith.index_cast %add3A_1209 : i32 to index
    %get3A_1211 = tpu.vector_load %arg4[%get3A_1210] {strides = array<i32>} : memref<2048xf32, #tpu.memory_space<vmem>>, vector<16xf32>,
    %gt3A_1212 = arith.cmpf ogt, %get3A_1211, %broadcast_in_dim3A_19 : vector<16xf32>
    %select_n3A_1213 = arith.select %gt3A_1212, %get3A_1211, %broadcast_in_dim3A_19 : vector<16xi1>, vector<16xf32>
    %broadcast_in_dim3A_1214 = vector.broadcast %add3A_1205 : i32 to vector<16xi32>
    %select_n3A_1215 = arith.select %gt3A_1212, %broadcast_in_dim3A_1214, %broadcast_in_dim3A_21 : vector<16xi1>, vector<16xi32>
    %scan3A_1216 = arith.constant 1 : i32
    %mul3A_1217 = arith.constant 4 : i32
    %mul3A_1218 = arith.muli %scan3A_1216, %mul3A_1217 : i32
    %add3A_1219 = arith.constant 0 : i32
    %add3A_1220 = arith.addi %mul3A_1218, %add3A_1219 : i32
    %mul3A_1221 = arith.constant 16 : i32
    %mul3A_1222 = arith.muli %add3A_1220, %mul3A_1221 : i32
    %add3A_1223 = arith.constant 1024 : i32
    %add3A_1224 = arith.addi %add3A_1223, %mul3A_1222 : i32
    %get3A_1225 = arith.index_cast %add3A_1224 : i32 to index
    %get3A_1226 = tpu.vector_load %arg4[%get3A_1225] {strides = array<i32>} : memref<2048xf32, #tpu.memory_space<vmem>>, vector<16xf32>,
    %gt3A_1227 = arith.cmpf ogt, %get3A_1226, %select_n3A_1171 : vector<16xf32>
    %select_n3A_1228 = arith.select %gt3A_1227, %get3A_1226, %select_n3A_1171 : vector<16xi1>, vector<16xf32>
    %broadcast_in_dim3A_1229 = vector.broadcast %add3A_1220 : i32 to vector<16xi32>
    %select_n3A_1230 = arith.select %gt3A_1227, %broadcast_in_dim3A_1229, %select_n3A_1173 : vector<16xi1>, vector<16xi32>
    %mul3A_1231 = arith.constant 4 : i32
    %mul3A_1232 = arith.muli %scan3A_1216, %mul3A_1231 : i32
    %add3A_1233 = arith.constant 1 : i32
    %add3A_1234 = arith.addi %mul3A_1232, %add3A_1233 : i32
    %mul3A_1235 = arith.constant 16 : i32
    %mul3A_1236 = arith.muli %add3A_1234, %mul3A_1235 : i32
    %add3A_1237 = arith.constant 1024 : i32
    %add3A_1238 = arith.addi %add3A_1237, %mul3A_1236 : i32
    %get3A_1239 = arith.index_cast %add3A_1238 : i32 to index
    %get3A_1240 = tpu.vector_load %arg4[%get3A_1239] {strides = array<i32>} : memref<2048xf32, #tpu.memory_space<vmem>>, vector<16xf32>,
    %gt3A_1241 = arith.cmpf ogt, %get3A_1240, %select_n3A_1185 : vector<16xf32>
    %select_n3A_1242 = arith.select %gt3A_1241, %get3A_1240, %select_n3A_1185 : vector<16xi1>, vector<16xf32>
    %broadcast_in_dim3A_1243 = vector.broadcast %add3A_1234 : i32 to vector<16xi32>
    %select_n3A_1244 = arith.select %gt3A_1241, %broadcast_in_dim3A_1243, %select_n3A_1187 : vector<16xi1>, vector<16xi32>
    %mul3A_1245 = arith.constant 4 : i32
    %mul3A_1246 = arith.muli %scan3A_1216, %mul3A_1245 : i32
    %add3A_1247 = arith.constant 2 : i32
    %add3A_1248 = arith.addi %mul3A_1246, %add3A_1247 : i32
    %mul3A_1249 = arith.constant 16 : i32
    %mul3A_1250 = arith.muli %add3A_1248, %mul3A_1249 : i32
    %add3A_1251 = arith.constant 1024 : i32
    %add3A_1252 = arith.addi %add3A_1251, %mul3A_1250 : i32
    %get3A_1253 = arith.index_cast %add3A_1252 : i32 to index
    %get3A_1254 = tpu.vector_load %arg4[%get3A_1253] {strides = array<i32>} : memref<2048xf32, #tpu.memory_space<vmem>>, vector<16xf32>,
    %gt3A_1255 = arith.cmpf ogt, %get3A_1254, %select_n3A_1199 : vector<16xf32>
    %select_n3A_1256 = arith.select %gt3A_1255, %get3A_1254, %select_n3A_1199 : vector<16xi1>, vector<16xf32>
    %broadcast_in_dim3A_1257 = vector.broadcast %add3A_1248 : i32 to vector<16xi32>
    %select_n3A_1258 = arith.select %gt3A_1255, %broadcast_in_dim3A_1257, %select_n3A_1201 : vector<16xi1>, vector<16xi32>
    %mul3A_1259 = arith.constant 4 : i32
    %mul3A_1260 = arith.muli %scan3A_1216, %mul3A_1259 : i32
    %add3A_1261 = arith.constant 3 : i32
    %add3A_1262 = arith.addi %mul3A_1260, %add3A_1261 : i32
    %mul3A_1263 = arith.constant 16 : i32
    %mul3A_1264 = arith.muli %add3A_1262, %mul3A_1263 : i32
    %add3A_1265 = arith.constant 1024 : i32
    %add3A_1266 = arith.addi %add3A_1265, %mul3A_1264 : i32
    %get3A_1267 = arith.index_cast %add3A_1266 : i32 to index
    %get3A_1268 = tpu.vector_load %arg4[%get3A_1267] {strides = array<i32>} : memref<2048xf32, #tpu.memory_space<vmem>>, vector<16xf32>,
    %gt3A_1269 = arith.cmpf ogt, %get3A_1268, %select_n3A_1213 : vector<16xf32>
    %select_n3A_1270 = arith.select %gt3A_1269, %get3A_1268, %select_n3A_1213 : vector<16xi1>, vector<16xf32>
    %broadcast_in_dim3A_1271 = vector.broadcast %add3A_1262 : i32 to vector<16xi32>
    %select_n3A_1272 = arith.select %gt3A_1269, %broadcast_in_dim3A_1271, %select_n3A_1215 : vector<16xi1>, vector<16xi32>
    %scan3A_1273 = arith.constant 2 : i32
    %mul3A_1274 = arith.constant 4 : i32
    %mul3A_1275 = arith.muli %scan3A_1273, %mul3A_1274 : i32
    %add3A_1276 = arith.constant 0 : i32
    %add3A_1277 = arith.addi %mul3A_1275, %add3A_1276 : i32
    %mul3A_1278 = arith.constant 16 : i32
    %mul3A_1279 = arith.muli %add3A_1277, %mul3A_1278 : i32
    %add3A_1280 = arith.constant 1024 : i32
    %add3A_1281 = arith.addi %add3A_1280, %mul3A_1279 : i32
    %get3A_1282 = arith.index_cast %add3A_1281 : i32 to index
    %get3A_1283 = tpu.vector_load %arg4[%get3A_1282] {strides = array<i32>} : memref<2048xf32, #tpu.memory_space<vmem>>, vector<16xf32>,
    %gt3A_1284 = arith.cmpf ogt, %get3A_1283, %select_n3A_1228 : vector<16xf32>
    %select_n3A_1285 = arith.select %gt3A_1284, %get3A_1283, %select_n3A_1228 : vector<16xi1>, vector<16xf32>
    %broadcast_in_dim3A_1286 = vector.broadcast %add3A_1277 : i32 to vector<16xi32>
    %select_n3A_1287 = arith.select %gt3A_1284, %broadcast_in_dim3A_1286, %select_n3A_1230 : vector<16xi1>, vector<16xi32>
    %mul3A_1288 = arith.constant 4 : i32
    %mul3A_1289 = arith.muli %scan3A_1273, %mul3A_1288 : i32
    %add3A_1290 = arith.constant 1 : i32
    %add3A_1291 = arith.addi %mul3A_1289, %add3A_1290 : i32
    %mul3A_1292 = arith.constant 16 : i32
    %mul3A_1293 = arith.muli %add3A_1291, %mul3A_1292 : i32
    %add3A_1294 = arith.constant 1024 : i32
    %add3A_1295 = arith.addi %add3A_1294, %mul3A_1293 : i32
    %get3A_1296 = arith.index_cast %add3A_1295 : i32 to index
    %get3A_1297 = tpu.vector_load %arg4[%get3A_1296] {strides = array<i32>} : memref<2048xf32, #tpu.memory_space<vmem>>, vector<16xf32>,
    %gt3A_1298 = arith.cmpf ogt, %get3A_1297, %select_n3A_1242 : vector<16xf32>
    %select_n3A_1299 = arith.select %gt3A_1298, %get3A_1297, %select_n3A_1242 : vector<16xi1>, vector<16xf32>
    %broadcast_in_dim3A_1300 = vector.broadcast %add3A_1291 : i32 to vector<16xi32>
    %select_n3A_1301 = arith.select %gt3A_1298, %broadcast_in_dim3A_1300, %select_n3A_1244 : vector<16xi1>, vector<16xi32>
    %mul3A_1302 = arith.constant 4 : i32
    %mul3A_1303 = arith.muli %scan3A_1273, %mul3A_1302 : i32
    %add3A_1304 = arith.constant 2 : i32
    %add3A_1305 = arith.addi %mul3A_1303, %add3A_1304 : i32
    %mul3A_1306 = arith.constant 16 : i32
    %mul3A_1307 = arith.muli %add3A_1305, %mul3A_1306 : i32
    %add3A_1308 = arith.constant 1024 : i32
    %add3A_1309 = arith.addi %add3A_1308, %mul3A_1307 : i32
    %get3A_1310 = arith.index_cast %add3A_1309 : i32 to index
    %get3A_1311 = tpu.vector_load %arg4[%get3A_1310] {strides = array<i32>} : memref<2048xf32, #tpu.memory_space<vmem>>, vector<16xf32>,
    %gt3A_1312 = arith.cmpf ogt, %get3A_1311, %select_n3A_1256 : vector<16xf32>
    %select_n3A_1313 = arith.select %gt3A_1312, %get3A_1311, %select_n3A_1256 : vector<16xi1>, vector<16xf32>
    %broadcast_in_dim3A_1314 = vector.broadcast %add3A_1305 : i32 to vector<16xi32>
    %select_n3A_1315 = arith.select %gt3A_1312, %broadcast_in_dim3A_1314, %select_n3A_1258 : vector<16xi1>, vector<16xi32>
    %mul3A_1316 = arith.constant 4 : i32
    %mul3A_1317 = arith.muli %scan3A_1273, %mul3A_1316 : i32
    %add3A_1318 = arith.constant 3 : i32
    %add3A_1319 = arith.addi %mul3A_1317, %add3A_1318 : i32
    %mul3A_1320 = arith.constant 16 : i32
    %mul3A_1321 = arith.muli %add3A_1319, %mul3A_1320 : i32
    %add3A_1322 = arith.constant 1024 : i32
    %add3A_1323 = arith.addi %add3A_1322, %mul3A_1321 : i32
    %get3A_1324 = arith.index_cast %add3A_1323 : i32 to index
    %get3A_1325 = tpu.vector_load %arg4[%get3A_1324] {strides = array<i32>} : memref<2048xf32, #tpu.memory_space<vmem>>, vector<16xf32>,
    %gt3A_1326 = arith.cmpf ogt, %get3A_1325, %select_n3A_1270 : vector<16xf32>
    %select_n3A_1327 = arith.select %gt3A_1326, %get3A_1325, %select_n3A_1270 : vector<16xi1>, vector<16xf32>
    %broadcast_in_dim3A_1328 = vector.broadcast %add3A_1319 : i32 to vector<16xi32>
    %select_n3A_1329 = arith.select %gt3A_1326, %broadcast_in_dim3A_1328, %select_n3A_1272 : vector<16xi1>, vector<16xi32>
    %scan3A_1330 = arith.constant 3 : i32
    %mul3A_1331 = arith.constant 4 : i32
    %mul3A_1332 = arith.muli %scan3A_1330, %mul3A_1331 : i32
    %add3A_1333 = arith.constant 0 : i32
    %add3A_1334 = arith.addi %mul3A_1332, %add3A_1333 : i32
    %mul3A_1335 = arith.constant 16 : i32
    %mul3A_1336 = arith.muli %add3A_1334, %mul3A_1335 : i32
    %add3A_1337 = arith.constant 1024 : i32
    %add3A_1338 = arith.addi %add3A_1337, %mul3A_1336 : i32
    %get3A_1339 = arith.index_cast %add3A_1338 : i32 to index
    %get3A_1340 = tpu.vector_load %arg4[%get3A_1339] {strides = array<i32>} : memref<2048xf32, #tpu.memory_space<vmem>>, vector<16xf32>,
    %gt3A_1341 = arith.cmpf ogt, %get3A_1340, %select_n3A_1285 : vector<16xf32>
    %select_n3A_1342 = arith.select %gt3A_1341, %get3A_1340, %select_n3A_1285 : vector<16xi1>, vector<16xf32>
    %broadcast_in_dim3A_1343 = vector.broadcast %add3A_1334 : i32 to vector<16xi32>
    %select_n3A_1344 = arith.select %gt3A_1341, %broadcast_in_dim3A_1343, %select_n3A_1287 : vector<16xi1>, vector<16xi32>
    %mul3A_1345 = arith.constant 4 : i32
    %mul3A_1346 = arith.muli %scan3A_1330, %mul3A_1345 : i32
    %add3A_1347 = arith.constant 1 : i32
    %add3A_1348 = arith.addi %mul3A_1346, %add3A_1347 : i32
    %mul3A_1349 = arith.constant 16 : i32
    %mul3A_1350 = arith.muli %add3A_1348, %mul3A_1349 : i32
    %add3A_1351 = arith.constant 1024 : i32
    %add3A_1352 = arith.addi %add3A_1351, %mul3A_1350 : i32
    %get3A_1353 = arith.index_cast %add3A_1352 : i32 to index
    %get3A_1354 = tpu.vector_load %arg4[%get3A_1353] {strides = array<i32>} : memref<2048xf32, #tpu.memory_space<vmem>>, vector<16xf32>,
    %gt3A_1355 = arith.cmpf ogt, %get3A_1354, %select_n3A_1299 : vector<16xf32>
    %select_n3A_1356 = arith.select %gt3A_1355, %get3A_1354, %select_n3A_1299 : vector<16xi1>, vector<16xf32>
    %broadcast_in_dim3A_1357 = vector.broadcast %add3A_1348 : i32 to vector<16xi32>
    %select_n3A_1358 = arith.select %gt3A_1355, %broadcast_in_dim3A_1357, %select_n3A_1301 : vector<16xi1>, vector<16xi32>
    %mul3A_1359 = arith.constant 4 : i32
    %mul3A_1360 = arith.muli %scan3A_1330, %mul3A_1359 : i32
    %add3A_1361 = arith.constant 2 : i32
    %add3A_1362 = arith.addi %mul3A_1360, %add3A_1361 : i32
    %mul3A_1363 = arith.constant 16 : i32
    %mul3A_1364 = arith.muli %add3A_1362, %mul3A_1363 : i32
    %add3A_1365 = arith.constant 1024 : i32
    %add3A_1366 = arith.addi %add3A_1365, %mul3A_1364 : i32
    %get3A_1367 = arith.index_cast %add3A_1366 : i32 to index
    %get3A_1368 = tpu.vector_load %arg4[%get3A_1367] {strides = array<i32>} : memref<2048xf32, #tpu.memory_space<vmem>>, vector<16xf32>,
    %gt3A_1369 = arith.cmpf ogt, %get3A_1368, %select_n3A_1313 : vector<16xf32>
    %select_n3A_1370 = arith.select %gt3A_1369, %get3A_1368, %select_n3A_1313 : vector<16xi1>, vector<16xf32>
    %broadcast_in_dim3A_1371 = vector.broadcast %add3A_1362 : i32 to vector<16xi32>
    %select_n3A_1372 = arith.select %gt3A_1369, %broadcast_in_dim3A_1371, %select_n3A_1315 : vector<16xi1>, vector<16xi32>
    %mul3A_1373 = arith.constant 4 : i32
    %mul3A_1374 = arith.muli %scan3A_1330, %mul3A_1373 : i32
    %add3A_1375 = arith.constant 3 : i32
    %add3A_1376 = arith.addi %mul3A_1374, %add3A_1375 : i32
    %mul3A_1377 = arith.constant 16 : i32
    %mul3A_1378 = arith.muli %add3A_1376, %mul3A_1377 : i32
    %add3A_1379 = arith.constant 1024 : i32
    %add3A_1380 = arith.addi %add3A_1379, %mul3A_1378 : i32
    %get3A_1381 = arith.index_cast %add3A_1380 : i32 to index
    %get3A_1382 = tpu.vector_load %arg4[%get3A_1381] {strides = array<i32>} : memref<2048xf32, #tpu.memory_space<vmem>>, vector<16xf32>,
    %gt3A_1383 = arith.cmpf ogt, %get3A_1382, %select_n3A_1327 : vector<16xf32>
    %select_n3A_1384 = arith.select %gt3A_1383, %get3A_1382, %select_n3A_1327 : vector<16xi1>, vector<16xf32>
    %broadcast_in_dim3A_1385 = vector.broadcast %add3A_1376 : i32 to vector<16xi32>
    %select_n3A_1386 = arith.select %gt3A_1383, %broadcast_in_dim3A_1385, %select_n3A_1329 : vector<16xi1>, vector<16xi32>
    %scan3A_1387 = arith.constant 4 : i32
    %mul3A_1388 = arith.constant 16 : i32
    %mul3A_1389 = vector.broadcast %mul3A_1388 : i32 to vector<16xi32>
    %mul3A_1390 = arith.muli %select_n3A_1344, %mul3A_1389 : vector<16xi32>
    %add3A_1391 = arith.addi %mul3A_1390, %iota3A : vector<16xi32>
    %add3A_1392 = arith.constant 1024 : i32
    %add3A_1393 = vector.broadcast %add3A_1392 : i32 to vector<16xi32>
    %add3A_1394 = arith.addi %add3A_1391, %add3A_1393 : vector<16xi32>
    %add3A_1395 = vector.broadcast %mul3A_2 : i32 to vector<16xi32>
    %add3A_1396 = arith.addi %add3A_1394, %add3A_1395 : vector<16xi32>
    %mul3A_1397 = arith.constant 16 : i32
    %mul3A_1398 = vector.broadcast %mul3A_1397 : i32 to vector<16xi32>
    %mul3A_1399 = arith.muli %select_n3A_1358, %mul3A_1398 : vector<16xi32>
    %add3A_1400 = arith.addi %mul3A_1399, %iota3A : vector<16xi32>
    %add3A_1401 = arith.constant 1024 : i32
    %add3A_1402 = vector.broadcast %add3A_1401 : i32 to vector<16xi32>
    %add3A_1403 = arith.addi %add3A_1400, %add3A_1402 : vector<16xi32>
    %add3A_1404 = vector.broadcast %mul3A_2 : i32 to vector<16xi32>
    %add3A_1405 = arith.addi %add3A_1403, %add3A_1404 : vector<16xi32>
    %mul3A_1406 = arith.constant 16 : i32
    %mul3A_1407 = vector.broadcast %mul3A_1406 : i32 to vector<16xi32>
    %mul3A_1408 = arith.muli %select_n3A_1372, %mul3A_1407 : vector<16xi32>
    %add3A_1409 = arith.addi %mul3A_1408, %iota3A : vector<16xi32>
    %add3A_1410 = arith.constant 1024 : i32
    %add3A_1411 = vector.broadcast %add3A_1410 : i32 to vector<16xi32>
    %add3A_1412 = arith.addi %add3A_1409, %add3A_1411 : vector<16xi32>
    %add3A_1413 = vector.broadcast %mul3A_2 : i32 to vector<16xi32>
    %add3A_1414 = arith.addi %add3A_1412, %add3A_1413 : vector<16xi32>
    %mul3A_1415 = arith.constant 16 : i32
    %mul3A_1416 = vector.broadcast %mul3A_1415 : i32 to vector<16xi32>
    %mul3A_1417 = arith.muli %select_n3A_1386, %mul3A_1416 : vector<16xi32>
    %add3A_1418 = arith.addi %mul3A_1417, %iota3A : vector<16xi32>
    %add3A_1419 = arith.constant 1024 : i32
    %add3A_1420 = vector.broadcast %add3A_1419 : i32 to vector<16xi32>
    %add3A_1421 = arith.addi %add3A_1418, %add3A_1420 : vector<16xi32>
    %add3A_1422 = vector.broadcast %mul3A_2 : i32 to vector<16xi32>
    %add3A_1423 = arith.addi %add3A_1421, %add3A_1422 : vector<16xi32>
    %gt3A_1424 = arith.cmpf ogt, %select_n3A_1356, %select_n3A_1342 : vector<16xf32>
    %eq3A_1425 = arith.cmpf oeq, %select_n3A_1356, %select_n3A_1342 : vector<16xf32>
    %lt3A_1426 = arith.cmpi slt, %add3A_1405, %add3A_1396 : vector<16xi32>
    %and3A_1427 = arith.andi %eq3A_1425, %lt3A_1426 : vector<16xi1>
    %or3A_1428 = arith.ori %gt3A_1424, %and3A_1427 : vector<16xi1>
    %select_n3A_1429 = arith.select %or3A_1428, %select_n3A_1356, %select_n3A_1342 : vector<16xi1>, vector<16xf32>
    %select_n3A_1430 = arith.select %or3A_1428, %add3A_1405, %add3A_1396 : vector<16xi1>, vector<16xi32>
    %gt3A_1431 = arith.cmpf ogt, %select_n3A_1370, %select_n3A_1429 : vector<16xf32>
    %eq3A_1432 = arith.cmpf oeq, %select_n3A_1370, %select_n3A_1429 : vector<16xf32>
    %lt3A_1433 = arith.cmpi slt, %add3A_1414, %select_n3A_1430 : vector<16xi32>
    %and3A_1434 = arith.andi %eq3A_1432, %lt3A_1433 : vector<16xi1>
    %or3A_1435 = arith.ori %gt3A_1431, %and3A_1434 : vector<16xi1>
    %select_n3A_1436 = arith.select %or3A_1435, %select_n3A_1370, %select_n3A_1429 : vector<16xi1>, vector<16xf32>
    %select_n3A_1437 = arith.select %or3A_1435, %add3A_1414, %select_n3A_1430 : vector<16xi1>, vector<16xi32>
    %gt3A_1438 = arith.cmpf ogt, %select_n3A_1384, %select_n3A_1436 : vector<16xf32>
    %eq3A_1439 = arith.cmpf oeq, %select_n3A_1384, %select_n3A_1436 : vector<16xf32>
    %lt3A_1440 = arith.cmpi slt, %add3A_1423, %select_n3A_1437 : vector<16xi32>
    %and3A_1441 = arith.andi %eq3A_1439, %lt3A_1440 : vector<16xi1>
    %or3A_1442 = arith.ori %gt3A_1438, %and3A_1441 : vector<16xi1>
    %select_n3A_1443 = arith.select %or3A_1442, %select_n3A_1384, %select_n3A_1436 : vector<16xi1>, vector<16xf32>
    %select_n3A_1444 = arith.select %or3A_1442, %add3A_1423, %select_n3A_1437 : vector<16xi1>, vector<16xi32>
    %scan3A_1445 = arith.constant 0 : i32
    %mul3A_1446 = arith.constant 4 : i32
    %mul3A_1447 = arith.muli %scan3A_1445, %mul3A_1446 : i32
    %add3A_1448 = arith.constant 0 : i32
    %add3A_1449 = arith.addi %mul3A_1447, %add3A_1448 : i32
    %mul3A_1450 = arith.constant 16 : i32
    %mul3A_1451 = arith.muli %add3A_1449, %mul3A_1450 : i32
    %add3A_1452 = arith.constant 1280 : i32
    %add3A_1453 = arith.addi %add3A_1452, %mul3A_1451 : i32
    %get3A_1454 = arith.index_cast %add3A_1453 : i32 to index
    %get3A_1455 = tpu.vector_load %arg4[%get3A_1454] {strides = array<i32>} : memref<2048xf32, #tpu.memory_space<vmem>>, vector<16xf32>,
    %gt3A_1456 = arith.cmpf ogt, %get3A_1455, %broadcast_in_dim3A_19 : vector<16xf32>
    %select_n3A_1457 = arith.select %gt3A_1456, %get3A_1455, %broadcast_in_dim3A_19 : vector<16xi1>, vector<16xf32>
    %broadcast_in_dim3A_1458 = vector.broadcast %add3A_1449 : i32 to vector<16xi32>
    %select_n3A_1459 = arith.select %gt3A_1456, %broadcast_in_dim3A_1458, %broadcast_in_dim3A_21 : vector<16xi1>, vector<16xi32>
    %mul3A_1460 = arith.constant 4 : i32
    %mul3A_1461 = arith.muli %scan3A_1445, %mul3A_1460 : i32
    %add3A_1462 = arith.constant 1 : i32
    %add3A_1463 = arith.addi %mul3A_1461, %add3A_1462 : i32
    %mul3A_1464 = arith.constant 16 : i32
    %mul3A_1465 = arith.muli %add3A_1463, %mul3A_1464 : i32
    %add3A_1466 = arith.constant 1280 : i32
    %add3A_1467 = arith.addi %add3A_1466, %mul3A_1465 : i32
    %get3A_1468 = arith.index_cast %add3A_1467 : i32 to index
    %get3A_1469 = tpu.vector_load %arg4[%get3A_1468] {strides = array<i32>} : memref<2048xf32, #tpu.memory_space<vmem>>, vector<16xf32>,
    %gt3A_1470 = arith.cmpf ogt, %get3A_1469, %broadcast_in_dim3A_19 : vector<16xf32>
    %select_n3A_1471 = arith.select %gt3A_1470, %get3A_1469, %broadcast_in_dim3A_19 : vector<16xi1>, vector<16xf32>
    %broadcast_in_dim3A_1472 = vector.broadcast %add3A_1463 : i32 to vector<16xi32>
    %select_n3A_1473 = arith.select %gt3A_1470, %broadcast_in_dim3A_1472, %broadcast_in_dim3A_21 : vector<16xi1>, vector<16xi32>
    %mul3A_1474 = arith.constant 4 : i32
    %mul3A_1475 = arith.muli %scan3A_1445, %mul3A_1474 : i32
    %add3A_1476 = arith.constant 2 : i32
    %add3A_1477 = arith.addi %mul3A_1475, %add3A_1476 : i32
    %mul3A_1478 = arith.constant 16 : i32
    %mul3A_1479 = arith.muli %add3A_1477, %mul3A_1478 : i32
    %add3A_1480 = arith.constant 1280 : i32
    %add3A_1481 = arith.addi %add3A_1480, %mul3A_1479 : i32
    %get3A_1482 = arith.index_cast %add3A_1481 : i32 to index
    %get3A_1483 = tpu.vector_load %arg4[%get3A_1482] {strides = array<i32>} : memref<2048xf32, #tpu.memory_space<vmem>>, vector<16xf32>,
    %gt3A_1484 = arith.cmpf ogt, %get3A_1483, %broadcast_in_dim3A_19 : vector<16xf32>
    %select_n3A_1485 = arith.select %gt3A_1484, %get3A_1483, %broadcast_in_dim3A_19 : vector<16xi1>, vector<16xf32>
    %broadcast_in_dim3A_1486 = vector.broadcast %add3A_1477 : i32 to vector<16xi32>
    %select_n3A_1487 = arith.select %gt3A_1484, %broadcast_in_dim3A_1486, %broadcast_in_dim3A_21 : vector<16xi1>, vector<16xi32>
    %mul3A_1488 = arith.constant 4 : i32
    %mul3A_1489 = arith.muli %scan3A_1445, %mul3A_1488 : i32
    %add3A_1490 = arith.constant 3 : i32
    %add3A_1491 = arith.addi %mul3A_1489, %add3A_1490 : i32
    %mul3A_1492 = arith.constant 16 : i32
    %mul3A_1493 = arith.muli %add3A_1491, %mul3A_1492 : i32
    %add3A_1494 = arith.constant 1280 : i32
    %add3A_1495 = arith.addi %add3A_1494, %mul3A_1493 : i32
    %get3A_1496 = arith.index_cast %add3A_1495 : i32 to index
    %get3A_1497 = tpu.vector_load %arg4[%get3A_1496] {strides = array<i32>} : memref<2048xf32, #tpu.memory_space<vmem>>, vector<16xf32>,
    %gt3A_1498 = arith.cmpf ogt, %get3A_1497, %broadcast_in_dim3A_19 : vector<16xf32>
    %select_n3A_1499 = arith.select %gt3A_1498, %get3A_1497, %broadcast_in_dim3A_19 : vector<16xi1>, vector<16xf32>
    %broadcast_in_dim3A_1500 = vector.broadcast %add3A_1491 : i32 to vector<16xi32>
    %select_n3A_1501 = arith.select %gt3A_1498, %broadcast_in_dim3A_1500, %broadcast_in_dim3A_21 : vector<16xi1>, vector<16xi32>
    %scan3A_1502 = arith.constant 1 : i32
    %mul3A_1503 = arith.constant 4 : i32
    %mul3A_1504 = arith.muli %scan3A_1502, %mul3A_1503 : i32
    %add3A_1505 = arith.constant 0 : i32
    %add3A_1506 = arith.addi %mul3A_1504, %add3A_1505 : i32
    %mul3A_1507 = arith.constant 16 : i32
    %mul3A_1508 = arith.muli %add3A_1506, %mul3A_1507 : i32
    %add3A_1509 = arith.constant 1280 : i32
    %add3A_1510 = arith.addi %add3A_1509, %mul3A_1508 : i32
    %get3A_1511 = arith.index_cast %add3A_1510 : i32 to index
    %get3A_1512 = tpu.vector_load %arg4[%get3A_1511] {strides = array<i32>} : memref<2048xf32, #tpu.memory_space<vmem>>, vector<16xf32>,
    %gt3A_1513 = arith.cmpf ogt, %get3A_1512, %select_n3A_1457 : vector<16xf32>
    %select_n3A_1514 = arith.select %gt3A_1513, %get3A_1512, %select_n3A_1457 : vector<16xi1>, vector<16xf32>
    %broadcast_in_dim3A_1515 = vector.broadcast %add3A_1506 : i32 to vector<16xi32>
    %select_n3A_1516 = arith.select %gt3A_1513, %broadcast_in_dim3A_1515, %select_n3A_1459 : vector<16xi1>, vector<16xi32>
    %mul3A_1517 = arith.constant 4 : i32
    %mul3A_1518 = arith.muli %scan3A_1502, %mul3A_1517 : i32
    %add3A_1519 = arith.constant 1 : i32
    %add3A_1520 = arith.addi %mul3A_1518, %add3A_1519 : i32
    %mul3A_1521 = arith.constant 16 : i32
    %mul3A_1522 = arith.muli %add3A_1520, %mul3A_1521 : i32
    %add3A_1523 = arith.constant 1280 : i32
    %add3A_1524 = arith.addi %add3A_1523, %mul3A_1522 : i32
    %get3A_1525 = arith.index_cast %add3A_1524 : i32 to index
    %get3A_1526 = tpu.vector_load %arg4[%get3A_1525] {strides = array<i32>} : memref<2048xf32, #tpu.memory_space<vmem>>, vector<16xf32>,
    %gt3A_1527 = arith.cmpf ogt, %get3A_1526, %select_n3A_1471 : vector<16xf32>
    %select_n3A_1528 = arith.select %gt3A_1527, %get3A_1526, %select_n3A_1471 : vector<16xi1>, vector<16xf32>
    %broadcast_in_dim3A_1529 = vector.broadcast %add3A_1520 : i32 to vector<16xi32>
    %select_n3A_1530 = arith.select %gt3A_1527, %broadcast_in_dim3A_1529, %select_n3A_1473 : vector<16xi1>, vector<16xi32>
    %mul3A_1531 = arith.constant 4 : i32
    %mul3A_1532 = arith.muli %scan3A_1502, %mul3A_1531 : i32
    %add3A_1533 = arith.constant 2 : i32
    %add3A_1534 = arith.addi %mul3A_1532, %add3A_1533 : i32
    %mul3A_1535 = arith.constant 16 : i32
    %mul3A_1536 = arith.muli %add3A_1534, %mul3A_1535 : i32
    %add3A_1537 = arith.constant 1280 : i32
    %add3A_1538 = arith.addi %add3A_1537, %mul3A_1536 : i32
    %get3A_1539 = arith.index_cast %add3A_1538 : i32 to index
    %get3A_1540 = tpu.vector_load %arg4[%get3A_1539] {strides = array<i32>} : memref<2048xf32, #tpu.memory_space<vmem>>, vector<16xf32>,
    %gt3A_1541 = arith.cmpf ogt, %get3A_1540, %select_n3A_1485 : vector<16xf32>
    %select_n3A_1542 = arith.select %gt3A_1541, %get3A_1540, %select_n3A_1485 : vector<16xi1>, vector<16xf32>
    %broadcast_in_dim3A_1543 = vector.broadcast %add3A_1534 : i32 to vector<16xi32>
    %select_n3A_1544 = arith.select %gt3A_1541, %broadcast_in_dim3A_1543, %select_n3A_1487 : vector<16xi1>, vector<16xi32>
    %mul3A_1545 = arith.constant 4 : i32
    %mul3A_1546 = arith.muli %scan3A_1502, %mul3A_1545 : i32
    %add3A_1547 = arith.constant 3 : i32
    %add3A_1548 = arith.addi %mul3A_1546, %add3A_1547 : i32
    %mul3A_1549 = arith.constant 16 : i32
    %mul3A_1550 = arith.muli %add3A_1548, %mul3A_1549 : i32
    %add3A_1551 = arith.constant 1280 : i32
    %add3A_1552 = arith.addi %add3A_1551, %mul3A_1550 : i32
    %get3A_1553 = arith.index_cast %add3A_1552 : i32 to index
    %get3A_1554 = tpu.vector_load %arg4[%get3A_1553] {strides = array<i32>} : memref<2048xf32, #tpu.memory_space<vmem>>, vector<16xf32>,
    %gt3A_1555 = arith.cmpf ogt, %get3A_1554, %select_n3A_1499 : vector<16xf32>
    %select_n3A_1556 = arith.select %gt3A_1555, %get3A_1554, %select_n3A_1499 : vector<16xi1>, vector<16xf32>
    %broadcast_in_dim3A_1557 = vector.broadcast %add3A_1548 : i32 to vector<16xi32>
    %select_n3A_1558 = arith.select %gt3A_1555, %broadcast_in_dim3A_1557, %select_n3A_1501 : vector<16xi1>, vector<16xi32>
    %scan3A_1559 = arith.constant 2 : i32
    %mul3A_1560 = arith.constant 4 : i32
    %mul3A_1561 = arith.muli %scan3A_1559, %mul3A_1560 : i32
    %add3A_1562 = arith.constant 0 : i32
    %add3A_1563 = arith.addi %mul3A_1561, %add3A_1562 : i32
    %mul3A_1564 = arith.constant 16 : i32
    %mul3A_1565 = arith.muli %add3A_1563, %mul3A_1564 : i32
    %add3A_1566 = arith.constant 1280 : i32
    %add3A_1567 = arith.addi %add3A_1566, %mul3A_1565 : i32
    %get3A_1568 = arith.index_cast %add3A_1567 : i32 to index
    %get3A_1569 = tpu.vector_load %arg4[%get3A_1568] {strides = array<i32>} : memref<2048xf32, #tpu.memory_space<vmem>>, vector<16xf32>,
    %gt3A_1570 = arith.cmpf ogt, %get3A_1569, %select_n3A_1514 : vector<16xf32>
    %select_n3A_1571 = arith.select %gt3A_1570, %get3A_1569, %select_n3A_1514 : vector<16xi1>, vector<16xf32>
    %broadcast_in_dim3A_1572 = vector.broadcast %add3A_1563 : i32 to vector<16xi32>
    %select_n3A_1573 = arith.select %gt3A_1570, %broadcast_in_dim3A_1572, %select_n3A_1516 : vector<16xi1>, vector<16xi32>
    %mul3A_1574 = arith.constant 4 : i32
    %mul3A_1575 = arith.muli %scan3A_1559, %mul3A_1574 : i32
    %add3A_1576 = arith.constant 1 : i32
    %add3A_1577 = arith.addi %mul3A_1575, %add3A_1576 : i32
    %mul3A_1578 = arith.constant 16 : i32
    %mul3A_1579 = arith.muli %add3A_1577, %mul3A_1578 : i32
    %add3A_1580 = arith.constant 1280 : i32
    %add3A_1581 = arith.addi %add3A_1580, %mul3A_1579 : i32
    %get3A_1582 = arith.index_cast %add3A_1581 : i32 to index
    %get3A_1583 = tpu.vector_load %arg4[%get3A_1582] {strides = array<i32>} : memref<2048xf32, #tpu.memory_space<vmem>>, vector<16xf32>,
    %gt3A_1584 = arith.cmpf ogt, %get3A_1583, %select_n3A_1528 : vector<16xf32>
    %select_n3A_1585 = arith.select %gt3A_1584, %get3A_1583, %select_n3A_1528 : vector<16xi1>, vector<16xf32>
    %broadcast_in_dim3A_1586 = vector.broadcast %add3A_1577 : i32 to vector<16xi32>
    %select_n3A_1587 = arith.select %gt3A_1584, %broadcast_in_dim3A_1586, %select_n3A_1530 : vector<16xi1>, vector<16xi32>
    %mul3A_1588 = arith.constant 4 : i32
    %mul3A_1589 = arith.muli %scan3A_1559, %mul3A_1588 : i32
    %add3A_1590 = arith.constant 2 : i32
    %add3A_1591 = arith.addi %mul3A_1589, %add3A_1590 : i32
    %mul3A_1592 = arith.constant 16 : i32
    %mul3A_1593 = arith.muli %add3A_1591, %mul3A_1592 : i32
    %add3A_1594 = arith.constant 1280 : i32
    %add3A_1595 = arith.addi %add3A_1594, %mul3A_1593 : i32
    %get3A_1596 = arith.index_cast %add3A_1595 : i32 to index
    %get3A_1597 = tpu.vector_load %arg4[%get3A_1596] {strides = array<i32>} : memref<2048xf32, #tpu.memory_space<vmem>>, vector<16xf32>,
    %gt3A_1598 = arith.cmpf ogt, %get3A_1597, %select_n3A_1542 : vector<16xf32>
    %select_n3A_1599 = arith.select %gt3A_1598, %get3A_1597, %select_n3A_1542 : vector<16xi1>, vector<16xf32>
    %broadcast_in_dim3A_1600 = vector.broadcast %add3A_1591 : i32 to vector<16xi32>
    %select_n3A_1601 = arith.select %gt3A_1598, %broadcast_in_dim3A_1600, %select_n3A_1544 : vector<16xi1>, vector<16xi32>
    %mul3A_1602 = arith.constant 4 : i32
    %mul3A_1603 = arith.muli %scan3A_1559, %mul3A_1602 : i32
    %add3A_1604 = arith.constant 3 : i32
    %add3A_1605 = arith.addi %mul3A_1603, %add3A_1604 : i32
    %mul3A_1606 = arith.constant 16 : i32
    %mul3A_1607 = arith.muli %add3A_1605, %mul3A_1606 : i32
    %add3A_1608 = arith.constant 1280 : i32
    %add3A_1609 = arith.addi %add3A_1608, %mul3A_1607 : i32
    %get3A_1610 = arith.index_cast %add3A_1609 : i32 to index
    %get3A_1611 = tpu.vector_load %arg4[%get3A_1610] {strides = array<i32>} : memref<2048xf32, #tpu.memory_space<vmem>>, vector<16xf32>,
    %gt3A_1612 = arith.cmpf ogt, %get3A_1611, %select_n3A_1556 : vector<16xf32>
    %select_n3A_1613 = arith.select %gt3A_1612, %get3A_1611, %select_n3A_1556 : vector<16xi1>, vector<16xf32>
    %broadcast_in_dim3A_1614 = vector.broadcast %add3A_1605 : i32 to vector<16xi32>
    %select_n3A_1615 = arith.select %gt3A_1612, %broadcast_in_dim3A_1614, %select_n3A_1558 : vector<16xi1>, vector<16xi32>
    %scan3A_1616 = arith.constant 3 : i32
    %mul3A_1617 = arith.constant 4 : i32
    %mul3A_1618 = arith.muli %scan3A_1616, %mul3A_1617 : i32
    %add3A_1619 = arith.constant 0 : i32
    %add3A_1620 = arith.addi %mul3A_1618, %add3A_1619 : i32
    %mul3A_1621 = arith.constant 16 : i32
    %mul3A_1622 = arith.muli %add3A_1620, %mul3A_1621 : i32
    %add3A_1623 = arith.constant 1280 : i32
    %add3A_1624 = arith.addi %add3A_1623, %mul3A_1622 : i32
    %get3A_1625 = arith.index_cast %add3A_1624 : i32 to index
    %get3A_1626 = tpu.vector_load %arg4[%get3A_1625] {strides = array<i32>} : memref<2048xf32, #tpu.memory_space<vmem>>, vector<16xf32>,
    %gt3A_1627 = arith.cmpf ogt, %get3A_1626, %select_n3A_1571 : vector<16xf32>
    %select_n3A_1628 = arith.select %gt3A_1627, %get3A_1626, %select_n3A_1571 : vector<16xi1>, vector<16xf32>
    %broadcast_in_dim3A_1629 = vector.broadcast %add3A_1620 : i32 to vector<16xi32>
    %select_n3A_1630 = arith.select %gt3A_1627, %broadcast_in_dim3A_1629, %select_n3A_1573 : vector<16xi1>, vector<16xi32>
    %mul3A_1631 = arith.constant 4 : i32
    %mul3A_1632 = arith.muli %scan3A_1616, %mul3A_1631 : i32
    %add3A_1633 = arith.constant 1 : i32
    %add3A_1634 = arith.addi %mul3A_1632, %add3A_1633 : i32
    %mul3A_1635 = arith.constant 16 : i32
    %mul3A_1636 = arith.muli %add3A_1634, %mul3A_1635 : i32
    %add3A_1637 = arith.constant 1280 : i32
    %add3A_1638 = arith.addi %add3A_1637, %mul3A_1636 : i32
    %get3A_1639 = arith.index_cast %add3A_1638 : i32 to index
    %get3A_1640 = tpu.vector_load %arg4[%get3A_1639] {strides = array<i32>} : memref<2048xf32, #tpu.memory_space<vmem>>, vector<16xf32>,
    %gt3A_1641 = arith.cmpf ogt, %get3A_1640, %select_n3A_1585 : vector<16xf32>
    %select_n3A_1642 = arith.select %gt3A_1641, %get3A_1640, %select_n3A_1585 : vector<16xi1>, vector<16xf32>
    %broadcast_in_dim3A_1643 = vector.broadcast %add3A_1634 : i32 to vector<16xi32>
    %select_n3A_1644 = arith.select %gt3A_1641, %broadcast_in_dim3A_1643, %select_n3A_1587 : vector<16xi1>, vector<16xi32>
    %mul3A_1645 = arith.constant 4 : i32
    %mul3A_1646 = arith.muli %scan3A_1616, %mul3A_1645 : i32
    %add3A_1647 = arith.constant 2 : i32
    %add3A_1648 = arith.addi %mul3A_1646, %add3A_1647 : i32
    %mul3A_1649 = arith.constant 16 : i32
    %mul3A_1650 = arith.muli %add3A_1648, %mul3A_1649 : i32
    %add3A_1651 = arith.constant 1280 : i32
    %add3A_1652 = arith.addi %add3A_1651, %mul3A_1650 : i32
    %get3A_1653 = arith.index_cast %add3A_1652 : i32 to index
    %get3A_1654 = tpu.vector_load %arg4[%get3A_1653] {strides = array<i32>} : memref<2048xf32, #tpu.memory_space<vmem>>, vector<16xf32>,
    %gt3A_1655 = arith.cmpf ogt, %get3A_1654, %select_n3A_1599 : vector<16xf32>
    %select_n3A_1656 = arith.select %gt3A_1655, %get3A_1654, %select_n3A_1599 : vector<16xi1>, vector<16xf32>
    %broadcast_in_dim3A_1657 = vector.broadcast %add3A_1648 : i32 to vector<16xi32>
    %select_n3A_1658 = arith.select %gt3A_1655, %broadcast_in_dim3A_1657, %select_n3A_1601 : vector<16xi1>, vector<16xi32>
    %mul3A_1659 = arith.constant 4 : i32
    %mul3A_1660 = arith.muli %scan3A_1616, %mul3A_1659 : i32
    %add3A_1661 = arith.constant 3 : i32
    %add3A_1662 = arith.addi %mul3A_1660, %add3A_1661 : i32
    %mul3A_1663 = arith.constant 16 : i32
    %mul3A_1664 = arith.muli %add3A_1662, %mul3A_1663 : i32
    %add3A_1665 = arith.constant 1280 : i32
    %add3A_1666 = arith.addi %add3A_1665, %mul3A_1664 : i32
    %get3A_1667 = arith.index_cast %add3A_1666 : i32 to index
    %get3A_1668 = tpu.vector_load %arg4[%get3A_1667] {strides = array<i32>} : memref<2048xf32, #tpu.memory_space<vmem>>, vector<16xf32>,
    %gt3A_1669 = arith.cmpf ogt, %get3A_1668, %select_n3A_1613 : vector<16xf32>
    %select_n3A_1670 = arith.select %gt3A_1669, %get3A_1668, %select_n3A_1613 : vector<16xi1>, vector<16xf32>
    %broadcast_in_dim3A_1671 = vector.broadcast %add3A_1662 : i32 to vector<16xi32>
    %select_n3A_1672 = arith.select %gt3A_1669, %broadcast_in_dim3A_1671, %select_n3A_1615 : vector<16xi1>, vector<16xi32>
    %scan3A_1673 = arith.constant 4 : i32
    %mul3A_1674 = arith.constant 16 : i32
    %mul3A_1675 = vector.broadcast %mul3A_1674 : i32 to vector<16xi32>
    %mul3A_1676 = arith.muli %select_n3A_1630, %mul3A_1675 : vector<16xi32>
    %add3A_1677 = arith.addi %mul3A_1676, %iota3A : vector<16xi32>
    %add3A_1678 = arith.constant 1280 : i32
    %add3A_1679 = vector.broadcast %add3A_1678 : i32 to vector<16xi32>
    %add3A_1680 = arith.addi %add3A_1677, %add3A_1679 : vector<16xi32>
    %add3A_1681 = vector.broadcast %mul3A_2 : i32 to vector<16xi32>
    %add3A_1682 = arith.addi %add3A_1680, %add3A_1681 : vector<16xi32>
    %mul3A_1683 = arith.constant 16 : i32
    %mul3A_1684 = vector.broadcast %mul3A_1683 : i32 to vector<16xi32>
    %mul3A_1685 = arith.muli %select_n3A_1644, %mul3A_1684 : vector<16xi32>
    %add3A_1686 = arith.addi %mul3A_1685, %iota3A : vector<16xi32>
    %add3A_1687 = arith.constant 1280 : i32
    %add3A_1688 = vector.broadcast %add3A_1687 : i32 to vector<16xi32>
    %add3A_1689 = arith.addi %add3A_1686, %add3A_1688 : vector<16xi32>
    %add3A_1690 = vector.broadcast %mul3A_2 : i32 to vector<16xi32>
    %add3A_1691 = arith.addi %add3A_1689, %add3A_1690 : vector<16xi32>
    %mul3A_1692 = arith.constant 16 : i32
    %mul3A_1693 = vector.broadcast %mul3A_1692 : i32 to vector<16xi32>
    %mul3A_1694 = arith.muli %select_n3A_1658, %mul3A_1693 : vector<16xi32>
    %add3A_1695 = arith.addi %mul3A_1694, %iota3A : vector<16xi32>
    %add3A_1696 = arith.constant 1280 : i32
    %add3A_1697 = vector.broadcast %add3A_1696 : i32 to vector<16xi32>
    %add3A_1698 = arith.addi %add3A_1695, %add3A_1697 : vector<16xi32>
    %add3A_1699 = vector.broadcast %mul3A_2 : i32 to vector<16xi32>
    %add3A_1700 = arith.addi %add3A_1698, %add3A_1699 : vector<16xi32>
    %mul3A_1701 = arith.constant 16 : i32
    %mul3A_1702 = vector.broadcast %mul3A_1701 : i32 to vector<16xi32>
    %mul3A_1703 = arith.muli %select_n3A_1672, %mul3A_1702 : vector<16xi32>
    %add3A_1704 = arith.addi %mul3A_1703, %iota3A : vector<16xi32>
    %add3A_1705 = arith.constant 1280 : i32
    %add3A_1706 = vector.broadcast %add3A_1705 : i32 to vector<16xi32>
    %add3A_1707 = arith.addi %add3A_1704, %add3A_1706 : vector<16xi32>
    %add3A_1708 = vector.broadcast %mul3A_2 : i32 to vector<16xi32>
    %add3A_1709 = arith.addi %add3A_1707, %add3A_1708 : vector<16xi32>
    %gt3A_1710 = arith.cmpf ogt, %select_n3A_1642, %select_n3A_1628 : vector<16xf32>
    %eq3A_1711 = arith.cmpf oeq, %select_n3A_1642, %select_n3A_1628 : vector<16xf32>
    %lt3A_1712 = arith.cmpi slt, %add3A_1691, %add3A_1682 : vector<16xi32>
    %and3A_1713 = arith.andi %eq3A_1711, %lt3A_1712 : vector<16xi1>
    %or3A_1714 = arith.ori %gt3A_1710, %and3A_1713 : vector<16xi1>
    %select_n3A_1715 = arith.select %or3A_1714, %select_n3A_1642, %select_n3A_1628 : vector<16xi1>, vector<16xf32>
    %select_n3A_1716 = arith.select %or3A_1714, %add3A_1691, %add3A_1682 : vector<16xi1>, vector<16xi32>
    %gt3A_1717 = arith.cmpf ogt, %select_n3A_1656, %select_n3A_1715 : vector<16xf32>
    %eq3A_1718 = arith.cmpf oeq, %select_n3A_1656, %select_n3A_1715 : vector<16xf32>
    %lt3A_1719 = arith.cmpi slt, %add3A_1700, %select_n3A_1716 : vector<16xi32>
    %and3A_1720 = arith.andi %eq3A_1718, %lt3A_1719 : vector<16xi1>
    %or3A_1721 = arith.ori %gt3A_1717, %and3A_1720 : vector<16xi1>
    %select_n3A_1722 = arith.select %or3A_1721, %select_n3A_1656, %select_n3A_1715 : vector<16xi1>, vector<16xf32>
    %select_n3A_1723 = arith.select %or3A_1721, %add3A_1700, %select_n3A_1716 : vector<16xi1>, vector<16xi32>
    %gt3A_1724 = arith.cmpf ogt, %select_n3A_1670, %select_n3A_1722 : vector<16xf32>
    %eq3A_1725 = arith.cmpf oeq, %select_n3A_1670, %select_n3A_1722 : vector<16xf32>
    %lt3A_1726 = arith.cmpi slt, %add3A_1709, %select_n3A_1723 : vector<16xi32>
    %and3A_1727 = arith.andi %eq3A_1725, %lt3A_1726 : vector<16xi1>
    %or3A_1728 = arith.ori %gt3A_1724, %and3A_1727 : vector<16xi1>
    %select_n3A_1729 = arith.select %or3A_1728, %select_n3A_1670, %select_n3A_1722 : vector<16xi1>, vector<16xf32>
    %select_n3A_1730 = arith.select %or3A_1728, %add3A_1709, %select_n3A_1723 : vector<16xi1>, vector<16xi32>
    %scan3A_1731 = arith.constant 0 : i32
    %mul3A_1732 = arith.constant 4 : i32
    %mul3A_1733 = arith.muli %scan3A_1731, %mul3A_1732 : i32
    %add3A_1734 = arith.constant 0 : i32
    %add3A_1735 = arith.addi %mul3A_1733, %add3A_1734 : i32
    %mul3A_1736 = arith.constant 16 : i32
    %mul3A_1737 = arith.muli %add3A_1735, %mul3A_1736 : i32
    %add3A_1738 = arith.constant 1536 : i32
    %add3A_1739 = arith.addi %add3A_1738, %mul3A_1737 : i32
    %get3A_1740 = arith.index_cast %add3A_1739 : i32 to index
    %get3A_1741 = tpu.vector_load %arg4[%get3A_1740] {strides = array<i32>} : memref<2048xf32, #tpu.memory_space<vmem>>, vector<16xf32>,
    %gt3A_1742 = arith.cmpf ogt, %get3A_1741, %broadcast_in_dim3A_19 : vector<16xf32>
    %select_n3A_1743 = arith.select %gt3A_1742, %get3A_1741, %broadcast_in_dim3A_19 : vector<16xi1>, vector<16xf32>
    %broadcast_in_dim3A_1744 = vector.broadcast %add3A_1735 : i32 to vector<16xi32>
    %select_n3A_1745 = arith.select %gt3A_1742, %broadcast_in_dim3A_1744, %broadcast_in_dim3A_21 : vector<16xi1>, vector<16xi32>
    %mul3A_1746 = arith.constant 4 : i32
    %mul3A_1747 = arith.muli %scan3A_1731, %mul3A_1746 : i32
    %add3A_1748 = arith.constant 1 : i32
    %add3A_1749 = arith.addi %mul3A_1747, %add3A_1748 : i32
    %mul3A_1750 = arith.constant 16 : i32
    %mul3A_1751 = arith.muli %add3A_1749, %mul3A_1750 : i32
    %add3A_1752 = arith.constant 1536 : i32
    %add3A_1753 = arith.addi %add3A_1752, %mul3A_1751 : i32
    %get3A_1754 = arith.index_cast %add3A_1753 : i32 to index
    %get3A_1755 = tpu.vector_load %arg4[%get3A_1754] {strides = array<i32>} : memref<2048xf32, #tpu.memory_space<vmem>>, vector<16xf32>,
    %gt3A_1756 = arith.cmpf ogt, %get3A_1755, %broadcast_in_dim3A_19 : vector<16xf32>
    %select_n3A_1757 = arith.select %gt3A_1756, %get3A_1755, %broadcast_in_dim3A_19 : vector<16xi1>, vector<16xf32>
    %broadcast_in_dim3A_1758 = vector.broadcast %add3A_1749 : i32 to vector<16xi32>
    %select_n3A_1759 = arith.select %gt3A_1756, %broadcast_in_dim3A_1758, %broadcast_in_dim3A_21 : vector<16xi1>, vector<16xi32>
    %mul3A_1760 = arith.constant 4 : i32
    %mul3A_1761 = arith.muli %scan3A_1731, %mul3A_1760 : i32
    %add3A_1762 = arith.constant 2 : i32
    %add3A_1763 = arith.addi %mul3A_1761, %add3A_1762 : i32
    %mul3A_1764 = arith.constant 16 : i32
    %mul3A_1765 = arith.muli %add3A_1763, %mul3A_1764 : i32
    %add3A_1766 = arith.constant 1536 : i32
    %add3A_1767 = arith.addi %add3A_1766, %mul3A_1765 : i32
    %get3A_1768 = arith.index_cast %add3A_1767 : i32 to index
    %get3A_1769 = tpu.vector_load %arg4[%get3A_1768] {strides = array<i32>} : memref<2048xf32, #tpu.memory_space<vmem>>, vector<16xf32>,
    %gt3A_1770 = arith.cmpf ogt, %get3A_1769, %broadcast_in_dim3A_19 : vector<16xf32>
    %select_n3A_1771 = arith.select %gt3A_1770, %get3A_1769, %broadcast_in_dim3A_19 : vector<16xi1>, vector<16xf32>
    %broadcast_in_dim3A_1772 = vector.broadcast %add3A_1763 : i32 to vector<16xi32>
    %select_n3A_1773 = arith.select %gt3A_1770, %broadcast_in_dim3A_1772, %broadcast_in_dim3A_21 : vector<16xi1>, vector<16xi32>
    %mul3A_1774 = arith.constant 4 : i32
    %mul3A_1775 = arith.muli %scan3A_1731, %mul3A_1774 : i32
    %add3A_1776 = arith.constant 3 : i32
    %add3A_1777 = arith.addi %mul3A_1775, %add3A_1776 : i32
    %mul3A_1778 = arith.constant 16 : i32
    %mul3A_1779 = arith.muli %add3A_1777, %mul3A_1778 : i32
    %add3A_1780 = arith.constant 1536 : i32
    %add3A_1781 = arith.addi %add3A_1780, %mul3A_1779 : i32
    %get3A_1782 = arith.index_cast %add3A_1781 : i32 to index
    %get3A_1783 = tpu.vector_load %arg4[%get3A_1782] {strides = array<i32>} : memref<2048xf32, #tpu.memory_space<vmem>>, vector<16xf32>,
    %gt3A_1784 = arith.cmpf ogt, %get3A_1783, %broadcast_in_dim3A_19 : vector<16xf32>
    %select_n3A_1785 = arith.select %gt3A_1784, %get3A_1783, %broadcast_in_dim3A_19 : vector<16xi1>, vector<16xf32>
    %broadcast_in_dim3A_1786 = vector.broadcast %add3A_1777 : i32 to vector<16xi32>
    %select_n3A_1787 = arith.select %gt3A_1784, %broadcast_in_dim3A_1786, %broadcast_in_dim3A_21 : vector<16xi1>, vector<16xi32>
    %scan3A_1788 = arith.constant 1 : i32
    %mul3A_1789 = arith.constant 4 : i32
    %mul3A_1790 = arith.muli %scan3A_1788, %mul3A_1789 : i32
    %add3A_1791 = arith.constant 0 : i32
    %add3A_1792 = arith.addi %mul3A_1790, %add3A_1791 : i32
    %mul3A_1793 = arith.constant 16 : i32
    %mul3A_1794 = arith.muli %add3A_1792, %mul3A_1793 : i32
    %add3A_1795 = arith.constant 1536 : i32
    %add3A_1796 = arith.addi %add3A_1795, %mul3A_1794 : i32
    %get3A_1797 = arith.index_cast %add3A_1796 : i32 to index
    %get3A_1798 = tpu.vector_load %arg4[%get3A_1797] {strides = array<i32>} : memref<2048xf32, #tpu.memory_space<vmem>>, vector<16xf32>,
    %gt3A_1799 = arith.cmpf ogt, %get3A_1798, %select_n3A_1743 : vector<16xf32>
    %select_n3A_1800 = arith.select %gt3A_1799, %get3A_1798, %select_n3A_1743 : vector<16xi1>, vector<16xf32>
    %broadcast_in_dim3A_1801 = vector.broadcast %add3A_1792 : i32 to vector<16xi32>
    %select_n3A_1802 = arith.select %gt3A_1799, %broadcast_in_dim3A_1801, %select_n3A_1745 : vector<16xi1>, vector<16xi32>
    %mul3A_1803 = arith.constant 4 : i32
    %mul3A_1804 = arith.muli %scan3A_1788, %mul3A_1803 : i32
    %add3A_1805 = arith.constant 1 : i32
    %add3A_1806 = arith.addi %mul3A_1804, %add3A_1805 : i32
    %mul3A_1807 = arith.constant 16 : i32
    %mul3A_1808 = arith.muli %add3A_1806, %mul3A_1807 : i32
    %add3A_1809 = arith.constant 1536 : i32
    %add3A_1810 = arith.addi %add3A_1809, %mul3A_1808 : i32
    %get3A_1811 = arith.index_cast %add3A_1810 : i32 to index
    %get3A_1812 = tpu.vector_load %arg4[%get3A_1811] {strides = array<i32>} : memref<2048xf32, #tpu.memory_space<vmem>>, vector<16xf32>,
    %gt3A_1813 = arith.cmpf ogt, %get3A_1812, %select_n3A_1757 : vector<16xf32>
    %select_n3A_1814 = arith.select %gt3A_1813, %get3A_1812, %select_n3A_1757 : vector<16xi1>, vector<16xf32>
    %broadcast_in_dim3A_1815 = vector.broadcast %add3A_1806 : i32 to vector<16xi32>
    %select_n3A_1816 = arith.select %gt3A_1813, %broadcast_in_dim3A_1815, %select_n3A_1759 : vector<16xi1>, vector<16xi32>
    %mul3A_1817 = arith.constant 4 : i32
    %mul3A_1818 = arith.muli %scan3A_1788, %mul3A_1817 : i32
    %add3A_1819 = arith.constant 2 : i32
    %add3A_1820 = arith.addi %mul3A_1818, %add3A_1819 : i32
    %mul3A_1821 = arith.constant 16 : i32
    %mul3A_1822 = arith.muli %add3A_1820, %mul3A_1821 : i32
    %add3A_1823 = arith.constant 1536 : i32
    %add3A_1824 = arith.addi %add3A_1823, %mul3A_1822 : i32
    %get3A_1825 = arith.index_cast %add3A_1824 : i32 to index
    %get3A_1826 = tpu.vector_load %arg4[%get3A_1825] {strides = array<i32>} : memref<2048xf32, #tpu.memory_space<vmem>>, vector<16xf32>,
    %gt3A_1827 = arith.cmpf ogt, %get3A_1826, %select_n3A_1771 : vector<16xf32>
    %select_n3A_1828 = arith.select %gt3A_1827, %get3A_1826, %select_n3A_1771 : vector<16xi1>, vector<16xf32>
    %broadcast_in_dim3A_1829 = vector.broadcast %add3A_1820 : i32 to vector<16xi32>
    %select_n3A_1830 = arith.select %gt3A_1827, %broadcast_in_dim3A_1829, %select_n3A_1773 : vector<16xi1>, vector<16xi32>
    %mul3A_1831 = arith.constant 4 : i32
    %mul3A_1832 = arith.muli %scan3A_1788, %mul3A_1831 : i32
    %add3A_1833 = arith.constant 3 : i32
    %add3A_1834 = arith.addi %mul3A_1832, %add3A_1833 : i32
    %mul3A_1835 = arith.constant 16 : i32
    %mul3A_1836 = arith.muli %add3A_1834, %mul3A_1835 : i32
    %add3A_1837 = arith.constant 1536 : i32
    %add3A_1838 = arith.addi %add3A_1837, %mul3A_1836 : i32
    %get3A_1839 = arith.index_cast %add3A_1838 : i32 to index
    %get3A_1840 = tpu.vector_load %arg4[%get3A_1839] {strides = array<i32>} : memref<2048xf32, #tpu.memory_space<vmem>>, vector<16xf32>,
    %gt3A_1841 = arith.cmpf ogt, %get3A_1840, %select_n3A_1785 : vector<16xf32>
    %select_n3A_1842 = arith.select %gt3A_1841, %get3A_1840, %select_n3A_1785 : vector<16xi1>, vector<16xf32>
    %broadcast_in_dim3A_1843 = vector.broadcast %add3A_1834 : i32 to vector<16xi32>
    %select_n3A_1844 = arith.select %gt3A_1841, %broadcast_in_dim3A_1843, %select_n3A_1787 : vector<16xi1>, vector<16xi32>
    %scan3A_1845 = arith.constant 2 : i32
    %mul3A_1846 = arith.constant 4 : i32
    %mul3A_1847 = arith.muli %scan3A_1845, %mul3A_1846 : i32
    %add3A_1848 = arith.constant 0 : i32
    %add3A_1849 = arith.addi %mul3A_1847, %add3A_1848 : i32
    %mul3A_1850 = arith.constant 16 : i32
    %mul3A_1851 = arith.muli %add3A_1849, %mul3A_1850 : i32
    %add3A_1852 = arith.constant 1536 : i32
    %add3A_1853 = arith.addi %add3A_1852, %mul3A_1851 : i32
    %get3A_1854 = arith.index_cast %add3A_1853 : i32 to index
    %get3A_1855 = tpu.vector_load %arg4[%get3A_1854] {strides = array<i32>} : memref<2048xf32, #tpu.memory_space<vmem>>, vector<16xf32>,
    %gt3A_1856 = arith.cmpf ogt, %get3A_1855, %select_n3A_1800 : vector<16xf32>
    %select_n3A_1857 = arith.select %gt3A_1856, %get3A_1855, %select_n3A_1800 : vector<16xi1>, vector<16xf32>
    %broadcast_in_dim3A_1858 = vector.broadcast %add3A_1849 : i32 to vector<16xi32>
    %select_n3A_1859 = arith.select %gt3A_1856, %broadcast_in_dim3A_1858, %select_n3A_1802 : vector<16xi1>, vector<16xi32>
    %mul3A_1860 = arith.constant 4 : i32
    %mul3A_1861 = arith.muli %scan3A_1845, %mul3A_1860 : i32
    %add3A_1862 = arith.constant 1 : i32
    %add3A_1863 = arith.addi %mul3A_1861, %add3A_1862 : i32
    %mul3A_1864 = arith.constant 16 : i32
    %mul3A_1865 = arith.muli %add3A_1863, %mul3A_1864 : i32
    %add3A_1866 = arith.constant 1536 : i32
    %add3A_1867 = arith.addi %add3A_1866, %mul3A_1865 : i32
    %get3A_1868 = arith.index_cast %add3A_1867 : i32 to index
    %get3A_1869 = tpu.vector_load %arg4[%get3A_1868] {strides = array<i32>} : memref<2048xf32, #tpu.memory_space<vmem>>, vector<16xf32>,
    %gt3A_1870 = arith.cmpf ogt, %get3A_1869, %select_n3A_1814 : vector<16xf32>
    %select_n3A_1871 = arith.select %gt3A_1870, %get3A_1869, %select_n3A_1814 : vector<16xi1>, vector<16xf32>
    %broadcast_in_dim3A_1872 = vector.broadcast %add3A_1863 : i32 to vector<16xi32>
    %select_n3A_1873 = arith.select %gt3A_1870, %broadcast_in_dim3A_1872, %select_n3A_1816 : vector<16xi1>, vector<16xi32>
    %mul3A_1874 = arith.constant 4 : i32
    %mul3A_1875 = arith.muli %scan3A_1845, %mul3A_1874 : i32
    %add3A_1876 = arith.constant 2 : i32
    %add3A_1877 = arith.addi %mul3A_1875, %add3A_1876 : i32
    %mul3A_1878 = arith.constant 16 : i32
    %mul3A_1879 = arith.muli %add3A_1877, %mul3A_1878 : i32
    %add3A_1880 = arith.constant 1536 : i32
    %add3A_1881 = arith.addi %add3A_1880, %mul3A_1879 : i32
    %get3A_1882 = arith.index_cast %add3A_1881 : i32 to index
    %get3A_1883 = tpu.vector_load %arg4[%get3A_1882] {strides = array<i32>} : memref<2048xf32, #tpu.memory_space<vmem>>, vector<16xf32>,
    %gt3A_1884 = arith.cmpf ogt, %get3A_1883, %select_n3A_1828 : vector<16xf32>
    %select_n3A_1885 = arith.select %gt3A_1884, %get3A_1883, %select_n3A_1828 : vector<16xi1>, vector<16xf32>
    %broadcast_in_dim3A_1886 = vector.broadcast %add3A_1877 : i32 to vector<16xi32>
    %select_n3A_1887 = arith.select %gt3A_1884, %broadcast_in_dim3A_1886, %select_n3A_1830 : vector<16xi1>, vector<16xi32>
    %mul3A_1888 = arith.constant 4 : i32
    %mul3A_1889 = arith.muli %scan3A_1845, %mul3A_1888 : i32
    %add3A_1890 = arith.constant 3 : i32
    %add3A_1891 = arith.addi %mul3A_1889, %add3A_1890 : i32
    %mul3A_1892 = arith.constant 16 : i32
    %mul3A_1893 = arith.muli %add3A_1891, %mul3A_1892 : i32
    %add3A_1894 = arith.constant 1536 : i32
    %add3A_1895 = arith.addi %add3A_1894, %mul3A_1893 : i32
    %get3A_1896 = arith.index_cast %add3A_1895 : i32 to index
    %get3A_1897 = tpu.vector_load %arg4[%get3A_1896] {strides = array<i32>} : memref<2048xf32, #tpu.memory_space<vmem>>, vector<16xf32>,
    %gt3A_1898 = arith.cmpf ogt, %get3A_1897, %select_n3A_1842 : vector<16xf32>
    %select_n3A_1899 = arith.select %gt3A_1898, %get3A_1897, %select_n3A_1842 : vector<16xi1>, vector<16xf32>
    %broadcast_in_dim3A_1900 = vector.broadcast %add3A_1891 : i32 to vector<16xi32>
    %select_n3A_1901 = arith.select %gt3A_1898, %broadcast_in_dim3A_1900, %select_n3A_1844 : vector<16xi1>, vector<16xi32>
    %scan3A_1902 = arith.constant 3 : i32
    %mul3A_1903 = arith.constant 4 : i32
    %mul3A_1904 = arith.muli %scan3A_1902, %mul3A_1903 : i32
    %add3A_1905 = arith.constant 0 : i32
    %add3A_1906 = arith.addi %mul3A_1904, %add3A_1905 : i32
    %mul3A_1907 = arith.constant 16 : i32
    %mul3A_1908 = arith.muli %add3A_1906, %mul3A_1907 : i32
    %add3A_1909 = arith.constant 1536 : i32
    %add3A_1910 = arith.addi %add3A_1909, %mul3A_1908 : i32
    %get3A_1911 = arith.index_cast %add3A_1910 : i32 to index
    %get3A_1912 = tpu.vector_load %arg4[%get3A_1911] {strides = array<i32>} : memref<2048xf32, #tpu.memory_space<vmem>>, vector<16xf32>,
    %gt3A_1913 = arith.cmpf ogt, %get3A_1912, %select_n3A_1857 : vector<16xf32>
    %select_n3A_1914 = arith.select %gt3A_1913, %get3A_1912, %select_n3A_1857 : vector<16xi1>, vector<16xf32>
    %broadcast_in_dim3A_1915 = vector.broadcast %add3A_1906 : i32 to vector<16xi32>
    %select_n3A_1916 = arith.select %gt3A_1913, %broadcast_in_dim3A_1915, %select_n3A_1859 : vector<16xi1>, vector<16xi32>
    %mul3A_1917 = arith.constant 4 : i32
    %mul3A_1918 = arith.muli %scan3A_1902, %mul3A_1917 : i32
    %add3A_1919 = arith.constant 1 : i32
    %add3A_1920 = arith.addi %mul3A_1918, %add3A_1919 : i32
    %mul3A_1921 = arith.constant 16 : i32
    %mul3A_1922 = arith.muli %add3A_1920, %mul3A_1921 : i32
    %add3A_1923 = arith.constant 1536 : i32
    %add3A_1924 = arith.addi %add3A_1923, %mul3A_1922 : i32
    %get3A_1925 = arith.index_cast %add3A_1924 : i32 to index
    %get3A_1926 = tpu.vector_load %arg4[%get3A_1925] {strides = array<i32>} : memref<2048xf32, #tpu.memory_space<vmem>>, vector<16xf32>,
    %gt3A_1927 = arith.cmpf ogt, %get3A_1926, %select_n3A_1871 : vector<16xf32>
    %select_n3A_1928 = arith.select %gt3A_1927, %get3A_1926, %select_n3A_1871 : vector<16xi1>, vector<16xf32>
    %broadcast_in_dim3A_1929 = vector.broadcast %add3A_1920 : i32 to vector<16xi32>
    %select_n3A_1930 = arith.select %gt3A_1927, %broadcast_in_dim3A_1929, %select_n3A_1873 : vector<16xi1>, vector<16xi32>
    %mul3A_1931 = arith.constant 4 : i32
    %mul3A_1932 = arith.muli %scan3A_1902, %mul3A_1931 : i32
    %add3A_1933 = arith.constant 2 : i32
    %add3A_1934 = arith.addi %mul3A_1932, %add3A_1933 : i32
    %mul3A_1935 = arith.constant 16 : i32
    %mul3A_1936 = arith.muli %add3A_1934, %mul3A_1935 : i32
    %add3A_1937 = arith.constant 1536 : i32
    %add3A_1938 = arith.addi %add3A_1937, %mul3A_1936 : i32
    %get3A_1939 = arith.index_cast %add3A_1938 : i32 to index
    %get3A_1940 = tpu.vector_load %arg4[%get3A_1939] {strides = array<i32>} : memref<2048xf32, #tpu.memory_space<vmem>>, vector<16xf32>,
    %gt3A_1941 = arith.cmpf ogt, %get3A_1940, %select_n3A_1885 : vector<16xf32>
    %select_n3A_1942 = arith.select %gt3A_1941, %get3A_1940, %select_n3A_1885 : vector<16xi1>, vector<16xf32>
    %broadcast_in_dim3A_1943 = vector.broadcast %add3A_1934 : i32 to vector<16xi32>
    %select_n3A_1944 = arith.select %gt3A_1941, %broadcast_in_dim3A_1943, %select_n3A_1887 : vector<16xi1>, vector<16xi32>
    %mul3A_1945 = arith.constant 4 : i32
    %mul3A_1946 = arith.muli %scan3A_1902, %mul3A_1945 : i32
    %add3A_1947 = arith.constant 3 : i32
    %add3A_1948 = arith.addi %mul3A_1946, %add3A_1947 : i32
    %mul3A_1949 = arith.constant 16 : i32
    %mul3A_1950 = arith.muli %add3A_1948, %mul3A_1949 : i32
    %add3A_1951 = arith.constant 1536 : i32
    %add3A_1952 = arith.addi %add3A_1951, %mul3A_1950 : i32
    %get3A_1953 = arith.index_cast %add3A_1952 : i32 to index
    %get3A_1954 = tpu.vector_load %arg4[%get3A_1953] {strides = array<i32>} : memref<2048xf32, #tpu.memory_space<vmem>>, vector<16xf32>,
    %gt3A_1955 = arith.cmpf ogt, %get3A_1954, %select_n3A_1899 : vector<16xf32>
    %select_n3A_1956 = arith.select %gt3A_1955, %get3A_1954, %select_n3A_1899 : vector<16xi1>, vector<16xf32>
    %broadcast_in_dim3A_1957 = vector.broadcast %add3A_1948 : i32 to vector<16xi32>
    %select_n3A_1958 = arith.select %gt3A_1955, %broadcast_in_dim3A_1957, %select_n3A_1901 : vector<16xi1>, vector<16xi32>
    %scan3A_1959 = arith.constant 4 : i32
    %mul3A_1960 = arith.constant 16 : i32
    %mul3A_1961 = vector.broadcast %mul3A_1960 : i32 to vector<16xi32>
    %mul3A_1962 = arith.muli %select_n3A_1916, %mul3A_1961 : vector<16xi32>
    %add3A_1963 = arith.addi %mul3A_1962, %iota3A : vector<16xi32>
    %add3A_1964 = arith.constant 1536 : i32
    %add3A_1965 = vector.broadcast %add3A_1964 : i32 to vector<16xi32>
    %add3A_1966 = arith.addi %add3A_1963, %add3A_1965 : vector<16xi32>
    %add3A_1967 = vector.broadcast %mul3A_2 : i32 to vector<16xi32>
    %add3A_1968 = arith.addi %add3A_1966, %add3A_1967 : vector<16xi32>
    %mul3A_1969 = arith.constant 16 : i32
    %mul3A_1970 = vector.broadcast %mul3A_1969 : i32 to vector<16xi32>
    %mul3A_1971 = arith.muli %select_n3A_1930, %mul3A_1970 : vector<16xi32>
    %add3A_1972 = arith.addi %mul3A_1971, %iota3A : vector<16xi32>
    %add3A_1973 = arith.constant 1536 : i32
    %add3A_1974 = vector.broadcast %add3A_1973 : i32 to vector<16xi32>
    %add3A_1975 = arith.addi %add3A_1972, %add3A_1974 : vector<16xi32>
    %add3A_1976 = vector.broadcast %mul3A_2 : i32 to vector<16xi32>
    %add3A_1977 = arith.addi %add3A_1975, %add3A_1976 : vector<16xi32>
    %mul3A_1978 = arith.constant 16 : i32
    %mul3A_1979 = vector.broadcast %mul3A_1978 : i32 to vector<16xi32>
    %mul3A_1980 = arith.muli %select_n3A_1944, %mul3A_1979 : vector<16xi32>
    %add3A_1981 = arith.addi %mul3A_1980, %iota3A : vector<16xi32>
    %add3A_1982 = arith.constant 1536 : i32
    %add3A_1983 = vector.broadcast %add3A_1982 : i32 to vector<16xi32>
    %add3A_1984 = arith.addi %add3A_1981, %add3A_1983 : vector<16xi32>
    %add3A_1985 = vector.broadcast %mul3A_2 : i32 to vector<16xi32>
    %add3A_1986 = arith.addi %add3A_1984, %add3A_1985 : vector<16xi32>
    %mul3A_1987 = arith.constant 16 : i32
    %mul3A_1988 = vector.broadcast %mul3A_1987 : i32 to vector<16xi32>
    %mul3A_1989 = arith.muli %select_n3A_1958, %mul3A_1988 : vector<16xi32>
    %add3A_1990 = arith.addi %mul3A_1989, %iota3A : vector<16xi32>
    %add3A_1991 = arith.constant 1536 : i32
    %add3A_1992 = vector.broadcast %add3A_1991 : i32 to vector<16xi32>
    %add3A_1993 = arith.addi %add3A_1990, %add3A_1992 : vector<16xi32>
    %add3A_1994 = vector.broadcast %mul3A_2 : i32 to vector<16xi32>
    %add3A_1995 = arith.addi %add3A_1993, %add3A_1994 : vector<16xi32>
    %gt3A_1996 = arith.cmpf ogt, %select_n3A_1928, %select_n3A_1914 : vector<16xf32>
    %eq3A_1997 = arith.cmpf oeq, %select_n3A_1928, %select_n3A_1914 : vector<16xf32>
    %lt3A_1998 = arith.cmpi slt, %add3A_1977, %add3A_1968 : vector<16xi32>
    %and3A_1999 = arith.andi %eq3A_1997, %lt3A_1998 : vector<16xi1>
    %or3A_2000 = arith.ori %gt3A_1996, %and3A_1999 : vector<16xi1>
    %select_n3A_2001 = arith.select %or3A_2000, %select_n3A_1928, %select_n3A_1914 : vector<16xi1>, vector<16xf32>
    %select_n3A_2002 = arith.select %or3A_2000, %add3A_1977, %add3A_1968 : vector<16xi1>, vector<16xi32>
    %gt3A_2003 = arith.cmpf ogt, %select_n3A_1942, %select_n3A_2001 : vector<16xf32>
    %eq3A_2004 = arith.cmpf oeq, %select_n3A_1942, %select_n3A_2001 : vector<16xf32>
    %lt3A_2005 = arith.cmpi slt, %add3A_1986, %select_n3A_2002 : vector<16xi32>
    %and3A_2006 = arith.andi %eq3A_2004, %lt3A_2005 : vector<16xi1>
    %or3A_2007 = arith.ori %gt3A_2003, %and3A_2006 : vector<16xi1>
    %select_n3A_2008 = arith.select %or3A_2007, %select_n3A_1942, %select_n3A_2001 : vector<16xi1>, vector<16xf32>
    %select_n3A_2009 = arith.select %or3A_2007, %add3A_1986, %select_n3A_2002 : vector<16xi1>, vector<16xi32>
    %gt3A_2010 = arith.cmpf ogt, %select_n3A_1956, %select_n3A_2008 : vector<16xf32>
    %eq3A_2011 = arith.cmpf oeq, %select_n3A_1956, %select_n3A_2008 : vector<16xf32>
    %lt3A_2012 = arith.cmpi slt, %add3A_1995, %select_n3A_2009 : vector<16xi32>
    %and3A_2013 = arith.andi %eq3A_2011, %lt3A_2012 : vector<16xi1>
    %or3A_2014 = arith.ori %gt3A_2010, %and3A_2013 : vector<16xi1>
    %select_n3A_2015 = arith.select %or3A_2014, %select_n3A_1956, %select_n3A_2008 : vector<16xi1>, vector<16xf32>
    %select_n3A_2016 = arith.select %or3A_2014, %add3A_1995, %select_n3A_2009 : vector<16xi1>, vector<16xi32>
    %scan3A_2017 = arith.constant 0 : i32
    %mul3A_2018 = arith.constant 4 : i32
    %mul3A_2019 = arith.muli %scan3A_2017, %mul3A_2018 : i32
    %add3A_2020 = arith.constant 0 : i32
    %add3A_2021 = arith.addi %mul3A_2019, %add3A_2020 : i32
    %mul3A_2022 = arith.constant 16 : i32
    %mul3A_2023 = arith.muli %add3A_2021, %mul3A_2022 : i32
    %add3A_2024 = arith.constant 1792 : i32
    %add3A_2025 = arith.addi %add3A_2024, %mul3A_2023 : i32
    %get3A_2026 = arith.index_cast %add3A_2025 : i32 to index
    %get3A_2027 = tpu.vector_load %arg4[%get3A_2026] {strides = array<i32>} : memref<2048xf32, #tpu.memory_space<vmem>>, vector<16xf32>,
    %gt3A_2028 = arith.cmpf ogt, %get3A_2027, %broadcast_in_dim3A_19 : vector<16xf32>
    %select_n3A_2029 = arith.select %gt3A_2028, %get3A_2027, %broadcast_in_dim3A_19 : vector<16xi1>, vector<16xf32>
    %broadcast_in_dim3A_2030 = vector.broadcast %add3A_2021 : i32 to vector<16xi32>
    %select_n3A_2031 = arith.select %gt3A_2028, %broadcast_in_dim3A_2030, %broadcast_in_dim3A_21 : vector<16xi1>, vector<16xi32>
    %mul3A_2032 = arith.constant 4 : i32
    %mul3A_2033 = arith.muli %scan3A_2017, %mul3A_2032 : i32
    %add3A_2034 = arith.constant 1 : i32
    %add3A_2035 = arith.addi %mul3A_2033, %add3A_2034 : i32
    %mul3A_2036 = arith.constant 16 : i32
    %mul3A_2037 = arith.muli %add3A_2035, %mul3A_2036 : i32
    %add3A_2038 = arith.constant 1792 : i32
    %add3A_2039 = arith.addi %add3A_2038, %mul3A_2037 : i32
    %get3A_2040 = arith.index_cast %add3A_2039 : i32 to index
    %get3A_2041 = tpu.vector_load %arg4[%get3A_2040] {strides = array<i32>} : memref<2048xf32, #tpu.memory_space<vmem>>, vector<16xf32>,
    %gt3A_2042 = arith.cmpf ogt, %get3A_2041, %broadcast_in_dim3A_19 : vector<16xf32>
    %select_n3A_2043 = arith.select %gt3A_2042, %get3A_2041, %broadcast_in_dim3A_19 : vector<16xi1>, vector<16xf32>
    %broadcast_in_dim3A_2044 = vector.broadcast %add3A_2035 : i32 to vector<16xi32>
    %select_n3A_2045 = arith.select %gt3A_2042, %broadcast_in_dim3A_2044, %broadcast_in_dim3A_21 : vector<16xi1>, vector<16xi32>
    %mul3A_2046 = arith.constant 4 : i32
    %mul3A_2047 = arith.muli %scan3A_2017, %mul3A_2046 : i32
    %add3A_2048 = arith.constant 2 : i32
    %add3A_2049 = arith.addi %mul3A_2047, %add3A_2048 : i32
    %mul3A_2050 = arith.constant 16 : i32
    %mul3A_2051 = arith.muli %add3A_2049, %mul3A_2050 : i32
    %add3A_2052 = arith.constant 1792 : i32
    %add3A_2053 = arith.addi %add3A_2052, %mul3A_2051 : i32
    %get3A_2054 = arith.index_cast %add3A_2053 : i32 to index
    %get3A_2055 = tpu.vector_load %arg4[%get3A_2054] {strides = array<i32>} : memref<2048xf32, #tpu.memory_space<vmem>>, vector<16xf32>,
    %gt3A_2056 = arith.cmpf ogt, %get3A_2055, %broadcast_in_dim3A_19 : vector<16xf32>
    %select_n3A_2057 = arith.select %gt3A_2056, %get3A_2055, %broadcast_in_dim3A_19 : vector<16xi1>, vector<16xf32>
    %broadcast_in_dim3A_2058 = vector.broadcast %add3A_2049 : i32 to vector<16xi32>
    %select_n3A_2059 = arith.select %gt3A_2056, %broadcast_in_dim3A_2058, %broadcast_in_dim3A_21 : vector<16xi1>, vector<16xi32>
    %mul3A_2060 = arith.constant 4 : i32
    %mul3A_2061 = arith.muli %scan3A_2017, %mul3A_2060 : i32
    %add3A_2062 = arith.constant 3 : i32
    %add3A_2063 = arith.addi %mul3A_2061, %add3A_2062 : i32
    %mul3A_2064 = arith.constant 16 : i32
    %mul3A_2065 = arith.muli %add3A_2063, %mul3A_2064 : i32
    %add3A_2066 = arith.constant 1792 : i32
    %add3A_2067 = arith.addi %add3A_2066, %mul3A_2065 : i32
    %get3A_2068 = arith.index_cast %add3A_2067 : i32 to index
    %get3A_2069 = tpu.vector_load %arg4[%get3A_2068] {strides = array<i32>} : memref<2048xf32, #tpu.memory_space<vmem>>, vector<16xf32>,
    %gt3A_2070 = arith.cmpf ogt, %get3A_2069, %broadcast_in_dim3A_19 : vector<16xf32>
    %select_n3A_2071 = arith.select %gt3A_2070, %get3A_2069, %broadcast_in_dim3A_19 : vector<16xi1>, vector<16xf32>
    %broadcast_in_dim3A_2072 = vector.broadcast %add3A_2063 : i32 to vector<16xi32>
    %select_n3A_2073 = arith.select %gt3A_2070, %broadcast_in_dim3A_2072, %broadcast_in_dim3A_21 : vector<16xi1>, vector<16xi32>
    %scan3A_2074 = arith.constant 1 : i32
    %mul3A_2075 = arith.constant 4 : i32
    %mul3A_2076 = arith.muli %scan3A_2074, %mul3A_2075 : i32
    %add3A_2077 = arith.constant 0 : i32
    %add3A_2078 = arith.addi %mul3A_2076, %add3A_2077 : i32
    %mul3A_2079 = arith.constant 16 : i32
    %mul3A_2080 = arith.muli %add3A_2078, %mul3A_2079 : i32
    %add3A_2081 = arith.constant 1792 : i32
    %add3A_2082 = arith.addi %add3A_2081, %mul3A_2080 : i32
    %get3A_2083 = arith.index_cast %add3A_2082 : i32 to index
    %get3A_2084 = tpu.vector_load %arg4[%get3A_2083] {strides = array<i32>} : memref<2048xf32, #tpu.memory_space<vmem>>, vector<16xf32>,
    %gt3A_2085 = arith.cmpf ogt, %get3A_2084, %select_n3A_2029 : vector<16xf32>
    %select_n3A_2086 = arith.select %gt3A_2085, %get3A_2084, %select_n3A_2029 : vector<16xi1>, vector<16xf32>
    %broadcast_in_dim3A_2087 = vector.broadcast %add3A_2078 : i32 to vector<16xi32>
    %select_n3A_2088 = arith.select %gt3A_2085, %broadcast_in_dim3A_2087, %select_n3A_2031 : vector<16xi1>, vector<16xi32>
    %mul3A_2089 = arith.constant 4 : i32
    %mul3A_2090 = arith.muli %scan3A_2074, %mul3A_2089 : i32
    %add3A_2091 = arith.constant 1 : i32
    %add3A_2092 = arith.addi %mul3A_2090, %add3A_2091 : i32
    %mul3A_2093 = arith.constant 16 : i32
    %mul3A_2094 = arith.muli %add3A_2092, %mul3A_2093 : i32
    %add3A_2095 = arith.constant 1792 : i32
    %add3A_2096 = arith.addi %add3A_2095, %mul3A_2094 : i32
    %get3A_2097 = arith.index_cast %add3A_2096 : i32 to index
    %get3A_2098 = tpu.vector_load %arg4[%get3A_2097] {strides = array<i32>} : memref<2048xf32, #tpu.memory_space<vmem>>, vector<16xf32>,
    %gt3A_2099 = arith.cmpf ogt, %get3A_2098, %select_n3A_2043 : vector<16xf32>
    %select_n3A_2100 = arith.select %gt3A_2099, %get3A_2098, %select_n3A_2043 : vector<16xi1>, vector<16xf32>
    %broadcast_in_dim3A_2101 = vector.broadcast %add3A_2092 : i32 to vector<16xi32>
    %select_n3A_2102 = arith.select %gt3A_2099, %broadcast_in_dim3A_2101, %select_n3A_2045 : vector<16xi1>, vector<16xi32>
    %mul3A_2103 = arith.constant 4 : i32
    %mul3A_2104 = arith.muli %scan3A_2074, %mul3A_2103 : i32
    %add3A_2105 = arith.constant 2 : i32
    %add3A_2106 = arith.addi %mul3A_2104, %add3A_2105 : i32
    %mul3A_2107 = arith.constant 16 : i32
    %mul3A_2108 = arith.muli %add3A_2106, %mul3A_2107 : i32
    %add3A_2109 = arith.constant 1792 : i32
    %add3A_2110 = arith.addi %add3A_2109, %mul3A_2108 : i32
    %get3A_2111 = arith.index_cast %add3A_2110 : i32 to index
    %get3A_2112 = tpu.vector_load %arg4[%get3A_2111] {strides = array<i32>} : memref<2048xf32, #tpu.memory_space<vmem>>, vector<16xf32>,
    %gt3A_2113 = arith.cmpf ogt, %get3A_2112, %select_n3A_2057 : vector<16xf32>
    %select_n3A_2114 = arith.select %gt3A_2113, %get3A_2112, %select_n3A_2057 : vector<16xi1>, vector<16xf32>
    %broadcast_in_dim3A_2115 = vector.broadcast %add3A_2106 : i32 to vector<16xi32>
    %select_n3A_2116 = arith.select %gt3A_2113, %broadcast_in_dim3A_2115, %select_n3A_2059 : vector<16xi1>, vector<16xi32>
    %mul3A_2117 = arith.constant 4 : i32
    %mul3A_2118 = arith.muli %scan3A_2074, %mul3A_2117 : i32
    %add3A_2119 = arith.constant 3 : i32
    %add3A_2120 = arith.addi %mul3A_2118, %add3A_2119 : i32
    %mul3A_2121 = arith.constant 16 : i32
    %mul3A_2122 = arith.muli %add3A_2120, %mul3A_2121 : i32
    %add3A_2123 = arith.constant 1792 : i32
    %add3A_2124 = arith.addi %add3A_2123, %mul3A_2122 : i32
    %get3A_2125 = arith.index_cast %add3A_2124 : i32 to index
    %get3A_2126 = tpu.vector_load %arg4[%get3A_2125] {strides = array<i32>} : memref<2048xf32, #tpu.memory_space<vmem>>, vector<16xf32>,
    %gt3A_2127 = arith.cmpf ogt, %get3A_2126, %select_n3A_2071 : vector<16xf32>
    %select_n3A_2128 = arith.select %gt3A_2127, %get3A_2126, %select_n3A_2071 : vector<16xi1>, vector<16xf32>
    %broadcast_in_dim3A_2129 = vector.broadcast %add3A_2120 : i32 to vector<16xi32>
    %select_n3A_2130 = arith.select %gt3A_2127, %broadcast_in_dim3A_2129, %select_n3A_2073 : vector<16xi1>, vector<16xi32>
    %scan3A_2131 = arith.constant 2 : i32
    %mul3A_2132 = arith.constant 4 : i32
    %mul3A_2133 = arith.muli %scan3A_2131, %mul3A_2132 : i32
    %add3A_2134 = arith.constant 0 : i32
    %add3A_2135 = arith.addi %mul3A_2133, %add3A_2134 : i32
    %mul3A_2136 = arith.constant 16 : i32
    %mul3A_2137 = arith.muli %add3A_2135, %mul3A_2136 : i32
    %add3A_2138 = arith.constant 1792 : i32
    %add3A_2139 = arith.addi %add3A_2138, %mul3A_2137 : i32
    %get3A_2140 = arith.index_cast %add3A_2139 : i32 to index
    %get3A_2141 = tpu.vector_load %arg4[%get3A_2140] {strides = array<i32>} : memref<2048xf32, #tpu.memory_space<vmem>>, vector<16xf32>,
    %gt3A_2142 = arith.cmpf ogt, %get3A_2141, %select_n3A_2086 : vector<16xf32>
    %select_n3A_2143 = arith.select %gt3A_2142, %get3A_2141, %select_n3A_2086 : vector<16xi1>, vector<16xf32>
    %broadcast_in_dim3A_2144 = vector.broadcast %add3A_2135 : i32 to vector<16xi32>
    %select_n3A_2145 = arith.select %gt3A_2142, %broadcast_in_dim3A_2144, %select_n3A_2088 : vector<16xi1>, vector<16xi32>
    %mul3A_2146 = arith.constant 4 : i32
    %mul3A_2147 = arith.muli %scan3A_2131, %mul3A_2146 : i32
    %add3A_2148 = arith.constant 1 : i32
    %add3A_2149 = arith.addi %mul3A_2147, %add3A_2148 : i32
    %mul3A_2150 = arith.constant 16 : i32
    %mul3A_2151 = arith.muli %add3A_2149, %mul3A_2150 : i32
    %add3A_2152 = arith.constant 1792 : i32
    %add3A_2153 = arith.addi %add3A_2152, %mul3A_2151 : i32
    %get3A_2154 = arith.index_cast %add3A_2153 : i32 to index
    %get3A_2155 = tpu.vector_load %arg4[%get3A_2154] {strides = array<i32>} : memref<2048xf32, #tpu.memory_space<vmem>>, vector<16xf32>,
    %gt3A_2156 = arith.cmpf ogt, %get3A_2155, %select_n3A_2100 : vector<16xf32>
    %select_n3A_2157 = arith.select %gt3A_2156, %get3A_2155, %select_n3A_2100 : vector<16xi1>, vector<16xf32>
    %broadcast_in_dim3A_2158 = vector.broadcast %add3A_2149 : i32 to vector<16xi32>
    %select_n3A_2159 = arith.select %gt3A_2156, %broadcast_in_dim3A_2158, %select_n3A_2102 : vector<16xi1>, vector<16xi32>
    %mul3A_2160 = arith.constant 4 : i32
    %mul3A_2161 = arith.muli %scan3A_2131, %mul3A_2160 : i32
    %add3A_2162 = arith.constant 2 : i32
    %add3A_2163 = arith.addi %mul3A_2161, %add3A_2162 : i32
    %mul3A_2164 = arith.constant 16 : i32
    %mul3A_2165 = arith.muli %add3A_2163, %mul3A_2164 : i32
    %add3A_2166 = arith.constant 1792 : i32
    %add3A_2167 = arith.addi %add3A_2166, %mul3A_2165 : i32
    %get3A_2168 = arith.index_cast %add3A_2167 : i32 to index
    %get3A_2169 = tpu.vector_load %arg4[%get3A_2168] {strides = array<i32>} : memref<2048xf32, #tpu.memory_space<vmem>>, vector<16xf32>,
    %gt3A_2170 = arith.cmpf ogt, %get3A_2169, %select_n3A_2114 : vector<16xf32>
    %select_n3A_2171 = arith.select %gt3A_2170, %get3A_2169, %select_n3A_2114 : vector<16xi1>, vector<16xf32>
    %broadcast_in_dim3A_2172 = vector.broadcast %add3A_2163 : i32 to vector<16xi32>
    %select_n3A_2173 = arith.select %gt3A_2170, %broadcast_in_dim3A_2172, %select_n3A_2116 : vector<16xi1>, vector<16xi32>
    %mul3A_2174 = arith.constant 4 : i32
    %mul3A_2175 = arith.muli %scan3A_2131, %mul3A_2174 : i32
    %add3A_2176 = arith.constant 3 : i32
    %add3A_2177 = arith.addi %mul3A_2175, %add3A_2176 : i32
    %mul3A_2178 = arith.constant 16 : i32
    %mul3A_2179 = arith.muli %add3A_2177, %mul3A_2178 : i32
    %add3A_2180 = arith.constant 1792 : i32
    %add3A_2181 = arith.addi %add3A_2180, %mul3A_2179 : i32
    %get3A_2182 = arith.index_cast %add3A_2181 : i32 to index
    %get3A_2183 = tpu.vector_load %arg4[%get3A_2182] {strides = array<i32>} : memref<2048xf32, #tpu.memory_space<vmem>>, vector<16xf32>,
    %gt3A_2184 = arith.cmpf ogt, %get3A_2183, %select_n3A_2128 : vector<16xf32>
    %select_n3A_2185 = arith.select %gt3A_2184, %get3A_2183, %select_n3A_2128 : vector<16xi1>, vector<16xf32>
    %broadcast_in_dim3A_2186 = vector.broadcast %add3A_2177 : i32 to vector<16xi32>
    %select_n3A_2187 = arith.select %gt3A_2184, %broadcast_in_dim3A_2186, %select_n3A_2130 : vector<16xi1>, vector<16xi32>
    %scan3A_2188 = arith.constant 3 : i32
    %mul3A_2189 = arith.constant 4 : i32
    %mul3A_2190 = arith.muli %scan3A_2188, %mul3A_2189 : i32
    %add3A_2191 = arith.constant 0 : i32
    %add3A_2192 = arith.addi %mul3A_2190, %add3A_2191 : i32
    %mul3A_2193 = arith.constant 16 : i32
    %mul3A_2194 = arith.muli %add3A_2192, %mul3A_2193 : i32
    %add3A_2195 = arith.constant 1792 : i32
    %add3A_2196 = arith.addi %add3A_2195, %mul3A_2194 : i32
    %get3A_2197 = arith.index_cast %add3A_2196 : i32 to index
    %get3A_2198 = tpu.vector_load %arg4[%get3A_2197] {strides = array<i32>} : memref<2048xf32, #tpu.memory_space<vmem>>, vector<16xf32>,
    %gt3A_2199 = arith.cmpf ogt, %get3A_2198, %select_n3A_2143 : vector<16xf32>
    %select_n3A_2200 = arith.select %gt3A_2199, %get3A_2198, %select_n3A_2143 : vector<16xi1>, vector<16xf32>
    %broadcast_in_dim3A_2201 = vector.broadcast %add3A_2192 : i32 to vector<16xi32>
    %select_n3A_2202 = arith.select %gt3A_2199, %broadcast_in_dim3A_2201, %select_n3A_2145 : vector<16xi1>, vector<16xi32>
    %mul3A_2203 = arith.constant 4 : i32
    %mul3A_2204 = arith.muli %scan3A_2188, %mul3A_2203 : i32
    %add3A_2205 = arith.constant 1 : i32
    %add3A_2206 = arith.addi %mul3A_2204, %add3A_2205 : i32
    %mul3A_2207 = arith.constant 16 : i32
    %mul3A_2208 = arith.muli %add3A_2206, %mul3A_2207 : i32
    %add3A_2209 = arith.constant 1792 : i32
    %add3A_2210 = arith.addi %add3A_2209, %mul3A_2208 : i32
    %get3A_2211 = arith.index_cast %add3A_2210 : i32 to index
    %get3A_2212 = tpu.vector_load %arg4[%get3A_2211] {strides = array<i32>} : memref<2048xf32, #tpu.memory_space<vmem>>, vector<16xf32>,
    %gt3A_2213 = arith.cmpf ogt, %get3A_2212, %select_n3A_2157 : vector<16xf32>
    %select_n3A_2214 = arith.select %gt3A_2213, %get3A_2212, %select_n3A_2157 : vector<16xi1>, vector<16xf32>
    %broadcast_in_dim3A_2215 = vector.broadcast %add3A_2206 : i32 to vector<16xi32>
    %select_n3A_2216 = arith.select %gt3A_2213, %broadcast_in_dim3A_2215, %select_n3A_2159 : vector<16xi1>, vector<16xi32>
    %mul3A_2217 = arith.constant 4 : i32
    %mul3A_2218 = arith.muli %scan3A_2188, %mul3A_2217 : i32
    %add3A_2219 = arith.constant 2 : i32
    %add3A_2220 = arith.addi %mul3A_2218, %add3A_2219 : i32
    %mul3A_2221 = arith.constant 16 : i32
    %mul3A_2222 = arith.muli %add3A_2220, %mul3A_2221 : i32
    %add3A_2223 = arith.constant 1792 : i32
    %add3A_2224 = arith.addi %add3A_2223, %mul3A_2222 : i32
    %get3A_2225 = arith.index_cast %add3A_2224 : i32 to index
    %get3A_2226 = tpu.vector_load %arg4[%get3A_2225] {strides = array<i32>} : memref<2048xf32, #tpu.memory_space<vmem>>, vector<16xf32>,
    %gt3A_2227 = arith.cmpf ogt, %get3A_2226, %select_n3A_2171 : vector<16xf32>
    %select_n3A_2228 = arith.select %gt3A_2227, %get3A_2226, %select_n3A_2171 : vector<16xi1>, vector<16xf32>
    %broadcast_in_dim3A_2229 = vector.broadcast %add3A_2220 : i32 to vector<16xi32>
    %select_n3A_2230 = arith.select %gt3A_2227, %broadcast_in_dim3A_2229, %select_n3A_2173 : vector<16xi1>, vector<16xi32>
    %mul3A_2231 = arith.constant 4 : i32
    %mul3A_2232 = arith.muli %scan3A_2188, %mul3A_2231 : i32
    %add3A_2233 = arith.constant 3 : i32
    %add3A_2234 = arith.addi %mul3A_2232, %add3A_2233 : i32
    %mul3A_2235 = arith.constant 16 : i32
    %mul3A_2236 = arith.muli %add3A_2234, %mul3A_2235 : i32
    %add3A_2237 = arith.constant 1792 : i32
    %add3A_2238 = arith.addi %add3A_2237, %mul3A_2236 : i32
    %get3A_2239 = arith.index_cast %add3A_2238 : i32 to index
    %get3A_2240 = tpu.vector_load %arg4[%get3A_2239] {strides = array<i32>} : memref<2048xf32, #tpu.memory_space<vmem>>, vector<16xf32>,
    %gt3A_2241 = arith.cmpf ogt, %get3A_2240, %select_n3A_2185 : vector<16xf32>
    %select_n3A_2242 = arith.select %gt3A_2241, %get3A_2240, %select_n3A_2185 : vector<16xi1>, vector<16xf32>
    %broadcast_in_dim3A_2243 = vector.broadcast %add3A_2234 : i32 to vector<16xi32>
    %select_n3A_2244 = arith.select %gt3A_2241, %broadcast_in_dim3A_2243, %select_n3A_2187 : vector<16xi1>, vector<16xi32>
    %scan3A_2245 = arith.constant 4 : i32
    %mul3A_2246 = arith.constant 16 : i32
    %mul3A_2247 = vector.broadcast %mul3A_2246 : i32 to vector<16xi32>
    %mul3A_2248 = arith.muli %select_n3A_2202, %mul3A_2247 : vector<16xi32>
    %add3A_2249 = arith.addi %mul3A_2248, %iota3A : vector<16xi32>
    %add3A_2250 = arith.constant 1792 : i32
    %add3A_2251 = vector.broadcast %add3A_2250 : i32 to vector<16xi32>
    %add3A_2252 = arith.addi %add3A_2249, %add3A_2251 : vector<16xi32>
    %add3A_2253 = vector.broadcast %mul3A_2 : i32 to vector<16xi32>
    %add3A_2254 = arith.addi %add3A_2252, %add3A_2253 : vector<16xi32>
    %mul3A_2255 = arith.constant 16 : i32
    %mul3A_2256 = vector.broadcast %mul3A_2255 : i32 to vector<16xi32>
    %mul3A_2257 = arith.muli %select_n3A_2216, %mul3A_2256 : vector<16xi32>
    %add3A_2258 = arith.addi %mul3A_2257, %iota3A : vector<16xi32>
    %add3A_2259 = arith.constant 1792 : i32
    %add3A_2260 = vector.broadcast %add3A_2259 : i32 to vector<16xi32>
    %add3A_2261 = arith.addi %add3A_2258, %add3A_2260 : vector<16xi32>
    %add3A_2262 = vector.broadcast %mul3A_2 : i32 to vector<16xi32>
    %add3A_2263 = arith.addi %add3A_2261, %add3A_2262 : vector<16xi32>
    %mul3A_2264 = arith.constant 16 : i32
    %mul3A_2265 = vector.broadcast %mul3A_2264 : i32 to vector<16xi32>
    %mul3A_2266 = arith.muli %select_n3A_2230, %mul3A_2265 : vector<16xi32>
    %add3A_2267 = arith.addi %mul3A_2266, %iota3A : vector<16xi32>
    %add3A_2268 = arith.constant 1792 : i32
    %add3A_2269 = vector.broadcast %add3A_2268 : i32 to vector<16xi32>
    %add3A_2270 = arith.addi %add3A_2267, %add3A_2269 : vector<16xi32>
    %add3A_2271 = vector.broadcast %mul3A_2 : i32 to vector<16xi32>
    %add3A_2272 = arith.addi %add3A_2270, %add3A_2271 : vector<16xi32>
    %mul3A_2273 = arith.constant 16 : i32
    %mul3A_2274 = vector.broadcast %mul3A_2273 : i32 to vector<16xi32>
    %mul3A_2275 = arith.muli %select_n3A_2244, %mul3A_2274 : vector<16xi32>
    %add3A_2276 = arith.addi %mul3A_2275, %iota3A : vector<16xi32>
    %add3A_2277 = arith.constant 1792 : i32
    %add3A_2278 = vector.broadcast %add3A_2277 : i32 to vector<16xi32>
    %add3A_2279 = arith.addi %add3A_2276, %add3A_2278 : vector<16xi32>
    %add3A_2280 = vector.broadcast %mul3A_2 : i32 to vector<16xi32>
    %add3A_2281 = arith.addi %add3A_2279, %add3A_2280 : vector<16xi32>
    %gt3A_2282 = arith.cmpf ogt, %select_n3A_2214, %select_n3A_2200 : vector<16xf32>
    %eq3A_2283 = arith.cmpf oeq, %select_n3A_2214, %select_n3A_2200 : vector<16xf32>
    %lt3A_2284 = arith.cmpi slt, %add3A_2263, %add3A_2254 : vector<16xi32>
    %and3A_2285 = arith.andi %eq3A_2283, %lt3A_2284 : vector<16xi1>
    %or3A_2286 = arith.ori %gt3A_2282, %and3A_2285 : vector<16xi1>
    %select_n3A_2287 = arith.select %or3A_2286, %select_n3A_2214, %select_n3A_2200 : vector<16xi1>, vector<16xf32>
    %select_n3A_2288 = arith.select %or3A_2286, %add3A_2263, %add3A_2254 : vector<16xi1>, vector<16xi32>
    %gt3A_2289 = arith.cmpf ogt, %select_n3A_2228, %select_n3A_2287 : vector<16xf32>
    %eq3A_2290 = arith.cmpf oeq, %select_n3A_2228, %select_n3A_2287 : vector<16xf32>
    %lt3A_2291 = arith.cmpi slt, %add3A_2272, %select_n3A_2288 : vector<16xi32>
    %and3A_2292 = arith.andi %eq3A_2290, %lt3A_2291 : vector<16xi1>
    %or3A_2293 = arith.ori %gt3A_2289, %and3A_2292 : vector<16xi1>
    %select_n3A_2294 = arith.select %or3A_2293, %select_n3A_2228, %select_n3A_2287 : vector<16xi1>, vector<16xf32>
    %select_n3A_2295 = arith.select %or3A_2293, %add3A_2272, %select_n3A_2288 : vector<16xi1>, vector<16xi32>
    %gt3A_2296 = arith.cmpf ogt, %select_n3A_2242, %select_n3A_2294 : vector<16xf32>
    %eq3A_2297 = arith.cmpf oeq, %select_n3A_2242, %select_n3A_2294 : vector<16xf32>
    %lt3A_2298 = arith.cmpi slt, %add3A_2281, %select_n3A_2295 : vector<16xi32>
    %and3A_2299 = arith.andi %eq3A_2297, %lt3A_2298 : vector<16xi1>
    %or3A_2300 = arith.ori %gt3A_2296, %and3A_2299 : vector<16xi1>
    %select_n3A_2301 = arith.select %or3A_2300, %select_n3A_2242, %select_n3A_2294 : vector<16xi1>, vector<16xf32>
    %select_n3A_2302 = arith.select %or3A_2300, %add3A_2281, %select_n3A_2295 : vector<16xi1>, vector<16xi32>
    %max3A = arith.maximumf %select_n3A_299, %select_n3A_585 : vector<16xf32>
    %max3A_2303 = arith.maximumf %max3A, %select_n3A_871 : vector<16xf32>
    %max3A_2304 = arith.maximumf %max3A_2303, %select_n3A_1157 : vector<16xf32>
    %max3A_2305 = arith.maximumf %max3A_2304, %select_n3A_1443 : vector<16xf32>
    %max3A_2306 = arith.maximumf %max3A_2305, %select_n3A_1729 : vector<16xf32>
    %max3A_2307 = arith.maximumf %max3A_2306, %select_n3A_2015 : vector<16xf32>
    %max3A_2308 = arith.maximumf %max3A_2307, %select_n3A_2301 : vector<16xf32>
    %bitcast3A = vector.bitcast %max3A_2308 : vector<16xf32> to vector<16xi32>
    %swap3A = arith.constant 0 : index
    %swap3A_2309 = tpu.vector_load %arg9[%swap3A] {strides = array<i32>} : memref<32xi32, #tpu.memory_space<vmem>>, vector<16xi32>,
    tpu.vector_store %arg9[%swap3A], %bitcast3A {strides = array<i32>} : memref<32xi32, #tpu.memory_space<vmem>>, vector<16xi32>,
    %mul3A_2310 = arith.constant 16 : i32
    %mul3A_2311 = arith.muli %arg1, %mul3A_2310 : i32
    "tpu.region"() ({
      %run_scoped3A = tpu.sem_alloc : memref<!tpu.dma_semaphore, #tpu.memory_space<semaphore_mem>>
      %dma_start3A_2465 = arith.constant 0 : i32
      %dma_start3A_2466 = tpu.memref_slice %arg9[%dma_start3A_2465] : memref<32xi32, #tpu.memory_space<vmem>> -> memref<16xi32, #tpu.memory_space<vmem>>
      %dma_start3A_2467 = tpu.memref_slice %arg11[%mul3A_2311] : memref<256xi32, #tpu.memory_space<vmem_shared>> -> memref<16xi32, #tpu.memory_space<vmem_shared>>
      %dma_start3A_2468 = tpu.memref_slice %arg11[%mul3A_2311] : memref<256xi32, #tpu.memory_space<vmem_shared>> -> memref<16xi32, #tpu.memory_space<vmem_shared>>
      %dma_start3A_2469 = arith.constant 0 : i32
      %dma_start3A_2470 = tpu.memref_slice %arg9[%dma_start3A_2469] : memref<32xi32, #tpu.memory_space<vmem>> -> memref<16xi32, #tpu.memory_space<vmem>>
      tpu.enqueue_dma source(%dma_start3A_2470 : memref<16xi32, #tpu.memory_space<vmem>>) target(%dma_start3A_2468 : memref<16xi32, #tpu.memory_space<vmem_shared>>) target_semaphore(%run_scoped3A : memref<!tpu.dma_semaphore, #tpu.memory_space<semaphore_mem>>)
      %dma_wait3A_2471 = arith.constant 0 : i32
      %dma_wait3A_2472 = tpu.memref_slice %arg9[%dma_wait3A_2471] : memref<32xi32, #tpu.memory_space<vmem>> -> memref<16xi32, #tpu.memory_space<vmem>>
      %dma_wait3A_2473 = tpu.memref_slice %arg11[%mul3A_2311] : memref<256xi32, #tpu.memory_space<vmem_shared>> -> memref<16xi32, #tpu.memory_space<vmem_shared>>
      %dma_wait3A_2474 = tpu.memref_slice %arg11[%mul3A_2311] : memref<256xi32, #tpu.memory_space<vmem_shared>> -> memref<16xi32, #tpu.memory_space<vmem_shared>>
      %dma_wait3A_2475 = arith.constant 0 : i32
      %dma_wait3A_2476 = tpu.memref_slice %arg9[%dma_wait3A_2475] : memref<32xi32, #tpu.memory_space<vmem>> -> memref<16xi32, #tpu.memory_space<vmem>>
      tpu.wait_dma2 semaphore(%run_scoped3A : memref<!tpu.dma_semaphore, #tpu.memory_space<semaphore_mem>>) src(%dma_wait3A_2476 : memref<16xi32, #tpu.memory_space<vmem>>) dst(%dma_wait3A_2474 : memref<16xi32, #tpu.memory_space<vmem_shared>>)
      tpu.yield
    }) : () -> ()
    %barrier3A = arith.constant 0 : index
    tpu.barrier barrier_id(%barrier3A)
    "tpu.region"() ({
      %run_scoped3A = tpu.sem_alloc : memref<!tpu.dma_semaphore, #tpu.memory_space<semaphore_mem>>
      %dma_start3A_2465 = arith.constant 0 : i32
      %dma_start3A_2466 = tpu.memref_slice %arg7[%dma_start3A_2465] : memref<1024xi32, #tpu.memory_space<vmem>> -> memref<256xi32, #tpu.memory_space<vmem>>
      %dma_start3A_2467 = arith.constant 0 : i32
      %dma_start3A_2468 = tpu.memref_slice %arg7[%dma_start3A_2467] : memref<1024xi32, #tpu.memory_space<vmem>> -> memref<256xi32, #tpu.memory_space<vmem>>
      tpu.enqueue_dma source(%arg11 : memref<256xi32, #tpu.memory_space<vmem_shared>>) target(%dma_start3A_2468 : memref<256xi32, #tpu.memory_space<vmem>>) target_semaphore(%run_scoped3A : memref<!tpu.dma_semaphore, #tpu.memory_space<semaphore_mem>>)
      %dma_wait3A_2469 = arith.constant 0 : i32
      %dma_wait3A_2470 = tpu.memref_slice %arg7[%dma_wait3A_2469] : memref<1024xi32, #tpu.memory_space<vmem>> -> memref<256xi32, #tpu.memory_space<vmem>>
      %dma_wait3A_2471 = arith.constant 0 : i32
      %dma_wait3A_2472 = tpu.memref_slice %arg7[%dma_wait3A_2471] : memref<1024xi32, #tpu.memory_space<vmem>> -> memref<256xi32, #tpu.memory_space<vmem>>
      tpu.wait_dma2 semaphore(%run_scoped3A : memref<!tpu.dma_semaphore, #tpu.memory_space<semaphore_mem>>) src(%arg11 : memref<256xi32, #tpu.memory_space<vmem_shared>>) dst(%dma_wait3A_2472 : memref<256xi32, #tpu.memory_space<vmem>>)
      tpu.yield
    }) : () -> ()
    %get3A_2312 = arith.constant 0 : index
    %get3A_2313 = tpu.vector_load %arg7[%get3A_2312] {strides = array<i32>} : memref<1024xi32, #tpu.memory_space<vmem>>, vector<16xi32>,
    %bitcast3A_2314 = vector.bitcast %get3A_2313 : vector<16xi32> to vector<16xf32>
    %gt3A_2315 = arith.cmpf ogt, %bitcast3A_2314, %broadcast_in_dim3A_19 : vector<16xf32>
    %gt3A_2316 = arith.cmpf ogt, %bitcast3A_2314, %broadcast_in_dim3A_19 : vector<16xf32>
    %select_n3A_2317 = arith.select %gt3A_2316, %bitcast3A_2314, %broadcast_in_dim3A_19 : vector<16xi1>, vector<16xf32>
    %select_n3A_2318 = arith.select %gt3A_2315, %broadcast_in_dim3A_19, %select_n3A_2317 : vector<16xi1>, vector<16xf32>
    %select_n3A_2319 = arith.select %gt3A_2315, %bitcast3A_2314, %broadcast_in_dim3A_19 : vector<16xi1>, vector<16xf32>
    %get3A_2320 = arith.constant 16 : index
    %get3A_2321 = tpu.vector_load %arg7[%get3A_2320] {strides = array<i32>} : memref<1024xi32, #tpu.memory_space<vmem>>, vector<16xi32>,
    %bitcast3A_2322 = vector.bitcast %get3A_2321 : vector<16xi32> to vector<16xf32>
    %gt3A_2323 = arith.cmpf ogt, %bitcast3A_2322, %select_n3A_2319 : vector<16xf32>
    %gt3A_2324 = arith.cmpf ogt, %bitcast3A_2322, %select_n3A_2318 : vector<16xf32>
    %select_n3A_2325 = arith.select %gt3A_2324, %bitcast3A_2322, %select_n3A_2318 : vector<16xi1>, vector<16xf32>
    %select_n3A_2326 = arith.select %gt3A_2323, %select_n3A_2319, %select_n3A_2325 : vector<16xi1>, vector<16xf32>
    %select_n3A_2327 = arith.select %gt3A_2323, %bitcast3A_2322, %select_n3A_2319 : vector<16xi1>, vector<16xf32>
    %get3A_2328 = arith.constant 32 : index
    %get3A_2329 = tpu.vector_load %arg7[%get3A_2328] {strides = array<i32>} : memref<1024xi32, #tpu.memory_space<vmem>>, vector<16xi32>,
    %bitcast3A_2330 = vector.bitcast %get3A_2329 : vector<16xi32> to vector<16xf32>
    %gt3A_2331 = arith.cmpf ogt, %bitcast3A_2330, %select_n3A_2327 : vector<16xf32>
    %gt3A_2332 = arith.cmpf ogt, %bitcast3A_2330, %select_n3A_2326 : vector<16xf32>
    %select_n3A_2333 = arith.select %gt3A_2332, %bitcast3A_2330, %select_n3A_2326 : vector<16xi1>, vector<16xf32>
    %select_n3A_2334 = arith.select %gt3A_2331, %select_n3A_2327, %select_n3A_2333 : vector<16xi1>, vector<16xf32>
    %select_n3A_2335 = arith.select %gt3A_2331, %bitcast3A_2330, %select_n3A_2327 : vector<16xi1>, vector<16xf32>
    %get3A_2336 = arith.constant 48 : index
    %get3A_2337 = tpu.vector_load %arg7[%get3A_2336] {strides = array<i32>} : memref<1024xi32, #tpu.memory_space<vmem>>, vector<16xi32>,
    %bitcast3A_2338 = vector.bitcast %get3A_2337 : vector<16xi32> to vector<16xf32>
    %gt3A_2339 = arith.cmpf ogt, %bitcast3A_2338, %select_n3A_2335 : vector<16xf32>
    %gt3A_2340 = arith.cmpf ogt, %bitcast3A_2338, %select_n3A_2334 : vector<16xf32>
    %select_n3A_2341 = arith.select %gt3A_2340, %bitcast3A_2338, %select_n3A_2334 : vector<16xi1>, vector<16xf32>
    %select_n3A_2342 = arith.select %gt3A_2339, %select_n3A_2335, %select_n3A_2341 : vector<16xi1>, vector<16xf32>
    %select_n3A_2343 = arith.select %gt3A_2339, %bitcast3A_2338, %select_n3A_2335 : vector<16xi1>, vector<16xf32>
    %get3A_2344 = arith.constant 64 : index
    %get3A_2345 = tpu.vector_load %arg7[%get3A_2344] {strides = array<i32>} : memref<1024xi32, #tpu.memory_space<vmem>>, vector<16xi32>,
    %bitcast3A_2346 = vector.bitcast %get3A_2345 : vector<16xi32> to vector<16xf32>
    %gt3A_2347 = arith.cmpf ogt, %bitcast3A_2346, %select_n3A_2343 : vector<16xf32>
    %gt3A_2348 = arith.cmpf ogt, %bitcast3A_2346, %select_n3A_2342 : vector<16xf32>
    %select_n3A_2349 = arith.select %gt3A_2348, %bitcast3A_2346, %select_n3A_2342 : vector<16xi1>, vector<16xf32>
    %select_n3A_2350 = arith.select %gt3A_2347, %select_n3A_2343, %select_n3A_2349 : vector<16xi1>, vector<16xf32>
    %select_n3A_2351 = arith.select %gt3A_2347, %bitcast3A_2346, %select_n3A_2343 : vector<16xi1>, vector<16xf32>
    %get3A_2352 = arith.constant 80 : index
    %get3A_2353 = tpu.vector_load %arg7[%get3A_2352] {strides = array<i32>} : memref<1024xi32, #tpu.memory_space<vmem>>, vector<16xi32>,
    %bitcast3A_2354 = vector.bitcast %get3A_2353 : vector<16xi32> to vector<16xf32>
    %gt3A_2355 = arith.cmpf ogt, %bitcast3A_2354, %select_n3A_2351 : vector<16xf32>
    %gt3A_2356 = arith.cmpf ogt, %bitcast3A_2354, %select_n3A_2350 : vector<16xf32>
    %select_n3A_2357 = arith.select %gt3A_2356, %bitcast3A_2354, %select_n3A_2350 : vector<16xi1>, vector<16xf32>
    %select_n3A_2358 = arith.select %gt3A_2355, %select_n3A_2351, %select_n3A_2357 : vector<16xi1>, vector<16xf32>
    %select_n3A_2359 = arith.select %gt3A_2355, %bitcast3A_2354, %select_n3A_2351 : vector<16xi1>, vector<16xf32>
    %get3A_2360 = arith.constant 96 : index
    %get3A_2361 = tpu.vector_load %arg7[%get3A_2360] {strides = array<i32>} : memref<1024xi32, #tpu.memory_space<vmem>>, vector<16xi32>,
    %bitcast3A_2362 = vector.bitcast %get3A_2361 : vector<16xi32> to vector<16xf32>
    %gt3A_2363 = arith.cmpf ogt, %bitcast3A_2362, %select_n3A_2359 : vector<16xf32>
    %gt3A_2364 = arith.cmpf ogt, %bitcast3A_2362, %select_n3A_2358 : vector<16xf32>
    %select_n3A_2365 = arith.select %gt3A_2364, %bitcast3A_2362, %select_n3A_2358 : vector<16xi1>, vector<16xf32>
    %select_n3A_2366 = arith.select %gt3A_2363, %select_n3A_2359, %select_n3A_2365 : vector<16xi1>, vector<16xf32>
    %select_n3A_2367 = arith.select %gt3A_2363, %bitcast3A_2362, %select_n3A_2359 : vector<16xi1>, vector<16xf32>
    %get3A_2368 = arith.constant 112 : index
    %get3A_2369 = tpu.vector_load %arg7[%get3A_2368] {strides = array<i32>} : memref<1024xi32, #tpu.memory_space<vmem>>, vector<16xi32>,
    %bitcast3A_2370 = vector.bitcast %get3A_2369 : vector<16xi32> to vector<16xf32>
    %gt3A_2371 = arith.cmpf ogt, %bitcast3A_2370, %select_n3A_2367 : vector<16xf32>
    %gt3A_2372 = arith.cmpf ogt, %bitcast3A_2370, %select_n3A_2366 : vector<16xf32>
    %select_n3A_2373 = arith.select %gt3A_2372, %bitcast3A_2370, %select_n3A_2366 : vector<16xi1>, vector<16xf32>
    %select_n3A_2374 = arith.select %gt3A_2371, %select_n3A_2367, %select_n3A_2373 : vector<16xi1>, vector<16xf32>
    %select_n3A_2375 = arith.select %gt3A_2371, %bitcast3A_2370, %select_n3A_2367 : vector<16xi1>, vector<16xf32>
    %get3A_2376 = arith.constant 128 : index
    %get3A_2377 = tpu.vector_load %arg7[%get3A_2376] {strides = array<i32>} : memref<1024xi32, #tpu.memory_space<vmem>>, vector<16xi32>,
    %bitcast3A_2378 = vector.bitcast %get3A_2377 : vector<16xi32> to vector<16xf32>
    %gt3A_2379 = arith.cmpf ogt, %bitcast3A_2378, %select_n3A_2375 : vector<16xf32>
    %gt3A_2380 = arith.cmpf ogt, %bitcast3A_2378, %select_n3A_2374 : vector<16xf32>
    %select_n3A_2381 = arith.select %gt3A_2380, %bitcast3A_2378, %select_n3A_2374 : vector<16xi1>, vector<16xf32>
    %select_n3A_2382 = arith.select %gt3A_2379, %select_n3A_2375, %select_n3A_2381 : vector<16xi1>, vector<16xf32>
    %select_n3A_2383 = arith.select %gt3A_2379, %bitcast3A_2378, %select_n3A_2375 : vector<16xi1>, vector<16xf32>
    %get3A_2384 = arith.constant 144 : index
    %get3A_2385 = tpu.vector_load %arg7[%get3A_2384] {strides = array<i32>} : memref<1024xi32, #tpu.memory_space<vmem>>, vector<16xi32>,
    %bitcast3A_2386 = vector.bitcast %get3A_2385 : vector<16xi32> to vector<16xf32>
    %gt3A_2387 = arith.cmpf ogt, %bitcast3A_2386, %select_n3A_2383 : vector<16xf32>
    %gt3A_2388 = arith.cmpf ogt, %bitcast3A_2386, %select_n3A_2382 : vector<16xf32>
    %select_n3A_2389 = arith.select %gt3A_2388, %bitcast3A_2386, %select_n3A_2382 : vector<16xi1>, vector<16xf32>
    %select_n3A_2390 = arith.select %gt3A_2387, %select_n3A_2383, %select_n3A_2389 : vector<16xi1>, vector<16xf32>
    %select_n3A_2391 = arith.select %gt3A_2387, %bitcast3A_2386, %select_n3A_2383 : vector<16xi1>, vector<16xf32>
    %get3A_2392 = arith.constant 160 : index
    %get3A_2393 = tpu.vector_load %arg7[%get3A_2392] {strides = array<i32>} : memref<1024xi32, #tpu.memory_space<vmem>>, vector<16xi32>,
    %bitcast3A_2394 = vector.bitcast %get3A_2393 : vector<16xi32> to vector<16xf32>
    %gt3A_2395 = arith.cmpf ogt, %bitcast3A_2394, %select_n3A_2391 : vector<16xf32>
    %gt3A_2396 = arith.cmpf ogt, %bitcast3A_2394, %select_n3A_2390 : vector<16xf32>
    %select_n3A_2397 = arith.select %gt3A_2396, %bitcast3A_2394, %select_n3A_2390 : vector<16xi1>, vector<16xf32>
    %select_n3A_2398 = arith.select %gt3A_2395, %select_n3A_2391, %select_n3A_2397 : vector<16xi1>, vector<16xf32>
    %select_n3A_2399 = arith.select %gt3A_2395, %bitcast3A_2394, %select_n3A_2391 : vector<16xi1>, vector<16xf32>
    %get3A_2400 = arith.constant 176 : index
    %get3A_2401 = tpu.vector_load %arg7[%get3A_2400] {strides = array<i32>} : memref<1024xi32, #tpu.memory_space<vmem>>, vector<16xi32>,
    %bitcast3A_2402 = vector.bitcast %get3A_2401 : vector<16xi32> to vector<16xf32>
    %gt3A_2403 = arith.cmpf ogt, %bitcast3A_2402, %select_n3A_2399 : vector<16xf32>
    %gt3A_2404 = arith.cmpf ogt, %bitcast3A_2402, %select_n3A_2398 : vector<16xf32>
    %select_n3A_2405 = arith.select %gt3A_2404, %bitcast3A_2402, %select_n3A_2398 : vector<16xi1>, vector<16xf32>
    %select_n3A_2406 = arith.select %gt3A_2403, %select_n3A_2399, %select_n3A_2405 : vector<16xi1>, vector<16xf32>
    %select_n3A_2407 = arith.select %gt3A_2403, %bitcast3A_2402, %select_n3A_2399 : vector<16xi1>, vector<16xf32>
    %get3A_2408 = arith.constant 192 : index
    %get3A_2409 = tpu.vector_load %arg7[%get3A_2408] {strides = array<i32>} : memref<1024xi32, #tpu.memory_space<vmem>>, vector<16xi32>,
    %bitcast3A_2410 = vector.bitcast %get3A_2409 : vector<16xi32> to vector<16xf32>
    %gt3A_2411 = arith.cmpf ogt, %bitcast3A_2410, %select_n3A_2407 : vector<16xf32>
    %gt3A_2412 = arith.cmpf ogt, %bitcast3A_2410, %select_n3A_2406 : vector<16xf32>
    %select_n3A_2413 = arith.select %gt3A_2412, %bitcast3A_2410, %select_n3A_2406 : vector<16xi1>, vector<16xf32>
    %select_n3A_2414 = arith.select %gt3A_2411, %select_n3A_2407, %select_n3A_2413 : vector<16xi1>, vector<16xf32>
    %select_n3A_2415 = arith.select %gt3A_2411, %bitcast3A_2410, %select_n3A_2407 : vector<16xi1>, vector<16xf32>
    %get3A_2416 = arith.constant 208 : index
    %get3A_2417 = tpu.vector_load %arg7[%get3A_2416] {strides = array<i32>} : memref<1024xi32, #tpu.memory_space<vmem>>, vector<16xi32>,
    %bitcast3A_2418 = vector.bitcast %get3A_2417 : vector<16xi32> to vector<16xf32>
    %gt3A_2419 = arith.cmpf ogt, %bitcast3A_2418, %select_n3A_2415 : vector<16xf32>
    %gt3A_2420 = arith.cmpf ogt, %bitcast3A_2418, %select_n3A_2414 : vector<16xf32>
    %select_n3A_2421 = arith.select %gt3A_2420, %bitcast3A_2418, %select_n3A_2414 : vector<16xi1>, vector<16xf32>
    %select_n3A_2422 = arith.select %gt3A_2419, %select_n3A_2415, %select_n3A_2421 : vector<16xi1>, vector<16xf32>
    %select_n3A_2423 = arith.select %gt3A_2419, %bitcast3A_2418, %select_n3A_2415 : vector<16xi1>, vector<16xf32>
    %get3A_2424 = arith.constant 224 : index
    %get3A_2425 = tpu.vector_load %arg7[%get3A_2424] {strides = array<i32>} : memref<1024xi32, #tpu.memory_space<vmem>>, vector<16xi32>,
    %bitcast3A_2426 = vector.bitcast %get3A_2425 : vector<16xi32> to vector<16xf32>
    %gt3A_2427 = arith.cmpf ogt, %bitcast3A_2426, %select_n3A_2423 : vector<16xf32>
    %gt3A_2428 = arith.cmpf ogt, %bitcast3A_2426, %select_n3A_2422 : vector<16xf32>
    %select_n3A_2429 = arith.select %gt3A_2428, %bitcast3A_2426, %select_n3A_2422 : vector<16xi1>, vector<16xf32>
    %select_n3A_2430 = arith.select %gt3A_2427, %select_n3A_2423, %select_n3A_2429 : vector<16xi1>, vector<16xf32>
    %select_n3A_2431 = arith.select %gt3A_2427, %bitcast3A_2426, %select_n3A_2423 : vector<16xi1>, vector<16xf32>
    %get3A_2432 = arith.constant 240 : index
    %get3A_2433 = tpu.vector_load %arg7[%get3A_2432] {strides = array<i32>} : memref<1024xi32, #tpu.memory_space<vmem>>, vector<16xi32>,
    %bitcast3A_2434 = vector.bitcast %get3A_2433 : vector<16xi32> to vector<16xf32>
    %gt3A_2435 = arith.cmpf ogt, %bitcast3A_2434, %select_n3A_2431 : vector<16xf32>
    %gt3A_2436 = arith.cmpf ogt, %bitcast3A_2434, %select_n3A_2430 : vector<16xf32>
    %select_n3A_2437 = arith.select %gt3A_2436, %bitcast3A_2434, %select_n3A_2430 : vector<16xi1>, vector<16xf32>
    %select_n3A_2438 = arith.select %gt3A_2435, %select_n3A_2431, %select_n3A_2437 : vector<16xi1>, vector<16xf32>
    %select_n3A_2439 = arith.select %gt3A_2435, %bitcast3A_2434, %select_n3A_2431 : vector<16xi1>, vector<16xf32>
    %reduce_min3A = arith.constant true
    %reduce_min3A_2440 = vector.broadcast %reduce_min3A : i1 to vector<16xi1>
    %reduce_min3A_2441 = tpu.scan <min>, %select_n3A_2438 masked %reduce_min3A_2440 : vector<16xf32>, vector<16xi1> -> vector<16xf32>
    %reduce_min3A_2442 = vector.extract %reduce_min3A_2441[15] : f32 from vector<16xf32>
    %broadcast_in_dim3A_2443 = arith.constant -1 : i32
    %broadcast_in_dim3A_2444 = vector.broadcast %broadcast_in_dim3A_2443 : i32 to vector<16xi32>
    %while3A = arith.constant 0 : i32
    %while3A_2445 = arith.constant true
    %while3A_2446:22 = scf.while (%while3A_2465 = %while3A, %while3A_2466 = %while3A_2445, %while3A_2467 = %broadcast_in_dim3A_19, %while3A_2468 = %broadcast_in_dim3A_19, %while3A_2469 = %broadcast_in_dim3A_2444, %while3A_2470 = %broadcast_in_dim3A_2444, %while3A_2471 = %select_n3A_299, %while3A_2472 = %select_n3A_300, %while3A_2473 = %select_n3A_585, %while3A_2474 = %select_n3A_586, %while3A_2475 = %select_n3A_871, %while3A_2476 = %select_n3A_872, %while3A_2477 = %select_n3A_1157, %while3A_2478 = %select_n3A_1158, %while3A_2479 = %select_n3A_1443, %while3A_2480 = %select_n3A_1444, %while3A_2481 = %select_n3A_1729, %while3A_2482 = %select_n3A_1730, %while3A_2483 = %select_n3A_2015, %while3A_2484 = %select_n3A_2016, %while3A_2485 = %select_n3A_2301, %while3A_2486 = %select_n3A_2302) : (i32, i1, vector<16xf32>, vector<16xf32>, vector<16xi32>, vector<16xi32>, vector<16xf32>, vector<16xi32>, vector<16xf32>, vector<16xi32>, vector<16xf32>, vector<16xi32>, vector<16xf32>, vector<16xi32>, vector<16xf32>, vector<16xi32>, vector<16xf32>, vector<16xi32>, vector<16xf32>, vector<16xi32>, vector<16xf32>, vector<16xi32>) -> (i32, i1, vector<16xf32>, vector<16xf32>, vector<16xi32>, vector<16xi32>, vector<16xf32>, vector<16xi32>, vector<16xf32>, vector<16xi32>, vector<16xf32>, vector<16xi32>, vector<16xf32>, vector<16xi32>, vector<16xf32>, vector<16xi32>, vector<16xf32>, vector<16xi32>, vector<16xf32>, vector<16xi32>, vector<16xf32>, vector<16xi32>) {
      %lt3A_2487 = arith.constant 25 : i32
      %lt3A_2488 = arith.cmpi slt, %while3A_2465, %lt3A_2487 : i32
      %and3A_2489 = arith.andi %lt3A_2488, %while3A_2466 : i1
      scf.condition(%and3A_2489) %while3A_2465, %while3A_2466, %while3A_2467, %while3A_2468, %while3A_2469, %while3A_2470, %while3A_2471, %while3A_2472, %while3A_2473, %while3A_2474, %while3A_2475, %while3A_2476, %while3A_2477, %while3A_2478, %while3A_2479, %while3A_2480, %while3A_2481, %while3A_2482, %while3A_2483, %while3A_2484, %while3A_2485, %while3A_2486 : i32, i1, vector<16xf32>, vector<16xf32>, vector<16xi32>, vector<16xi32>, vector<16xf32>, vector<16xi32>, vector<16xf32>, vector<16xi32>, vector<16xf32>, vector<16xi32>, vector<16xf32>, vector<16xi32>, vector<16xf32>, vector<16xi32>, vector<16xf32>, vector<16xi32>, vector<16xf32>, vector<16xi32>, vector<16xf32>, vector<16xi32>
    } do {
    ^bb0(%while3A_2465: i32, %while3A_2466: i1, %while3A_2467: vector<16xf32>, %while3A_2468: vector<16xf32>, %while3A_2469: vector<16xi32>, %while3A_2470: vector<16xi32>, %while3A_2471: vector<16xf32>, %while3A_2472: vector<16xi32>, %while3A_2473: vector<16xf32>, %while3A_2474: vector<16xi32>, %while3A_2475: vector<16xf32>, %while3A_2476: vector<16xi32>, %while3A_2477: vector<16xf32>, %while3A_2478: vector<16xi32>, %while3A_2479: vector<16xf32>, %while3A_2480: vector<16xi32>, %while3A_2481: vector<16xf32>, %while3A_2482: vector<16xi32>, %while3A_2483: vector<16xf32>, %while3A_2484: vector<16xi32>, %while3A_2485: vector<16xf32>, %while3A_2486: vector<16xi32>):
      %gt3A_2487 = arith.cmpf ogt, %while3A_2473, %while3A_2471 : vector<16xf32>
      %eq3A_2488 = arith.cmpf oeq, %while3A_2473, %while3A_2471 : vector<16xf32>
      %lt3A_2489 = arith.cmpi slt, %while3A_2474, %while3A_2472 : vector<16xi32>
      %and3A_2490 = arith.andi %eq3A_2488, %lt3A_2489 : vector<16xi1>
      %or3A_2491 = arith.ori %gt3A_2487, %and3A_2490 : vector<16xi1>
      %select_n3A_2492 = arith.select %or3A_2491, %while3A_2473, %while3A_2471 : vector<16xi1>, vector<16xf32>
      %select_n3A_2493 = arith.select %or3A_2491, %while3A_2474, %while3A_2472 : vector<16xi1>, vector<16xi32>
      %gt3A_2494 = arith.cmpf ogt, %while3A_2475, %select_n3A_2492 : vector<16xf32>
      %eq3A_2495 = arith.cmpf oeq, %while3A_2475, %select_n3A_2492 : vector<16xf32>
      %lt3A_2496 = arith.cmpi slt, %while3A_2476, %select_n3A_2493 : vector<16xi32>
      %and3A_2497 = arith.andi %eq3A_2495, %lt3A_2496 : vector<16xi1>
      %or3A_2498 = arith.ori %gt3A_2494, %and3A_2497 : vector<16xi1>
      %select_n3A_2499 = arith.select %or3A_2498, %while3A_2475, %select_n3A_2492 : vector<16xi1>, vector<16xf32>
      %select_n3A_2500 = arith.select %or3A_2498, %while3A_2476, %select_n3A_2493 : vector<16xi1>, vector<16xi32>
      %gt3A_2501 = arith.cmpf ogt, %while3A_2477, %select_n3A_2499 : vector<16xf32>
      %eq3A_2502 = arith.cmpf oeq, %while3A_2477, %select_n3A_2499 : vector<16xf32>
      %lt3A_2503 = arith.cmpi slt, %while3A_2478, %select_n3A_2500 : vector<16xi32>
      %and3A_2504 = arith.andi %eq3A_2502, %lt3A_2503 : vector<16xi1>
      %or3A_2505 = arith.ori %gt3A_2501, %and3A_2504 : vector<16xi1>
      %select_n3A_2506 = arith.select %or3A_2505, %while3A_2477, %select_n3A_2499 : vector<16xi1>, vector<16xf32>
      %select_n3A_2507 = arith.select %or3A_2505, %while3A_2478, %select_n3A_2500 : vector<16xi1>, vector<16xi32>
      %gt3A_2508 = arith.cmpf ogt, %while3A_2479, %select_n3A_2506 : vector<16xf32>
      %eq3A_2509 = arith.cmpf oeq, %while3A_2479, %select_n3A_2506 : vector<16xf32>
      %lt3A_2510 = arith.cmpi slt, %while3A_2480, %select_n3A_2507 : vector<16xi32>
      %and3A_2511 = arith.andi %eq3A_2509, %lt3A_2510 : vector<16xi1>
      %or3A_2512 = arith.ori %gt3A_2508, %and3A_2511 : vector<16xi1>
      %select_n3A_2513 = arith.select %or3A_2512, %while3A_2479, %select_n3A_2506 : vector<16xi1>, vector<16xf32>
      %select_n3A_2514 = arith.select %or3A_2512, %while3A_2480, %select_n3A_2507 : vector<16xi1>, vector<16xi32>
      %gt3A_2515 = arith.cmpf ogt, %while3A_2481, %select_n3A_2513 : vector<16xf32>
      %eq3A_2516 = arith.cmpf oeq, %while3A_2481, %select_n3A_2513 : vector<16xf32>
      %lt3A_2517 = arith.cmpi slt, %while3A_2482, %select_n3A_2514 : vector<16xi32>
      %and3A_2518 = arith.andi %eq3A_2516, %lt3A_2517 : vector<16xi1>
      %or3A_2519 = arith.ori %gt3A_2515, %and3A_2518 : vector<16xi1>
      %select_n3A_2520 = arith.select %or3A_2519, %while3A_2481, %select_n3A_2513 : vector<16xi1>, vector<16xf32>
      %select_n3A_2521 = arith.select %or3A_2519, %while3A_2482, %select_n3A_2514 : vector<16xi1>, vector<16xi32>
      %gt3A_2522 = arith.cmpf ogt, %while3A_2483, %select_n3A_2520 : vector<16xf32>
      %eq3A_2523 = arith.cmpf oeq, %while3A_2483, %select_n3A_2520 : vector<16xf32>
      %lt3A_2524 = arith.cmpi slt, %while3A_2484, %select_n3A_2521 : vector<16xi32>
      %and3A_2525 = arith.andi %eq3A_2523, %lt3A_2524 : vector<16xi1>
      %or3A_2526 = arith.ori %gt3A_2522, %and3A_2525 : vector<16xi1>
      %select_n3A_2527 = arith.select %or3A_2526, %while3A_2483, %select_n3A_2520 : vector<16xi1>, vector<16xf32>
      %select_n3A_2528 = arith.select %or3A_2526, %while3A_2484, %select_n3A_2521 : vector<16xi1>, vector<16xi32>
      %gt3A_2529 = arith.cmpf ogt, %while3A_2485, %select_n3A_2527 : vector<16xf32>
      %eq3A_2530 = arith.cmpf oeq, %while3A_2485, %select_n3A_2527 : vector<16xf32>
      %lt3A_2531 = arith.cmpi slt, %while3A_2486, %select_n3A_2528 : vector<16xi32>
      %and3A_2532 = arith.andi %eq3A_2530, %lt3A_2531 : vector<16xi1>
      %or3A_2533 = arith.ori %gt3A_2529, %and3A_2532 : vector<16xi1>
      %select_n3A_2534 = arith.select %or3A_2533, %while3A_2485, %select_n3A_2527 : vector<16xi1>, vector<16xf32>
      %select_n3A_2535 = arith.select %or3A_2533, %while3A_2486, %select_n3A_2528 : vector<16xi1>, vector<16xi32>
      %reduce_max3A = arith.constant true
      %reduce_max3A_2536 = vector.broadcast %reduce_max3A : i1 to vector<16xi1>
      %reduce_max3A_2537 = tpu.scan <max>, %select_n3A_2534 masked %reduce_max3A_2536 : vector<16xf32>, vector<16xi1> -> vector<16xf32>
      %reduce_max3A_2538 = vector.extract %reduce_max3A_2537[15] : f32 from vector<16xf32>
      %eq3A_2539 = vector.broadcast %reduce_max3A_2538 : f32 to vector<16xf32>
      %eq3A_2540 = arith.cmpf oeq, %select_n3A_2534, %eq3A_2539 : vector<16xf32>
      %jit3A = arith.constant 2147483647 : i32
      %broadcast_in_dim3A_2541 = vector.broadcast %jit3A : i32 to vector<16xi32>
      %select_n3A_2542 = arith.select %eq3A_2540, %select_n3A_2535, %broadcast_in_dim3A_2541 : vector<16xi1>, vector<16xi32>
      %reduce_min3A_2543 = arith.constant true
      %reduce_min3A_2544 = vector.broadcast %reduce_min3A_2543 : i1 to vector<16xi1>
      %reduce_min3A_2545 = arith.constant -2147483648 : i32
      %reduce_min3A_2546 = vector.broadcast %reduce_min3A_2545 : i32 to vector<16xi32>
      %reduce_min3A_2547 = arith.xori %select_n3A_2542, %reduce_min3A_2546 : vector<16xi32>
      %reduce_min3A_2548 = tpu.scan <min>, %reduce_min3A_2547 masked %reduce_min3A_2544 : vector<16xi32>, vector<16xi1> -> vector<16xi32>
      %reduce_min3A_2549 = arith.xori %reduce_min3A_2548, %reduce_min3A_2546 : vector<16xi32>
      %reduce_min3A_2550 = vector.extract %reduce_min3A_2549[15] : i32 from vector<16xi32>
      %sub3A = arith.subi %reduce_min3A_2550, %mul3A_2 : i32
      %broadcast_in_dim3A_2551 = vector.broadcast %sub3A : i32 to vector<16xi32>
      %broadcast_in_dim3A_2552 = arith.constant 0xFF800000 : f32
      %broadcast_in_dim3A_2553 = vector.broadcast %broadcast_in_dim3A_2552 : f32 to vector<16xf32>
      tpu.vector_store_idx %arg4[%broadcast_in_dim3A_2551], %broadcast_in_dim3A_2553 masked %eq3A_1 : memref<2048xf32, #tpu.memory_space<vmem>>[vector<16xi32>], vector<16xf32>, vector<16xi1>
      %shift_right_logical3A = arith.constant 8 : i32
      %shift_right_logical3A_2554 = arith.shrui %sub3A, %shift_right_logical3A : i32
      %mul3A_2555 = arith.constant 256 : i32
      %mul3A_2556 = arith.muli %shift_right_logical3A_2554, %mul3A_2555 : i32
      %scan3A_2557 = arith.constant 0 : i32
      %mul3A_2558 = arith.constant 4 : i32
      %mul3A_2559 = arith.muli %scan3A_2557, %mul3A_2558 : i32
      %add3A_2560 = arith.constant 0 : i32
      %add3A_2561 = arith.addi %mul3A_2559, %add3A_2560 : i32
      %mul3A_2562 = arith.constant 16 : i32
      %mul3A_2563 = arith.muli %add3A_2561, %mul3A_2562 : i32
      %add3A_2564 = arith.addi %mul3A_2556, %mul3A_2563 : i32
      %get3A_2565 = arith.index_cast %add3A_2564 : i32 to index
      %get3A_2566 = tpu.vector_load %arg4[%get3A_2565] {strides = array<i32>} : memref<2048xf32, #tpu.memory_space<vmem>>, vector<16xf32>,
      %gt3A_2567 = arith.cmpf ogt, %get3A_2566, %broadcast_in_dim3A_19 : vector<16xf32>
      %select_n3A_2568 = arith.select %gt3A_2567, %get3A_2566, %broadcast_in_dim3A_19 : vector<16xi1>, vector<16xf32>
      %broadcast_in_dim3A_2569 = vector.broadcast %add3A_2561 : i32 to vector<16xi32>
      %select_n3A_2570 = arith.select %gt3A_2567, %broadcast_in_dim3A_2569, %broadcast_in_dim3A_21 : vector<16xi1>, vector<16xi32>
      %mul3A_2571 = arith.constant 4 : i32
      %mul3A_2572 = arith.muli %scan3A_2557, %mul3A_2571 : i32
      %add3A_2573 = arith.constant 1 : i32
      %add3A_2574 = arith.addi %mul3A_2572, %add3A_2573 : i32
      %mul3A_2575 = arith.constant 16 : i32
      %mul3A_2576 = arith.muli %add3A_2574, %mul3A_2575 : i32
      %add3A_2577 = arith.addi %mul3A_2556, %mul3A_2576 : i32
      %get3A_2578 = arith.index_cast %add3A_2577 : i32 to index
      %get3A_2579 = tpu.vector_load %arg4[%get3A_2578] {strides = array<i32>} : memref<2048xf32, #tpu.memory_space<vmem>>, vector<16xf32>,
      %gt3A_2580 = arith.cmpf ogt, %get3A_2579, %broadcast_in_dim3A_19 : vector<16xf32>
      %select_n3A_2581 = arith.select %gt3A_2580, %get3A_2579, %broadcast_in_dim3A_19 : vector<16xi1>, vector<16xf32>
      %broadcast_in_dim3A_2582 = vector.broadcast %add3A_2574 : i32 to vector<16xi32>
      %select_n3A_2583 = arith.select %gt3A_2580, %broadcast_in_dim3A_2582, %broadcast_in_dim3A_21 : vector<16xi1>, vector<16xi32>
      %mul3A_2584 = arith.constant 4 : i32
      %mul3A_2585 = arith.muli %scan3A_2557, %mul3A_2584 : i32
      %add3A_2586 = arith.constant 2 : i32
      %add3A_2587 = arith.addi %mul3A_2585, %add3A_2586 : i32
      %mul3A_2588 = arith.constant 16 : i32
      %mul3A_2589 = arith.muli %add3A_2587, %mul3A_2588 : i32
      %add3A_2590 = arith.addi %mul3A_2556, %mul3A_2589 : i32
      %get3A_2591 = arith.index_cast %add3A_2590 : i32 to index
      %get3A_2592 = tpu.vector_load %arg4[%get3A_2591] {strides = array<i32>} : memref<2048xf32, #tpu.memory_space<vmem>>, vector<16xf32>,
      %gt3A_2593 = arith.cmpf ogt, %get3A_2592, %broadcast_in_dim3A_19 : vector<16xf32>
      %select_n3A_2594 = arith.select %gt3A_2593, %get3A_2592, %broadcast_in_dim3A_19 : vector<16xi1>, vector<16xf32>
      %broadcast_in_dim3A_2595 = vector.broadcast %add3A_2587 : i32 to vector<16xi32>
      %select_n3A_2596 = arith.select %gt3A_2593, %broadcast_in_dim3A_2595, %broadcast_in_dim3A_21 : vector<16xi1>, vector<16xi32>
      %mul3A_2597 = arith.constant 4 : i32
      %mul3A_2598 = arith.muli %scan3A_2557, %mul3A_2597 : i32
      %add3A_2599 = arith.constant 3 : i32
      %add3A_2600 = arith.addi %mul3A_2598, %add3A_2599 : i32
      %mul3A_2601 = arith.constant 16 : i32
      %mul3A_2602 = arith.muli %add3A_2600, %mul3A_2601 : i32
      %add3A_2603 = arith.addi %mul3A_2556, %mul3A_2602 : i32
      %get3A_2604 = arith.index_cast %add3A_2603 : i32 to index
      %get3A_2605 = tpu.vector_load %arg4[%get3A_2604] {strides = array<i32>} : memref<2048xf32, #tpu.memory_space<vmem>>, vector<16xf32>,
      %gt3A_2606 = arith.cmpf ogt, %get3A_2605, %broadcast_in_dim3A_19 : vector<16xf32>
      %select_n3A_2607 = arith.select %gt3A_2606, %get3A_2605, %broadcast_in_dim3A_19 : vector<16xi1>, vector<16xf32>
      %broadcast_in_dim3A_2608 = vector.broadcast %add3A_2600 : i32 to vector<16xi32>
      %select_n3A_2609 = arith.select %gt3A_2606, %broadcast_in_dim3A_2608, %broadcast_in_dim3A_21 : vector<16xi1>, vector<16xi32>
      %scan3A_2610 = arith.constant 1 : i32
      %mul3A_2611 = arith.constant 4 : i32
      %mul3A_2612 = arith.muli %scan3A_2610, %mul3A_2611 : i32
      %add3A_2613 = arith.constant 0 : i32
      %add3A_2614 = arith.addi %mul3A_2612, %add3A_2613 : i32
      %mul3A_2615 = arith.constant 16 : i32
      %mul3A_2616 = arith.muli %add3A_2614, %mul3A_2615 : i32
      %add3A_2617 = arith.addi %mul3A_2556, %mul3A_2616 : i32
      %get3A_2618 = arith.index_cast %add3A_2617 : i32 to index
      %get3A_2619 = tpu.vector_load %arg4[%get3A_2618] {strides = array<i32>} : memref<2048xf32, #tpu.memory_space<vmem>>, vector<16xf32>,
      %gt3A_2620 = arith.cmpf ogt, %get3A_2619, %select_n3A_2568 : vector<16xf32>
      %select_n3A_2621 = arith.select %gt3A_2620, %get3A_2619, %select_n3A_2568 : vector<16xi1>, vector<16xf32>
      %broadcast_in_dim3A_2622 = vector.broadcast %add3A_2614 : i32 to vector<16xi32>
      %select_n3A_2623 = arith.select %gt3A_2620, %broadcast_in_dim3A_2622, %select_n3A_2570 : vector<16xi1>, vector<16xi32>
      %mul3A_2624 = arith.constant 4 : i32
      %mul3A_2625 = arith.muli %scan3A_2610, %mul3A_2624 : i32
      %add3A_2626 = arith.constant 1 : i32
      %add3A_2627 = arith.addi %mul3A_2625, %add3A_2626 : i32
      %mul3A_2628 = arith.constant 16 : i32
      %mul3A_2629 = arith.muli %add3A_2627, %mul3A_2628 : i32
      %add3A_2630 = arith.addi %mul3A_2556, %mul3A_2629 : i32
      %get3A_2631 = arith.index_cast %add3A_2630 : i32 to index
      %get3A_2632 = tpu.vector_load %arg4[%get3A_2631] {strides = array<i32>} : memref<2048xf32, #tpu.memory_space<vmem>>, vector<16xf32>,
      %gt3A_2633 = arith.cmpf ogt, %get3A_2632, %select_n3A_2581 : vector<16xf32>
      %select_n3A_2634 = arith.select %gt3A_2633, %get3A_2632, %select_n3A_2581 : vector<16xi1>, vector<16xf32>
      %broadcast_in_dim3A_2635 = vector.broadcast %add3A_2627 : i32 to vector<16xi32>
      %select_n3A_2636 = arith.select %gt3A_2633, %broadcast_in_dim3A_2635, %select_n3A_2583 : vector<16xi1>, vector<16xi32>
      %mul3A_2637 = arith.constant 4 : i32
      %mul3A_2638 = arith.muli %scan3A_2610, %mul3A_2637 : i32
      %add3A_2639 = arith.constant 2 : i32
      %add3A_2640 = arith.addi %mul3A_2638, %add3A_2639 : i32
      %mul3A_2641 = arith.constant 16 : i32
      %mul3A_2642 = arith.muli %add3A_2640, %mul3A_2641 : i32
      %add3A_2643 = arith.addi %mul3A_2556, %mul3A_2642 : i32
      %get3A_2644 = arith.index_cast %add3A_2643 : i32 to index
      %get3A_2645 = tpu.vector_load %arg4[%get3A_2644] {strides = array<i32>} : memref<2048xf32, #tpu.memory_space<vmem>>, vector<16xf32>,
      %gt3A_2646 = arith.cmpf ogt, %get3A_2645, %select_n3A_2594 : vector<16xf32>
      %select_n3A_2647 = arith.select %gt3A_2646, %get3A_2645, %select_n3A_2594 : vector<16xi1>, vector<16xf32>
      %broadcast_in_dim3A_2648 = vector.broadcast %add3A_2640 : i32 to vector<16xi32>
      %select_n3A_2649 = arith.select %gt3A_2646, %broadcast_in_dim3A_2648, %select_n3A_2596 : vector<16xi1>, vector<16xi32>
      %mul3A_2650 = arith.constant 4 : i32
      %mul3A_2651 = arith.muli %scan3A_2610, %mul3A_2650 : i32
      %add3A_2652 = arith.constant 3 : i32
      %add3A_2653 = arith.addi %mul3A_2651, %add3A_2652 : i32
      %mul3A_2654 = arith.constant 16 : i32
      %mul3A_2655 = arith.muli %add3A_2653, %mul3A_2654 : i32
      %add3A_2656 = arith.addi %mul3A_2556, %mul3A_2655 : i32
      %get3A_2657 = arith.index_cast %add3A_2656 : i32 to index
      %get3A_2658 = tpu.vector_load %arg4[%get3A_2657] {strides = array<i32>} : memref<2048xf32, #tpu.memory_space<vmem>>, vector<16xf32>,
      %gt3A_2659 = arith.cmpf ogt, %get3A_2658, %select_n3A_2607 : vector<16xf32>
      %select_n3A_2660 = arith.select %gt3A_2659, %get3A_2658, %select_n3A_2607 : vector<16xi1>, vector<16xf32>
      %broadcast_in_dim3A_2661 = vector.broadcast %add3A_2653 : i32 to vector<16xi32>
      %select_n3A_2662 = arith.select %gt3A_2659, %broadcast_in_dim3A_2661, %select_n3A_2609 : vector<16xi1>, vector<16xi32>
      %scan3A_2663 = arith.constant 2 : i32
      %mul3A_2664 = arith.constant 4 : i32
      %mul3A_2665 = arith.muli %scan3A_2663, %mul3A_2664 : i32
      %add3A_2666 = arith.constant 0 : i32
      %add3A_2667 = arith.addi %mul3A_2665, %add3A_2666 : i32
      %mul3A_2668 = arith.constant 16 : i32
      %mul3A_2669 = arith.muli %add3A_2667, %mul3A_2668 : i32
      %add3A_2670 = arith.addi %mul3A_2556, %mul3A_2669 : i32
      %get3A_2671 = arith.index_cast %add3A_2670 : i32 to index
      %get3A_2672 = tpu.vector_load %arg4[%get3A_2671] {strides = array<i32>} : memref<2048xf32, #tpu.memory_space<vmem>>, vector<16xf32>,
      %gt3A_2673 = arith.cmpf ogt, %get3A_2672, %select_n3A_2621 : vector<16xf32>
      %select_n3A_2674 = arith.select %gt3A_2673, %get3A_2672, %select_n3A_2621 : vector<16xi1>, vector<16xf32>
      %broadcast_in_dim3A_2675 = vector.broadcast %add3A_2667 : i32 to vector<16xi32>
      %select_n3A_2676 = arith.select %gt3A_2673, %broadcast_in_dim3A_2675, %select_n3A_2623 : vector<16xi1>, vector<16xi32>
      %mul3A_2677 = arith.constant 4 : i32
      %mul3A_2678 = arith.muli %scan3A_2663, %mul3A_2677 : i32
      %add3A_2679 = arith.constant 1 : i32
      %add3A_2680 = arith.addi %mul3A_2678, %add3A_2679 : i32
      %mul3A_2681 = arith.constant 16 : i32
      %mul3A_2682 = arith.muli %add3A_2680, %mul3A_2681 : i32
      %add3A_2683 = arith.addi %mul3A_2556, %mul3A_2682 : i32
      %get3A_2684 = arith.index_cast %add3A_2683 : i32 to index
      %get3A_2685 = tpu.vector_load %arg4[%get3A_2684] {strides = array<i32>} : memref<2048xf32, #tpu.memory_space<vmem>>, vector<16xf32>,
      %gt3A_2686 = arith.cmpf ogt, %get3A_2685, %select_n3A_2634 : vector<16xf32>
      %select_n3A_2687 = arith.select %gt3A_2686, %get3A_2685, %select_n3A_2634 : vector<16xi1>, vector<16xf32>
      %broadcast_in_dim3A_2688 = vector.broadcast %add3A_2680 : i32 to vector<16xi32>
      %select_n3A_2689 = arith.select %gt3A_2686, %broadcast_in_dim3A_2688, %select_n3A_2636 : vector<16xi1>, vector<16xi32>
      %mul3A_2690 = arith.constant 4 : i32
      %mul3A_2691 = arith.muli %scan3A_2663, %mul3A_2690 : i32
      %add3A_2692 = arith.constant 2 : i32
      %add3A_2693 = arith.addi %mul3A_2691, %add3A_2692 : i32
      %mul3A_2694 = arith.constant 16 : i32
      %mul3A_2695 = arith.muli %add3A_2693, %mul3A_2694 : i32
      %add3A_2696 = arith.addi %mul3A_2556, %mul3A_2695 : i32
      %get3A_2697 = arith.index_cast %add3A_2696 : i32 to index
      %get3A_2698 = tpu.vector_load %arg4[%get3A_2697] {strides = array<i32>} : memref<2048xf32, #tpu.memory_space<vmem>>, vector<16xf32>,
      %gt3A_2699 = arith.cmpf ogt, %get3A_2698, %select_n3A_2647 : vector<16xf32>
      %select_n3A_2700 = arith.select %gt3A_2699, %get3A_2698, %select_n3A_2647 : vector<16xi1>, vector<16xf32>
      %broadcast_in_dim3A_2701 = vector.broadcast %add3A_2693 : i32 to vector<16xi32>
      %select_n3A_2702 = arith.select %gt3A_2699, %broadcast_in_dim3A_2701, %select_n3A_2649 : vector<16xi1>, vector<16xi32>
      %mul3A_2703 = arith.constant 4 : i32
      %mul3A_2704 = arith.muli %scan3A_2663, %mul3A_2703 : i32
      %add3A_2705 = arith.constant 3 : i32
      %add3A_2706 = arith.addi %mul3A_2704, %add3A_2705 : i32
      %mul3A_2707 = arith.constant 16 : i32
      %mul3A_2708 = arith.muli %add3A_2706, %mul3A_2707 : i32
      %add3A_2709 = arith.addi %mul3A_2556, %mul3A_2708 : i32
      %get3A_2710 = arith.index_cast %add3A_2709 : i32 to index
      %get3A_2711 = tpu.vector_load %arg4[%get3A_2710] {strides = array<i32>} : memref<2048xf32, #tpu.memory_space<vmem>>, vector<16xf32>,
      %gt3A_2712 = arith.cmpf ogt, %get3A_2711, %select_n3A_2660 : vector<16xf32>
      %select_n3A_2713 = arith.select %gt3A_2712, %get3A_2711, %select_n3A_2660 : vector<16xi1>, vector<16xf32>
      %broadcast_in_dim3A_2714 = vector.broadcast %add3A_2706 : i32 to vector<16xi32>
      %select_n3A_2715 = arith.select %gt3A_2712, %broadcast_in_dim3A_2714, %select_n3A_2662 : vector<16xi1>, vector<16xi32>
      %scan3A_2716 = arith.constant 3 : i32
      %mul3A_2717 = arith.constant 4 : i32
      %mul3A_2718 = arith.muli %scan3A_2716, %mul3A_2717 : i32
      %add3A_2719 = arith.constant 0 : i32
      %add3A_2720 = arith.addi %mul3A_2718, %add3A_2719 : i32
      %mul3A_2721 = arith.constant 16 : i32
      %mul3A_2722 = arith.muli %add3A_2720, %mul3A_2721 : i32
      %add3A_2723 = arith.addi %mul3A_2556, %mul3A_2722 : i32
      %get3A_2724 = arith.index_cast %add3A_2723 : i32 to index
      %get3A_2725 = tpu.vector_load %arg4[%get3A_2724] {strides = array<i32>} : memref<2048xf32, #tpu.memory_space<vmem>>, vector<16xf32>,
      %gt3A_2726 = arith.cmpf ogt, %get3A_2725, %select_n3A_2674 : vector<16xf32>
      %select_n3A_2727 = arith.select %gt3A_2726, %get3A_2725, %select_n3A_2674 : vector<16xi1>, vector<16xf32>
      %broadcast_in_dim3A_2728 = vector.broadcast %add3A_2720 : i32 to vector<16xi32>
      %select_n3A_2729 = arith.select %gt3A_2726, %broadcast_in_dim3A_2728, %select_n3A_2676 : vector<16xi1>, vector<16xi32>
      %mul3A_2730 = arith.constant 4 : i32
      %mul3A_2731 = arith.muli %scan3A_2716, %mul3A_2730 : i32
      %add3A_2732 = arith.constant 1 : i32
      %add3A_2733 = arith.addi %mul3A_2731, %add3A_2732 : i32
      %mul3A_2734 = arith.constant 16 : i32
      %mul3A_2735 = arith.muli %add3A_2733, %mul3A_2734 : i32
      %add3A_2736 = arith.addi %mul3A_2556, %mul3A_2735 : i32
      %get3A_2737 = arith.index_cast %add3A_2736 : i32 to index
      %get3A_2738 = tpu.vector_load %arg4[%get3A_2737] {strides = array<i32>} : memref<2048xf32, #tpu.memory_space<vmem>>, vector<16xf32>,
      %gt3A_2739 = arith.cmpf ogt, %get3A_2738, %select_n3A_2687 : vector<16xf32>
      %select_n3A_2740 = arith.select %gt3A_2739, %get3A_2738, %select_n3A_2687 : vector<16xi1>, vector<16xf32>
      %broadcast_in_dim3A_2741 = vector.broadcast %add3A_2733 : i32 to vector<16xi32>
      %select_n3A_2742 = arith.select %gt3A_2739, %broadcast_in_dim3A_2741, %select_n3A_2689 : vector<16xi1>, vector<16xi32>
      %mul3A_2743 = arith.constant 4 : i32
      %mul3A_2744 = arith.muli %scan3A_2716, %mul3A_2743 : i32
      %add3A_2745 = arith.constant 2 : i32
      %add3A_2746 = arith.addi %mul3A_2744, %add3A_2745 : i32
      %mul3A_2747 = arith.constant 16 : i32
      %mul3A_2748 = arith.muli %add3A_2746, %mul3A_2747 : i32
      %add3A_2749 = arith.addi %mul3A_2556, %mul3A_2748 : i32
      %get3A_2750 = arith.index_cast %add3A_2749 : i32 to index
      %get3A_2751 = tpu.vector_load %arg4[%get3A_2750] {strides = array<i32>} : memref<2048xf32, #tpu.memory_space<vmem>>, vector<16xf32>,
      %gt3A_2752 = arith.cmpf ogt, %get3A_2751, %select_n3A_2700 : vector<16xf32>
      %select_n3A_2753 = arith.select %gt3A_2752, %get3A_2751, %select_n3A_2700 : vector<16xi1>, vector<16xf32>
      %broadcast_in_dim3A_2754 = vector.broadcast %add3A_2746 : i32 to vector<16xi32>
      %select_n3A_2755 = arith.select %gt3A_2752, %broadcast_in_dim3A_2754, %select_n3A_2702 : vector<16xi1>, vector<16xi32>
      %mul3A_2756 = arith.constant 4 : i32
      %mul3A_2757 = arith.muli %scan3A_2716, %mul3A_2756 : i32
      %add3A_2758 = arith.constant 3 : i32
      %add3A_2759 = arith.addi %mul3A_2757, %add3A_2758 : i32
      %mul3A_2760 = arith.constant 16 : i32
      %mul3A_2761 = arith.muli %add3A_2759, %mul3A_2760 : i32
      %add3A_2762 = arith.addi %mul3A_2556, %mul3A_2761 : i32
      %get3A_2763 = arith.index_cast %add3A_2762 : i32 to index
      %get3A_2764 = tpu.vector_load %arg4[%get3A_2763] {strides = array<i32>} : memref<2048xf32, #tpu.memory_space<vmem>>, vector<16xf32>,
      %gt3A_2765 = arith.cmpf ogt, %get3A_2764, %select_n3A_2713 : vector<16xf32>
      %select_n3A_2766 = arith.select %gt3A_2765, %get3A_2764, %select_n3A_2713 : vector<16xi1>, vector<16xf32>
      %broadcast_in_dim3A_2767 = vector.broadcast %add3A_2759 : i32 to vector<16xi32>
      %select_n3A_2768 = arith.select %gt3A_2765, %broadcast_in_dim3A_2767, %select_n3A_2715 : vector<16xi1>, vector<16xi32>
      %scan3A_2769 = arith.constant 4 : i32
      %mul3A_2770 = arith.constant 16 : i32
      %mul3A_2771 = vector.broadcast %mul3A_2770 : i32 to vector<16xi32>
      %mul3A_2772 = arith.muli %select_n3A_2729, %mul3A_2771 : vector<16xi32>
      %add3A_2773 = arith.addi %mul3A_2772, %iota3A : vector<16xi32>
      %add3A_2774 = vector.broadcast %mul3A_2556 : i32 to vector<16xi32>
      %add3A_2775 = arith.addi %add3A_2773, %add3A_2774 : vector<16xi32>
      %add3A_2776 = vector.broadcast %mul3A_2 : i32 to vector<16xi32>
      %add3A_2777 = arith.addi %add3A_2775, %add3A_2776 : vector<16xi32>
      %mul3A_2778 = arith.constant 16 : i32
      %mul3A_2779 = vector.broadcast %mul3A_2778 : i32 to vector<16xi32>
      %mul3A_2780 = arith.muli %select_n3A_2742, %mul3A_2779 : vector<16xi32>
      %add3A_2781 = arith.addi %mul3A_2780, %iota3A : vector<16xi32>
      %add3A_2782 = vector.broadcast %mul3A_2556 : i32 to vector<16xi32>
      %add3A_2783 = arith.addi %add3A_2781, %add3A_2782 : vector<16xi32>
      %add3A_2784 = vector.broadcast %mul3A_2 : i32 to vector<16xi32>
      %add3A_2785 = arith.addi %add3A_2783, %add3A_2784 : vector<16xi32>
      %mul3A_2786 = arith.constant 16 : i32
      %mul3A_2787 = vector.broadcast %mul3A_2786 : i32 to vector<16xi32>
      %mul3A_2788 = arith.muli %select_n3A_2755, %mul3A_2787 : vector<16xi32>
      %add3A_2789 = arith.addi %mul3A_2788, %iota3A : vector<16xi32>
      %add3A_2790 = vector.broadcast %mul3A_2556 : i32 to vector<16xi32>
      %add3A_2791 = arith.addi %add3A_2789, %add3A_2790 : vector<16xi32>
      %add3A_2792 = vector.broadcast %mul3A_2 : i32 to vector<16xi32>
      %add3A_2793 = arith.addi %add3A_2791, %add3A_2792 : vector<16xi32>
      %mul3A_2794 = arith.constant 16 : i32
      %mul3A_2795 = vector.broadcast %mul3A_2794 : i32 to vector<16xi32>
      %mul3A_2796 = arith.muli %select_n3A_2768, %mul3A_2795 : vector<16xi32>
      %add3A_2797 = arith.addi %mul3A_2796, %iota3A : vector<16xi32>
      %add3A_2798 = vector.broadcast %mul3A_2556 : i32 to vector<16xi32>
      %add3A_2799 = arith.addi %add3A_2797, %add3A_2798 : vector<16xi32>
      %add3A_2800 = vector.broadcast %mul3A_2 : i32 to vector<16xi32>
      %add3A_2801 = arith.addi %add3A_2799, %add3A_2800 : vector<16xi32>
      %gt3A_2802 = arith.cmpf ogt, %select_n3A_2740, %select_n3A_2727 : vector<16xf32>
      %eq3A_2803 = arith.cmpf oeq, %select_n3A_2740, %select_n3A_2727 : vector<16xf32>
      %lt3A_2804 = arith.cmpi slt, %add3A_2785, %add3A_2777 : vector<16xi32>
      %and3A_2805 = arith.andi %eq3A_2803, %lt3A_2804 : vector<16xi1>
      %or3A_2806 = arith.ori %gt3A_2802, %and3A_2805 : vector<16xi1>
      %select_n3A_2807 = arith.select %or3A_2806, %select_n3A_2740, %select_n3A_2727 : vector<16xi1>, vector<16xf32>
      %select_n3A_2808 = arith.select %or3A_2806, %add3A_2785, %add3A_2777 : vector<16xi1>, vector<16xi32>
      %gt3A_2809 = arith.cmpf ogt, %select_n3A_2753, %select_n3A_2807 : vector<16xf32>
      %eq3A_2810 = arith.cmpf oeq, %select_n3A_2753, %select_n3A_2807 : vector<16xf32>
      %lt3A_2811 = arith.cmpi slt, %add3A_2793, %select_n3A_2808 : vector<16xi32>
      %and3A_2812 = arith.andi %eq3A_2810, %lt3A_2811 : vector<16xi1>
      %or3A_2813 = arith.ori %gt3A_2809, %and3A_2812 : vector<16xi1>
      %select_n3A_2814 = arith.select %or3A_2813, %select_n3A_2753, %select_n3A_2807 : vector<16xi1>, vector<16xf32>
      %select_n3A_2815 = arith.select %or3A_2813, %add3A_2793, %select_n3A_2808 : vector<16xi1>, vector<16xi32>
      %gt3A_2816 = arith.cmpf ogt, %select_n3A_2766, %select_n3A_2814 : vector<16xf32>
      %eq3A_2817 = arith.cmpf oeq, %select_n3A_2766, %select_n3A_2814 : vector<16xf32>
      %lt3A_2818 = arith.cmpi slt, %add3A_2801, %select_n3A_2815 : vector<16xi32>
      %and3A_2819 = arith.andi %eq3A_2817, %lt3A_2818 : vector<16xi1>
      %or3A_2820 = arith.ori %gt3A_2816, %and3A_2819 : vector<16xi1>
      %select_n3A_2821 = arith.select %or3A_2820, %select_n3A_2766, %select_n3A_2814 : vector<16xi1>, vector<16xf32>
      %select_n3A_2822 = arith.select %or3A_2820, %add3A_2801, %select_n3A_2815 : vector<16xi1>, vector<16xi32>
      %eq3A_2823 = arith.constant 0 : i32
      %eq3A_2824 = arith.cmpi eq, %shift_right_logical3A_2554, %eq3A_2823 : i32
      %select_n3A_2825 = arith.select %eq3A_2824, %select_n3A_2821, %while3A_2471 : vector<16xf32>
      %eq3A_2826 = arith.constant 0 : i32
      %eq3A_2827 = arith.cmpi eq, %shift_right_logical3A_2554, %eq3A_2826 : i32
      %select_n3A_2828 = arith.select %eq3A_2827, %select_n3A_2822, %while3A_2472 : vector<16xi32>
      %eq3A_2829 = arith.constant 1 : i32
      %eq3A_2830 = arith.cmpi eq, %shift_right_logical3A_2554, %eq3A_2829 : i32
      %select_n3A_2831 = arith.select %eq3A_2830, %select_n3A_2821, %while3A_2473 : vector<16xf32>
      %eq3A_2832 = arith.constant 1 : i32
      %eq3A_2833 = arith.cmpi eq, %shift_right_logical3A_2554, %eq3A_2832 : i32
      %select_n3A_2834 = arith.select %eq3A_2833, %select_n3A_2822, %while3A_2474 : vector<16xi32>
      %eq3A_2835 = arith.constant 2 : i32
      %eq3A_2836 = arith.cmpi eq, %shift_right_logical3A_2554, %eq3A_2835 : i32
      %select_n3A_2837 = arith.select %eq3A_2836, %select_n3A_2821, %while3A_2475 : vector<16xf32>
      %eq3A_2838 = arith.constant 2 : i32
      %eq3A_2839 = arith.cmpi eq, %shift_right_logical3A_2554, %eq3A_2838 : i32
      %select_n3A_2840 = arith.select %eq3A_2839, %select_n3A_2822, %while3A_2476 : vector<16xi32>
      %eq3A_2841 = arith.constant 3 : i32
      %eq3A_2842 = arith.cmpi eq, %shift_right_logical3A_2554, %eq3A_2841 : i32
      %select_n3A_2843 = arith.select %eq3A_2842, %select_n3A_2821, %while3A_2477 : vector<16xf32>
      %eq3A_2844 = arith.constant 3 : i32
      %eq3A_2845 = arith.cmpi eq, %shift_right_logical3A_2554, %eq3A_2844 : i32
      %select_n3A_2846 = arith.select %eq3A_2845, %select_n3A_2822, %while3A_2478 : vector<16xi32>
      %eq3A_2847 = arith.constant 4 : i32
      %eq3A_2848 = arith.cmpi eq, %shift_right_logical3A_2554, %eq3A_2847 : i32
      %select_n3A_2849 = arith.select %eq3A_2848, %select_n3A_2821, %while3A_2479 : vector<16xf32>
      %eq3A_2850 = arith.constant 4 : i32
      %eq3A_2851 = arith.cmpi eq, %shift_right_logical3A_2554, %eq3A_2850 : i32
      %select_n3A_2852 = arith.select %eq3A_2851, %select_n3A_2822, %while3A_2480 : vector<16xi32>
      %eq3A_2853 = arith.constant 5 : i32
      %eq3A_2854 = arith.cmpi eq, %shift_right_logical3A_2554, %eq3A_2853 : i32
      %select_n3A_2855 = arith.select %eq3A_2854, %select_n3A_2821, %while3A_2481 : vector<16xf32>
      %eq3A_2856 = arith.constant 5 : i32
      %eq3A_2857 = arith.cmpi eq, %shift_right_logical3A_2554, %eq3A_2856 : i32
      %select_n3A_2858 = arith.select %eq3A_2857, %select_n3A_2822, %while3A_2482 : vector<16xi32>
      %eq3A_2859 = arith.constant 6 : i32
      %eq3A_2860 = arith.cmpi eq, %shift_right_logical3A_2554, %eq3A_2859 : i32
      %select_n3A_2861 = arith.select %eq3A_2860, %select_n3A_2821, %while3A_2483 : vector<16xf32>
      %eq3A_2862 = arith.constant 6 : i32
      %eq3A_2863 = arith.cmpi eq, %shift_right_logical3A_2554, %eq3A_2862 : i32
      %select_n3A_2864 = arith.select %eq3A_2863, %select_n3A_2822, %while3A_2484 : vector<16xi32>
      %eq3A_2865 = arith.constant 7 : i32
      %eq3A_2866 = arith.cmpi eq, %shift_right_logical3A_2554, %eq3A_2865 : i32
      %select_n3A_2867 = arith.select %eq3A_2866, %select_n3A_2821, %while3A_2485 : vector<16xf32>
      %eq3A_2868 = arith.constant 7 : i32
      %eq3A_2869 = arith.cmpi eq, %shift_right_logical3A_2554, %eq3A_2868 : i32
      %select_n3A_2870 = arith.select %eq3A_2869, %select_n3A_2822, %while3A_2486 : vector<16xi32>
      %add3A_2871 = arith.constant 1 : i32
      %add3A_2872 = arith.addi %while3A_2465, %add3A_2871 : i32
      %ge3A = arith.cmpf oge, %reduce_max3A_2538, %reduce_min3A_2442 : f32
      %eq3A_2873 = vector.broadcast %while3A_2465 : i32 to vector<16xi32>
      %eq3A_2874 = arith.cmpi eq, %iota3A, %eq3A_2873 : vector<16xi32>
      %broadcast_in_dim3A_2875 = vector.broadcast %reduce_max3A_2538 : f32 to vector<16xf32>
      %select_n3A_2876 = arith.select %eq3A_2874, %broadcast_in_dim3A_2875, %while3A_2467 : vector<16xi1>, vector<16xf32>
      %sub3A_2877 = arith.constant 16 : i32
      %sub3A_2878 = arith.subi %while3A_2465, %sub3A_2877 : i32
      %eq3A_2879 = vector.broadcast %sub3A_2878 : i32 to vector<16xi32>
      %eq3A_2880 = arith.cmpi eq, %iota3A, %eq3A_2879 : vector<16xi32>
      %broadcast_in_dim3A_2881 = vector.broadcast %reduce_max3A_2538 : f32 to vector<16xf32>
      %select_n3A_2882 = arith.select %eq3A_2880, %broadcast_in_dim3A_2881, %while3A_2468 : vector<16xi1>, vector<16xf32>
      %eq3A_2883 = vector.broadcast %while3A_2465 : i32 to vector<16xi32>
      %eq3A_2884 = arith.cmpi eq, %iota3A, %eq3A_2883 : vector<16xi32>
      %broadcast_in_dim3A_2885 = vector.broadcast %reduce_min3A_2550 : i32 to vector<16xi32>
      %select_n3A_2886 = arith.select %eq3A_2884, %broadcast_in_dim3A_2885, %while3A_2469 : vector<16xi1>, vector<16xi32>
      %sub3A_2887 = arith.constant 16 : i32
      %sub3A_2888 = arith.subi %while3A_2465, %sub3A_2887 : i32
      %eq3A_2889 = vector.broadcast %sub3A_2888 : i32 to vector<16xi32>
      %eq3A_2890 = arith.cmpi eq, %iota3A, %eq3A_2889 : vector<16xi32>
      %broadcast_in_dim3A_2891 = vector.broadcast %reduce_min3A_2550 : i32 to vector<16xi32>
      %select_n3A_2892 = arith.select %eq3A_2890, %broadcast_in_dim3A_2891, %while3A_2470 : vector<16xi1>, vector<16xi32>
      scf.yield %add3A_2872, %ge3A, %select_n3A_2876, %select_n3A_2882, %select_n3A_2886, %select_n3A_2892, %select_n3A_2825, %select_n3A_2828, %select_n3A_2831, %select_n3A_2834, %select_n3A_2837, %select_n3A_2840, %select_n3A_2843, %select_n3A_2846, %select_n3A_2849, %select_n3A_2852, %select_n3A_2855, %select_n3A_2858, %select_n3A_2861, %select_n3A_2864, %select_n3A_2867, %select_n3A_2870 : i32, i1, vector<16xf32>, vector<16xf32>, vector<16xi32>, vector<16xi32>, vector<16xf32>, vector<16xi32>, vector<16xf32>, vector<16xi32>, vector<16xf32>, vector<16xi32>, vector<16xf32>, vector<16xi32>, vector<16xf32>, vector<16xi32>, vector<16xf32>, vector<16xi32>, vector<16xf32>, vector<16xi32>, vector<16xf32>, vector<16xi32>
    }
    %bitcast3A_2447 = vector.bitcast %while3A_2446#2 : vector<16xf32> to vector<16xi32>
    %swap3A_2448 = arith.constant 0 : index
    %swap3A_2449 = tpu.vector_load %arg6[%swap3A_2448] {strides = array<i32>} : memref<64xi32, #tpu.memory_space<vmem>>, vector<16xi32>,
    tpu.vector_store %arg6[%swap3A_2448], %bitcast3A_2447 {strides = array<i32>} : memref<64xi32, #tpu.memory_space<vmem>>, vector<16xi32>,
    %bitcast3A_2450 = vector.bitcast %while3A_2446#3 : vector<16xf32> to vector<16xi32>
    %swap3A_2451 = arith.constant 16 : index
    %swap3A_2452 = tpu.vector_load %arg6[%swap3A_2451] {strides = array<i32>} : memref<64xi32, #tpu.memory_space<vmem>>, vector<16xi32>,
    tpu.vector_store %arg6[%swap3A_2451], %bitcast3A_2450 {strides = array<i32>} : memref<64xi32, #tpu.memory_space<vmem>>, vector<16xi32>,
    %swap3A_2453 = arith.constant 32 : index
    %swap3A_2454 = tpu.vector_load %arg6[%swap3A_2453] {strides = array<i32>} : memref<64xi32, #tpu.memory_space<vmem>>, vector<16xi32>,
    tpu.vector_store %arg6[%swap3A_2453], %while3A_2446#4 {strides = array<i32>} : memref<64xi32, #tpu.memory_space<vmem>>, vector<16xi32>,
    %swap3A_2455 = arith.constant 48 : index
    %swap3A_2456 = tpu.vector_load %arg6[%swap3A_2455] {strides = array<i32>} : memref<64xi32, #tpu.memory_space<vmem>>, vector<16xi32>,
    tpu.vector_store %arg6[%swap3A_2455], %while3A_2446#5 {strides = array<i32>} : memref<64xi32, #tpu.memory_space<vmem>>, vector<16xi32>,
    %mul3A_2457 = arith.constant 64 : i32
    %mul3A_2458 = arith.muli %arg1, %mul3A_2457 : i32
    "tpu.region"() ({
      %run_scoped3A = tpu.sem_alloc : memref<!tpu.dma_semaphore, #tpu.memory_space<semaphore_mem>>
      %dma_start3A_2465 = tpu.memref_slice %arg10[%mul3A_2458] : memref<1024xi32, #tpu.memory_space<vmem_shared>> -> memref<64xi32, #tpu.memory_space<vmem_shared>>
      %dma_start3A_2466 = tpu.memref_slice %arg10[%mul3A_2458] : memref<1024xi32, #tpu.memory_space<vmem_shared>> -> memref<64xi32, #tpu.memory_space<vmem_shared>>
      tpu.enqueue_dma source(%arg6 : memref<64xi32, #tpu.memory_space<vmem>>) target(%dma_start3A_2466 : memref<64xi32, #tpu.memory_space<vmem_shared>>) target_semaphore(%run_scoped3A : memref<!tpu.dma_semaphore, #tpu.memory_space<semaphore_mem>>)
      %dma_wait3A_2467 = tpu.memref_slice %arg10[%mul3A_2458] : memref<1024xi32, #tpu.memory_space<vmem_shared>> -> memref<64xi32, #tpu.memory_space<vmem_shared>>
      %dma_wait3A_2468 = tpu.memref_slice %arg10[%mul3A_2458] : memref<1024xi32, #tpu.memory_space<vmem_shared>> -> memref<64xi32, #tpu.memory_space<vmem_shared>>
      tpu.wait_dma2 semaphore(%run_scoped3A : memref<!tpu.dma_semaphore, #tpu.memory_space<semaphore_mem>>) src(%arg6 : memref<64xi32, #tpu.memory_space<vmem>>) dst(%dma_wait3A_2468 : memref<64xi32, #tpu.memory_space<vmem_shared>>)
      tpu.yield
    }) : () -> ()
    %dma_wait3A_2459 = tpu.memref_slice %arg3[%mul3A_14] : memref<32768xf32, #tpu.memory_space<hbm>> -> memref<2048xf32, #tpu.memory_space<hbm>>
    %dma_wait3A_2460 = tpu.memref_slice %arg3[%mul3A_14] : memref<32768xf32, #tpu.memory_space<hbm>> -> memref<2048xf32, #tpu.memory_space<hbm>>
    tpu.wait_dma2 semaphore(%arg13 : memref<!tpu.dma_semaphore, #tpu.memory_space<semaphore_mem>>) src(%arg5 : memref<2048xf32, #tpu.memory_space<vmem>>) dst(%dma_wait3A_2460 : memref<2048xf32, #tpu.memory_space<hbm>>)
    %barrier3A_2461 = arith.constant 0 : index
    tpu.barrier barrier_id(%barrier3A_2461)
    %eq3A_2462 = arith.constant 0 : i32
    %eq3A_2463 = arith.cmpi eq, %arg1, %eq3A_2462 : i32
    %convert_element_type3A = arith.extui %eq3A_2463 : i1 to i32
    %cond3A = arith.constant 0 : i32
    %cond3A_2464 = arith.cmpi ne, %convert_element_type3A, %cond3A : i32
    scf.if %cond3A_2464 {
      "tpu.region"() ({
        %run_scoped3A = tpu.sem_alloc : memref<!tpu.dma_semaphore, #tpu.memory_space<semaphore_mem>>
        tpu.enqueue_dma source(%arg10 : memref<1024xi32, #tpu.memory_space<vmem_shared>>) target(%arg7 : memref<1024xi32, #tpu.memory_space<vmem>>) target_semaphore(%run_scoped3A : memref<!tpu.dma_semaphore, #tpu.memory_space<semaphore_mem>>)
        tpu.wait_dma2 semaphore(%run_scoped3A : memref<!tpu.dma_semaphore, #tpu.memory_space<semaphore_mem>>) src(%arg10 : memref<1024xi32, #tpu.memory_space<vmem_shared>>) dst(%arg7 : memref<1024xi32, #tpu.memory_space<vmem>>)
        tpu.yield
      }) : () -> ()
      %broadcast_in_dim3A_2465 = arith.constant -1 : i32
      %broadcast_in_dim3A_2466 = vector.broadcast %broadcast_in_dim3A_2465 : i32 to vector<16xi32>
      %swap3A_2467 = arith.constant 0 : index
      %swap3A_2468 = tpu.vector_load %arg9[%swap3A_2467] {strides = array<i32>} : memref<32xi32, #tpu.memory_space<vmem>>, vector<16xi32>,
      tpu.vector_store %arg9[%swap3A_2467], %broadcast_in_dim3A_2466 {strides = array<i32>} : memref<32xi32, #tpu.memory_space<vmem>>, vector<16xi32>,
      %swap3A_2469 = arith.constant 16 : index
      %swap3A_2470 = tpu.vector_load %arg9[%swap3A_2469] {strides = array<i32>} : memref<32xi32, #tpu.memory_space<vmem>>, vector<16xi32>,
      tpu.vector_store %arg9[%swap3A_2469], %broadcast_in_dim3A_2466 {strides = array<i32>} : memref<32xi32, #tpu.memory_space<vmem>>, vector<16xi32>,
      %scan3A_2471 = arith.constant 0 : i32
      %scan3A_2472 = arith.constant 25 : i32
      %scan3A_2473 = arith.addi %scan3A_2471, %scan3A_2472 : i32
      %scan3A_2474 = arith.constant 1 : i32
      %scan3A_2475 = scf.for %scan3A_2535 = %scan3A_2471 to %scan3A_2473 step %scan3A_2474 iter_args(%scan3A_2536 = %broadcast_in_dim3A_21) -> (vector<16xi32>)  : i32 {
        %mul3A_2537 = arith.constant 64 : i32
        %mul3A_2538 = vector.broadcast %mul3A_2537 : i32 to vector<16xi32>
        %mul3A_2539 = arith.muli %iota3A, %mul3A_2538 : vector<16xi32>
        %add3A_2540 = arith.addi %mul3A_2539, %scan3A_2536 : vector<16xi32>
        %gather3A = tpu.vector_load_idx %arg7[%add3A_2540] : memref<1024xi32, #tpu.memory_space<vmem>>[vector<16xi32>], vector<16xi32>,
        %bitcast3A_2541 = vector.bitcast %gather3A : vector<16xi32> to vector<16xf32>
        %add3A_2542 = arith.constant 32 : i32
        %add3A_2543 = vector.broadcast %add3A_2542 : i32 to vector<16xi32>
        %add3A_2544 = arith.addi %add3A_2540, %add3A_2543 : vector<16xi32>
        %gather3A_2545 = tpu.vector_load_idx %arg7[%add3A_2544] : memref<1024xi32, #tpu.memory_space<vmem>>[vector<16xi32>], vector<16xi32>,
        %reduce_max3A_2546 = arith.constant true
        %reduce_max3A_2547 = vector.broadcast %reduce_max3A_2546 : i1 to vector<16xi1>
        %reduce_max3A_2548 = tpu.scan <max>, %bitcast3A_2541 masked %reduce_max3A_2547 : vector<16xf32>, vector<16xi1> -> vector<16xf32>
        %reduce_max3A_2549 = vector.extract %reduce_max3A_2548[15] : f32 from vector<16xf32>
        %eq3A_2550 = vector.broadcast %reduce_max3A_2549 : f32 to vector<16xf32>
        %eq3A_2551 = arith.cmpf oeq, %bitcast3A_2541, %eq3A_2550 : vector<16xf32>
        %all_reduce_ffs3A = tpu.all_reduce %eq3A_2551 {dim = 0 : i64, kind = #tpu.reduction_kind<find_first_set>} : vector<16xi1> -> vector<16xi32>
        %eq3A_2552 = arith.cmpi eq, %iota3A, %all_reduce_ffs3A : vector<16xi32>
        %broadcast_in_dim3A_2553 = vector.broadcast %scan3A_2535 : i32 to vector<16xi32>
        tpu.vector_store_idx %arg8[%broadcast_in_dim3A_2553], %bitcast3A_2541 masked %eq3A_2552 : memref<32xf32, #tpu.memory_space<vmem>>[vector<16xi32>], vector<16xf32>, vector<16xi1>
        tpu.vector_store_idx %arg9[%broadcast_in_dim3A_2553], %gather3A_2545 masked %eq3A_2552 : memref<32xi32, #tpu.memory_space<vmem>>[vector<16xi32>], vector<16xi32>, vector<16xi1>
        %jit3A_2554 = arith.constant 1 : i32
        %jit3A_2555 = arith.constant 0 : i32
        %broadcast_in_dim3A_2556 = vector.broadcast %jit3A_2554 : i32 to vector<16xi32>
        %broadcast_in_dim3A_2557 = vector.broadcast %jit3A_2555 : i32 to vector<16xi32>
        %select_n3A_2558 = arith.select %eq3A_2552, %broadcast_in_dim3A_2556, %broadcast_in_dim3A_2557 : vector<16xi1>, vector<16xi32>
        %add3A_2559 = arith.addi %scan3A_2536, %select_n3A_2558 : vector<16xi32>
        scf.yield %add3A_2559 : vector<16xi32>
      }
      %scan3A_2476 = arith.constant 25 : i32
      %get3A_2477 = arith.constant 0 : index
      %get3A_2478 = tpu.vector_load %arg8[%get3A_2477] {strides = array<i32>} : memref<32xf32, #tpu.memory_space<vmem>>, vector<16xf32>,
      %get3A_2479 = arith.constant 16 : index
      %get3A_2480 = tpu.vector_load %arg8[%get3A_2479] {strides = array<i32>} : memref<32xf32, #tpu.memory_space<vmem>>, vector<16xf32>,
      %get3A_2481 = arith.constant 0 : index
      %get3A_2482 = tpu.vector_load %arg9[%get3A_2481] {strides = array<i32>} : memref<32xi32, #tpu.memory_space<vmem>>, vector<16xi32>,
      %get3A_2483 = arith.constant 16 : index
      %get3A_2484 = tpu.vector_load %arg9[%get3A_2483] {strides = array<i32>} : memref<32xi32, #tpu.memory_space<vmem>>, vector<16xi32>,
      %eq3A_2485 = arith.constant 0 : i32
      %eq3A_2486 = vector.broadcast %eq3A_2485 : i32 to vector<16xi32>
      %eq3A_2487 = arith.cmpi eq, %get3A_2482, %eq3A_2486 : vector<16xi32>
      %jit3A = arith.constant 0xFF800000 : f32
      %broadcast_in_dim3A_2488 = vector.broadcast %jit3A : f32 to vector<16xf32>
      %select_n3A_2489 = arith.select %eq3A_2487, %get3A_2478, %broadcast_in_dim3A_2488 : vector<16xi1>, vector<16xf32>
      %reduce_max3A = arith.constant true
      %reduce_max3A_2490 = vector.broadcast %reduce_max3A : i1 to vector<16xi1>
      %reduce_max3A_2491 = tpu.scan <max>, %select_n3A_2489 masked %reduce_max3A_2490 : vector<16xf32>, vector<16xi1> -> vector<16xf32>
      %reduce_max3A_2492 = vector.extract %reduce_max3A_2491[15] : f32 from vector<16xf32>
      %eq3A_2493 = arith.constant 0 : i32
      %eq3A_2494 = vector.broadcast %eq3A_2493 : i32 to vector<16xi32>
      %eq3A_2495 = arith.cmpi eq, %get3A_2484, %eq3A_2494 : vector<16xi32>
      %jit3A_2496 = arith.constant 0xFF800000 : f32
      %broadcast_in_dim3A_2497 = vector.broadcast %jit3A_2496 : f32 to vector<16xf32>
      %select_n3A_2498 = arith.select %eq3A_2495, %get3A_2480, %broadcast_in_dim3A_2497 : vector<16xi1>, vector<16xf32>
      %reduce_max3A_2499 = arith.constant true
      %reduce_max3A_2500 = vector.broadcast %reduce_max3A_2499 : i1 to vector<16xi1>
      %reduce_max3A_2501 = tpu.scan <max>, %select_n3A_2498 masked %reduce_max3A_2500 : vector<16xf32>, vector<16xi1> -> vector<16xf32>
      %reduce_max3A_2502 = vector.extract %reduce_max3A_2501[15] : f32 from vector<16xf32>
      %max3A_2503 = arith.maximumf %reduce_max3A_2492, %reduce_max3A_2502 : f32
      %eq3A_2504 = arith.constant 0xFF800000 : f32
      %eq3A_2505 = arith.cmpf oeq, %max3A_2503, %eq3A_2504 : f32
      %jit3A_2506 = arith.constant 0.000000e+00 : f32
      %select_n3A_2507 = arith.select %eq3A_2505, %jit3A_2506, %max3A_2503 : f32
      %ge3A = arith.constant 0 : i32
      %ge3A_2508 = vector.broadcast %ge3A : i32 to vector<16xi32>
      %ge3A_2509 = arith.cmpi sge, %get3A_2482, %ge3A_2508 : vector<16xi32>
      %ge3A_2510 = arith.constant 0 : i32
      %ge3A_2511 = vector.broadcast %ge3A_2510 : i32 to vector<16xi32>
      %ge3A_2512 = arith.cmpi sge, %get3A_2484, %ge3A_2511 : vector<16xi32>
      %broadcast_in_dim3A_2513 = vector.broadcast %select_n3A_2507 : f32 to vector<16xf32>
      %select_n3A_2514 = arith.select %ge3A_2509, %get3A_2478, %broadcast_in_dim3A_2513 : vector<16xi1>, vector<16xf32>
      %swap3A_2515 = arith.constant 0 : index
      %swap3A_2516 = tpu.vector_load %arg8[%swap3A_2515] {strides = array<i32>} : memref<32xf32, #tpu.memory_space<vmem>>, vector<16xf32>,
      tpu.vector_store %arg8[%swap3A_2515], %select_n3A_2514 {strides = array<i32>} : memref<32xf32, #tpu.memory_space<vmem>>, vector<16xf32>,
      %broadcast_in_dim3A_2517 = vector.broadcast %select_n3A_2507 : f32 to vector<16xf32>
      %select_n3A_2518 = arith.select %ge3A_2512, %get3A_2480, %broadcast_in_dim3A_2517 : vector<16xi1>, vector<16xf32>
      %swap3A_2519 = arith.constant 16 : index
      %swap3A_2520 = tpu.vector_load %arg8[%swap3A_2519] {strides = array<i32>} : memref<32xf32, #tpu.memory_space<vmem>>, vector<16xf32>,
      tpu.vector_store %arg8[%swap3A_2519], %select_n3A_2518 {strides = array<i32>} : memref<32xf32, #tpu.memory_space<vmem>>, vector<16xf32>,
      %jit3A_2521 = arith.constant 0 : i32
      %broadcast_in_dim3A_2522 = vector.broadcast %jit3A_2521 : i32 to vector<16xi32>
      %select_n3A_2523 = arith.select %ge3A_2509, %get3A_2482, %broadcast_in_dim3A_2522 : vector<16xi1>, vector<16xi32>
      %swap3A_2524 = arith.constant 0 : index
      %swap3A_2525 = tpu.vector_load %arg9[%swap3A_2524] {strides = array<i32>} : memref<32xi32, #tpu.memory_space<vmem>>, vector<16xi32>,
      tpu.vector_store %arg9[%swap3A_2524], %select_n3A_2523 {strides = array<i32>} : memref<32xi32, #tpu.memory_space<vmem>>, vector<16xi32>,
      %jit3A_2526 = arith.constant 0 : i32
      %broadcast_in_dim3A_2527 = vector.broadcast %jit3A_2526 : i32 to vector<16xi32>
      %select_n3A_2528 = arith.select %ge3A_2512, %get3A_2484, %broadcast_in_dim3A_2527 : vector<16xi1>, vector<16xi32>
      %swap3A_2529 = arith.constant 16 : index
      %swap3A_2530 = tpu.vector_load %arg9[%swap3A_2529] {strides = array<i32>} : memref<32xi32, #tpu.memory_space<vmem>>, vector<16xi32>,
      tpu.vector_store %arg9[%swap3A_2529], %select_n3A_2528 {strides = array<i32>} : memref<32xi32, #tpu.memory_space<vmem>>, vector<16xi32>,
      %dma_start3A_2531 = arith.constant 0 : i32
      %dma_start3A_2532 = tpu.memref_slice %arg3[%dma_start3A_2531] : memref<32768xf32, #tpu.memory_space<hbm>> -> memref<32768xf32, #tpu.memory_space<hbm>>
      tpu.enqueue_indirect_dma source(%arg8 : memref<32xf32, #tpu.memory_space<vmem>>) target(%dma_start3A_2532 : memref<32768xf32, #tpu.memory_space<hbm>>) offsets(%arg9 : memref<32xi32, #tpu.memory_space<vmem>>) semaphore(%arg12 : memref<!tpu.dma_semaphore, #tpu.memory_space<semaphore_mem>>)
      %dma_wait3A_2533 = arith.constant 0 : i32
      %dma_wait3A_2534 = tpu.memref_slice %arg3[%dma_wait3A_2533] : memref<32768xf32, #tpu.memory_space<hbm>> -> memref<32768xf32, #tpu.memory_space<hbm>>
      tpu.wait_indirect_dma semaphore(%arg12 : memref<!tpu.dma_semaphore, #tpu.memory_space<semaphore_mem>>) src(%arg8 : memref<32xf32, #tpu.memory_space<vmem>>) dst(%dma_wait3A_2534 : memref<32768xf32, #tpu.memory_space<hbm>>)
    } else {
    }
    return
  }
}

</mosaic_0001>

<sc_bundles>
// kernel: kernel.3.cloned.1.call-start
scs
__scs_entry_jumppad:
0x0: {  	(pc) =	sbr.rel $0x88, $3  }
0x1: {  	(tag) =	ssettag $0x0;
	lr =	simm.s32 $0x1  }
0x2: {  	[smem:$0x3FA0] =	sst lr;
	_ =	strace $0xD0000000  }
0x3: {  	_ = 	snop  }
0x4: {  	_ = 	snop  }
0x5: {  	_ = 	snop  }
0x6: {  	_ = 	snop  }
0x7: {  	_ = 	snop  }
__scs_overlays_trampoline_lowered:
0x8: {  	[smem:$0x3FAF] =	sst s0  }
0x9: {  	[smem:$0x3FB0] =	sst s1  }
0xa: {  	[smem:$0x3FB1] =	sst s2  }
0xb: {  	[smem:$0x3FB2] =	sst s3  }
0xc: {  	[smem:$0x3FB3] =	sst s4  }
0xd: {  	[smem:$0x3FB4] =	sst s5  }
0xe: {  	[smem:$0x3FB5] =	sst s6  }
0xf: {  	[smem:$0x3FB6] =	sst s7  }
0x10: {  	[smem:$0x3FB7] =	sst s8  }
0x11: {  	[smem:$0x3FB8] =	sst s9;
	s0 =	simm.s32 @!p0 $0x0  }
0x12: {  	s1 =	sld [smem:$0x3F9E];
	s0 =	simm.s32 @p0 $0x1  }
0x13: {  	[smem:$0x3FB9] =	sst s0;
	s0 =	simm.s32 @!p1 $0x0  }
0x14: {  	s2 =	sld [smem:$0x3F9D];
	s0 =	simm.s32 @p1 $0x1  }
0x15: {  	[smem:$0x3FBA] =	sst s0;
	s0 =	simm.s32 @!p2 $0x0  }
0x16: {  	s3 =	sld [smem:$0x3FDB];
	s0 =	simm.s32 @p2 $0x1  }
0x17: {  	s4 =	simm.s32 $0x1BF5;
	[smem:$0x3FBC] =	sst s0  }
0x18: {  	s0 =	sld [smem:$0x3F9F];
	_ =	swait.ge [sflag:s4], $0x0  }
0x19: {  	s7 =	sld [smem:$0x3FA0]  }
0x1a: {  	s8 =	sadd.s32 $0xFFFFE003, lr  }
0x1b: {  	s9 =	sadd.s32 $0xFFFFFEF7, lr;
	s5 =	simm.s32 $0xFFFFFFFF;
	p2 =	slt.u32 s8, $0xFFFFF086  }
0x1c: {  	p1 =	slt.u32 s9, $0xF7A;
	s5 =	simm.s32 @!p2 $0x0  }
0x1d: {  	s5 =	simm.s32 @p1 $0x1;
	p0 =	seq.s32 s7, s2  }
0x1e: {  	s7 =	smul.u32 @!p0 $0xF7A, s2;
	p2 =	seq.s32 @!p0 s5, $0x0  }
0x1f: {  	s9 =	smul.u32 $0xF7A, s1;
	s8 =	simm.s32 @!p0 $0x1BF5;
	p2 =	por !p2, p0  }
0x20: {  	[sflag:s8] =	ssyncset.s32 @!p0 $0xFFFFF086;
	s6 =	sadd.s32 @!p0 s3, s7;
	s7 =	simm.s32 @!p0 $0x108  }
0x21: {  	s3 =	sadd.s32 s3, s9;
	s6 =	sadd.s32 @!p0 $0x88, s6;
	s7 =	simm.s32 @p2 $0x1082  }
0x22: {  	[simem:s7], [sflag:s8] =	dma.local @!p0 [hbm:s6], $0xF7A  }
0x23: {  	s9 =	sor.u32 $0xD0000000, s2;
	s6 =	simm.s32 $0x108;
	_ =	swait.ge @!p0 [sflag:s8], $0x0  }
0x24: {  	s3 =	sadd.s32 $0x88, s3;
	s6 =	simm.s32 @!p1 $0x1082;
	[sflag:s4] =	ssyncset.s32 $0xFFFFF086  }
0x25: {  	[simem:s6], [sflag:s4] =	dma.local [hbm:s3], $0xF7A  }
0x26: {  	[smem:$0x3FA0] =	sst s1;
	(tag) =	ssettag s2;
	_ =	strace s9  }
0x27: {  	s1 =	sld [smem:$0x3FB0]  }
0x28: {  	s2 =	sld [smem:$0x3FB1]  }
0x29: {  	s4 =	sld [smem:$0x3FB3]  }
0x2a: {  	p0 =	seq.s32 s5, $0x0;
	s5 =	sld [smem:$0x3FB4]  }
0x2b: {  	s6 =	sld [smem:$0x3FB5]  }
0x2c: {  	s7 =	sld [smem:$0x3FB6]  }
0x2d: {  	s3 =	simm.s32 $0x108;
	s8 =	sld [smem:$0x3FB7]  }
0x2e: {  	s3 =	simm.s32 @!p0 $0x1082;
	s9 =	sld [smem:$0x3FB8]  }
0x2f: {  	lr =	sadd.s32 s0, s3;
	s0 =	sld [smem:$0x3FAF]  }
0x30: {  	s3 =	sld [smem:$0x3FB2]  }
0x31: {  	[smem:$0x3FBB] =	sst s10  }
0x32: {  	s10 =	sld [smem:$0x3FB9];
	_ =	sdelay $0x3  }
0x33: {  	p0 =	seq.s32 s10, $0x1;
	s10 =	sld [smem:$0x3FBB];
	_ =	sdelay $0x3  }
0x34: {  	[smem:$0x3FBB] =	sst s10  }
0x35: {  	s10 =	sld [smem:$0x3FBA];
	_ =	sdelay $0x3  }
0x36: {  	p1 =	seq.s32 s10, $0x1;
	s10 =	sld [smem:$0x3FBB];
	_ =	sdelay $0x3  }
0x37: {  	[smem:$0x3FBB] =	sst s10  }
0x38: {  	s10 =	sld [smem:$0x3FBC]  }
0x39: {  	_ = 	snop;
	(pc) =	sbr.ind lr, $3  }
0x3a: {  	_ = 	snop  }
0x3b: {  	_ = 	snop  }
0x3c: {  	p2 =	seq.s32 s10, $0x1;
	s10 =	sld [smem:$0x3FBB]  }
0x3d: {  	_ =	shalt  }
0x3e: {  	_ =	shalt  }
0x3f: {  	_ =	shalt  }
0x40: {  	_ =	shalt  }
0x41: {  	_ =	shalt  }
0x42: {  	_ =	shalt  }
0x43: {  	_ =	shalt  }
0x44: {  	_ =	shalt  }
0x45: {  	_ =	shalt  }
0x46: {  	_ =	shalt  }
0x47: {  	_ =	shalt  }
0x48: {  	_ =	shalt  }
0x49: {  	_ =	shalt  }
0x4a: {  	_ =	shalt  }
0x4b: {  	_ =	shalt  }
0x4c: {  	_ =	shalt  }
0x4d: {  	_ =	shalt  }
0x4e: {  	_ =	shalt  }
0x4f: {  	_ =	shalt  }
0x50: {  	_ =	shalt  }
0x51: {  	_ =	shalt  }
0x52: {  	_ =	shalt  }
0x53: {  	_ =	shalt  }
0x54: {  	_ =	shalt  }
0x55: {  	_ =	shalt  }
0x56: {  	_ =	shalt  }
0x57: {  	_ =	shalt  }
0x58: {  	_ =	shalt  }
0x59: {  	_ =	shalt  }
0x5a: {  	_ =	shalt  }
0x5b: {  	_ =	shalt  }
0x5c: {  	_ =	shalt  }
0x5d: {  	_ =	shalt  }
0x5e: {  	_ =	shalt  }
0x5f: {  	_ =	shalt  }
0x60: {  	_ =	shalt  }
0x61: {  	_ =	shalt  }
0x62: {  	_ =	shalt  }
0x63: {  	_ =	shalt  }
0x64: {  	_ =	shalt  }
0x65: {  	_ =	shalt  }
0x66: {  	_ =	shalt  }
0x67: {  	_ =	shalt  }
0x68: {  	_ =	shalt  }
0x69: {  	_ =	shalt  }
0x6a: {  	_ =	shalt  }
0x6b: {  	_ =	shalt  }
0x6c: {  	_ =	shalt  }
0x6d: {  	_ =	shalt  }
0x6e: {  	_ =	shalt  }
0x6f: {  	_ =	shalt  }
0x70: {  	_ =	shalt  }
0x71: {  	_ =	shalt  }
0x72: {  	_ =	shalt  }
0x73: {  	_ =	shalt  }
0x74: {  	_ =	shalt  }
0x75: {  	_ =	shalt  }
0x76: {  	_ =	shalt  }
0x77: {  	_ =	shalt  }
0x78: {  	_ =	shalt  }
0x79: {  	_ =	shalt  }
0x7a: {  	_ =	shalt  }
0x7b: {  	_ =	shalt  }
0x7c: {  	_ =	shalt  }
0x7d: {  	_ =	shalt  }
0x7e: {  	_ =	shalt  }
0x7f: {  	_ =	shalt  }
0x80: {  	_ =	shalt  }
0x81: {  	_ =	shalt  }
0x82: {  	_ =	shalt  }
0x83: {  	_ =	shalt  }
0x84: {  	_ =	shalt  }
0x85: {  	_ =	shalt  }
0x86: {  	_ =	shalt  }
0x87: {  	_ =	shalt  }
.Lfunc_end0:
.L_simem_size_0:
called_computation_lowered:
.L_overlay_start_0:
0x88: {  	s0 =	sld [smem:$0x3FD9]  }
0x89: {  	s1 =	sld [smem:$0x3FFE];
	_ =	sdelay $0x3  }
0x8a: {  	s0 =	sadd.s32 s1, s0  }
0x8b: {  	[smem:$0x3FC7] =	sst s0  }
0x8c: {  	_ = 	snop  }
0x8d: {  	s0 =	sld [smem:$0x3FC9]  }
0x8e: {  	s17 =	sld [smem:$0x3FD0];
	(tm) =	ssettm $0x1  }
0x8f: {  	s2 =	sld [smem:$0x3FFB];
	_ =	sdelay $0x3  }
0x90: {  	_ =	strace s2  }
0x91: {  	s2 =	sld [smem:$0x3FFC];
	_ =	sdelay $0x3  }
0x92: {  	_ =	strace s2  }
0x93: {  	s2 =	sld [smem:$0x3FFD];
	_ =	sdelay $0x3  }
0x94: {  	_ =	strace s2  }
0x95: {  	_ =	strace $0x8FFFFFFF  }
0x96: {  	s18 =	sld [smem:$0x3FDB];
	_ =	sdelay $0x1  }
0x97: {  	s3 =	simm.s32 $_scs_section_size  }
0x98: {  	s4 =	simm.s32 $_size__tile_overlayer_lowered;
	s5 =	simm.s32 $_tile_overlayer_lowered  }
0x99: {  	s21 =	simm.s32 $0x1BFF;
	s20 =	sshll.u32 s5, $0x1;
	s2 =	sadd.s32 s3, s18  }
0x9a: {  	s6 =	simm.s32 $0x0;
	s19 =	sshll.u32 s4, $0x1;
	s4 =	sadd.s32 s20, s2  }
0x9b: {  	[timem:s6], [sflag:s21] =	dma.local [hbm:s4], s19  }
0x9c: {  	_ =	swait.ge [sflag:s21], s19  }
0x9d: {  	s3 =	ssub.s32 $0x0, s19;
	[sflag:s21] =	ssyncset.done $0x0  }
0x9e: {  	[sflag:s21] =	ssyncadd.s32 s3;
	_ =	sdelay $0x1  }
0x9f: {  	s22 =	simm.s32 $0x1B8B  }
0xa0: {  	_ =	swait.ge [sflag:s22], $0x1  }
0xa1: {  	[sflag:s22] =	ssyncset.done $0x0  }
0xa2: {  	s23 =	simm.s32 $0x1B8E;
	[sflag:s22] =	ssyncadd.s32 $0xFFFFFFFF  }
0xa3: {  	s24 =	simm.s32 $execute0_lowered;
	[smem:$0x3FD2] =	sst s23  }
0xa4: {  	s3 =	sshll.u32 s24, $0x1;
	_ =	strace $0x80000046;
	[dreg:$0x1] =	wrdreg $0xFFFFFFFF  }
0xa5: {  	s25 =	simm.s32 $_size_execute0_lowered;
	s2 =	sadd.s32 s2, s3;
	[dreg:$0x0] =	wrdreg $0x0  }
0xa6: {  	s3 =	sshll.u32 s25, $0x1;
	[dreg:$0x2] =	wrdreg s2  }
0xa7: {  	[dreg:$0x3] =	wrdreg s3  }
0xa8: {  	[dreg:$0x4] =	wrdreg $0xC0  }
0xa9: {  	_ =	task [dreg:s6], $0x5FFFF  }
0xaa: {  	[dreg:$0x1] =	wrdreg $0xFFFFFFFF  }
0xab: {  	[dreg:$0x0] =	wrdreg $0x60  }
0xac: {  	[dreg:$0x2] =	wrdreg s0  }
0xad: {  	[dreg:$0x3] =	wrdreg s17  }
0xae: {  	[dreg:$0x4] =	wrdreg $0x15C00  }
0xaf: {  	[dreg:$0x5] =	wrdreg $0x15800  }
0xb0: {  	[dreg:$0x6] =	wrdreg $0x9  }
0xb1: {  	_ =	task.clear_ibuf [dreg:s6], $0x7FFFF;
	_ =	strace $0x90000046  }
0xb2: {  	s26 =	simm.s32 $0x9;
	_ =	strace $0x80000048  }
0xb3: {  	_ =	swait.ge [sflag:s26], $0x1  }
0xb4: {  	[sflag:s26] =	ssyncadd.s32 $0xFFFFFFFF  }
0xb5: {  	_ =	strace $0x90000048  }
0xb6: {  	_ =	sfence  }
0xb7: {  	s28 =	sld [smem:$0x0];
	_ =	sdelay $0x1  }
0xb8: {  	s29 =	srdreg.scid  }
0xb9: {  	s30 =	sshll.u32 s29, $0xD;
	s31 =	sshrl.u32 s29, $0x2  }
0xba: {  	s1 =	sand.u32 $0x1, s29;
	s2 =	sand.u32 $0x4000, s30;
	s0 =	sadd.s32 s31, s28  }
0xbb: {  	s1 =	sor.u32 s2, s1;
	s0 =	sshll.u32 s0, $0x11  }
0xbc: {  	s0 =	sor.u32 s0, s1  }
0xbd: {  	s0 =	sadd.s32 $0x8F2B, s0  }
0xbe: {  	[sflag:s0] =	ssyncadd.remote.s32 $0x1  }
0xbf: {  	_ =	sfence.sel $0xFFFF  }
0xc0: {  	[dreg:$0x0] =	wrdreg $0xFFFFFFFF;
	(pc) =	sbr.abs _section_cstart, $3  }
0xc1: {  	[dreg:$0x1] =	wrdreg $0xFFFFFFFF  }
0xc2: {  	_ =	task.clear_ibuf [dreg:s6], $0x2FFFF;
	_ =	strace $0x9FFFFFFF  }
0xc3: {  	(tm) =	ssettm $0x7FFFFFFF  }
tec
execute0_lowered:
.L_overlay_start_1:
0x0: {  	(tag) =	ssettag $0x1  }
0x1: {  	s5 =	rddreg [dreg:$0x0]  }
0x2: {  	s1 =	rddreg [dreg:$0x1]  }
0x3: {  	s6 =	rddreg [dreg:$0x2]  }
0x4: {  	s2 =	rddreg [dreg:$0x3];
	s7 =	simm.s32 $0x0;
	s3 =	stileid.u32  }
0x5: {  	[smem:$0x7FF] =	sst s7;
	s4 =	sshll.u32 s3, $0x8  }
0x6: {  	s0 =	rddreg [dreg:$0x4];
	_ =	strace $0x80000047;
	s5 =	sadd.s32 s5, s4  }
0x7: {  	[tilespmem:s7], [sflag:$0x1] =	stream.linear.gather [hbm4b:s5+s7], $0x800, $0x38;
	[tilespmem:$0x15D0] =	vst v63  }
0x8: {  	v0 =	vimm.f32 $0.0e+00;
	s5 =	simm.s32 $0x820  }
0x9: {  	[tilespmem:s5+$0xFFFFFFE0] =	vst v0  }
0xa: {  	[tilespmem:s5+$0x10] =	vst v0  }
0xb: {  	s8 =	simm.s32 $0x0;
	s7 =	sadd.s32 s1, s4;
	[tilespmem:s5+$0x0] =	vst v0  }
.LBB2_1:
0xc: {  	s8 =	sadd.s32 $0x4, s8  }
0xd: {  	[tilespmem:s5+$0xFFFFFFF0] =	vst v0;
	s5 =	sadd.s32 $0x40, s5;
	p0 =	slt.u32 s8, $0x7C  }
.Ltmp0:
0xe: {  	[tilespmem:s5+$0xFFFFFFE0] =	vst v0;
	(pc) =	sbr.rel @p0 .LBB2_1-.Ltmp0, $3  }
0xf: {  	_ =	sdelay $0x1  }
0x10: {  	[tilespmem:s5+$0x10] =	vst v0  }
0x11: {  	[tilespmem:s5+$0x0] =	vst v0  }
0x12: {  	[tilespmem:s5+$0xFFFFFFF0] =	vst v0;
	s5 =	simm.s32 $0x0;
	s8 =	simm.s32 $0x800;
	s26 =	simm.s32 $0x1  }
0x13: {  	[hbm4b:s7+s5] =	stream.linear.scatter [tilespmem:s8], [sflag:$0x2], $0x800, $0x38;
	[tilespmem:$0x15D0] =	vst v63  }
0x14: {  	_ =	swait.ge [sflag:s26], $0x800  }
0x15: {  	[sflag:s26] =	ssyncset.done $0x0  }
0x16: {  	[sflag:s26] =	ssyncadd.s32 $0xFFFFF800  }
0x17: {  	v0 =	vld [tilespmem:$0x0]  }
0x18: {  	v1 =	vld [tilespmem:$0x10]  }
0x19: {  	v2 =	vld [tilespmem:$0x20]  }
0x1a: {  	v3 =	vld [tilespmem:$0x30]  }
0x1b: {  	v4 =	vld [tilespmem:$0x40]  }
0x1c: {  	v5 =	vld [tilespmem:$0x50]  }
0x1d: {  	v6 =	vld [tilespmem:$0x60]  }
0x1e: {  	v7 =	vld [tilespmem:$0x70]  }
0x1f: {  	v8 =	vld [tilespmem:$0x80];
	vm0 =	vgt.f32 v0, $-Inf;
	vm10 =	vlt.f32 v1, $-Inf  }
0x20: {  	v9 =	vld [tilespmem:$0x90];
	vm1 =	vgt.f32 v1, $-Inf;
	vm2 =	vlt.f32 v2, $-Inf;
	vm3 =	vgt.f32 v2, $-Inf  }
0x21: {  	v10 =	vld [tilespmem:$0xA0];
	vm6 =	vlt.f32 v3, $-Inf;
	vm7 =	vgt.f32 v3, $-Inf;
	v0 =	vnsel vm0, $0xFF800000, v0  }
0x22: {  	v11 =	vld [tilespmem:$0xB0];
	vm5 =	vmor vm1, vm10;
	vm4 =	vmor vm3, vm2;
	vm0 =	vmor vm7, vm6  }
0x23: {  	v12 =	vld [tilespmem:$0xC0];
	v1 =	vnsel vm5, $0xFF800000, v1;
	v2 =	vnsel vm4, $0xFF800000, v2;
	v3 =	vnsel vm0, $0xFF800000, v3  }
0x24: {  	v13 =	vld [tilespmem:$0xD0];
	vm9 =	vgt.f32 v4, v0;
	vm7 =	vgt.f32 v5, v1;
	vm6 =	vgt.f32 v6, v2  }
0x25: {  	v0 =	vsel vm9, v4, v0;
	v4 =	vld [tilespmem:$0xE0];
	vm1 =	vgt.f32 v7, v3;
	v1 =	vsel vm7, v5, v1  }
0x26: {  	v2 =	vsel vm6, v6, v2;
	vm10 =	vgt.f32 v8, v0;
	v3 =	vsel vm1, v7, v3  }
0x27: {  	vm11 =	vgt.f32 v9, v1;
	v0 =	vsel vm10, v8, v0;
	vm12 =	vgt.f32 v10, v2  }
0x28: {  	vm2 =	vgt.f32 v11, v3;
	v1 =	vsel vm11, v9, v1;
	vm13 =	vgt.f32 v12, v0  }
0x29: {  	v2 =	vsel vm12, v10, v2;
	v3 =	vsel vm2, v11, v3;
	v14 =	vsel vm13, v12, v0  }
0x2a: {  	vm14 =	vgt.f32 v13, v1;
	v0 =	vlaneseq.u32;
	vm8 =	vgt.f32 v4, v2  }
0x2b: {  	v15 =	vsel vm14, v13, v1;
	v1 =	vor.u32 $0x40, v0;
	v7 =	vor.u32 $0x20, v0  }
0x2c: {  	v9 =	vor.u32 $0xD0, v0;
	v56 =	vor.u32 $0x200, v0;
	v57 =	vor.u32 $0x240, v0  }
0x2d: {  	v58 =	vor.u32 $0x280, v0;
	v59 =	vor.u32 $0x210, v0;
	v60 =	vor.u32 $0x250, v0  }
0x2e: {  	v5 =	vld [tilespmem:$0xF0];
	v61 =	vor.u32 $0x260, v0;
	v62 =	vor.u32 $0x2D0, v0;
	v63 =	vor.u32 $0x2A0, v0  }
0x2f: {  	v36 =	vor.u32 $0x230, v0;
	v37 =	vor.u32 $0x270, v0;
	v44 =	vor.u32 $0x300, v0  }
0x30: {  	v45 =	vor.u32 $0x340, v0;
	v47 =	vor.u32 $0x320, v0;
	v48 =	vor.u32 $0x360, v0  }
0x31: {  	v49 =	vor.u32 $0x3D0, v0;
	v50 =	vor.u32 $0x3A0, v0;
	v51 =	vor.u32 $0x330, v0  }
0x32: {  	v53 =	vor.u32 $0x370, v0;
	v54 =	vor.u32 $0x3B0, v0;
	v17 =	vsel vm8, v4, v2  }
0x33: {  	vm3 =	vgt.f32 v5, v3;
	v4 =	vsel vm9, v1, v0;
	v2 =	vor.u32 $0x80, v0  }
0x34: {  	v10 =	vsel vm4, v7, v0;
	v16 =	vsel vm3, v5, v3;
	v11 =	vsel vm10, v2, v4  }
0x35: {  	v3 =	vor.u32 $0x10, v0;
	v4 =	vor.u32 $0xC0, v0;
	v5 =	vor.u32 $0x50, v0  }
0x36: {  	v6 =	vsel vm5, v3, v0;
	v18 =	vsel vm13, v4, v11;
	v11 =	vor.u32 $0xE0, v0  }
0x37: {  	v23 =	vld [tilespmem:$0x110];
	vm13 =	vgt.f32 v15, v14;
	v8 =	vsel vm7, v5, v6;
	v6 =	vor.u32 $0x90, v0  }
0x38: {  	v12 =	vsel vm11, v6, v8;
	v8 =	vor.u32 $0x60, v0;
	vm11 =	veq.f32 v15, v14  }
0x39: {  	v13 =	vsel vm6, v8, v10;
	v10 =	vor.u32 $0xA0, v0;
	v19 =	vsel vm14, v9, v12  }
0x3a: {  	v12 =	vor.u32 $0x30, v0;
	v13 =	vsel vm12, v10, v13;
	vm12 =	vlt.u32 v19, v18  }
0x3b: {  	v22 =	vsel vm0, v12, v0;
	vm4 =	vmand vm11, vm12;
	v20 =	vsel vm8, v11, v13  }
0x3c: {  	v21 =	vld [tilespmem:$0x100];
	v13 =	vor.u32 $0x70, v0;
	vm14 =	vmor vm13, vm4;
	vm13 =	vlt.f32 v23, $-Inf  }
0x3d: {  	v25 =	vld [tilespmem:$0x120];
	v24 =	vsel vm14, v15, v14;
	v18 =	vsel vm14, v19, v18;
	v15 =	vsel vm1, v13, v22  }
0x3e: {  	v26 =	vld [tilespmem:$0x140];
	v14 =	vor.u32 $0xB0, v0;
	vm14 =	vgt.f32 v23, $-Inf;
	vm15 =	veq.f32 v17, v24  }
0x3f: {  	v27 =	vld [tilespmem:$0x150];
	vm8 =	vlt.u32 v20, v18;
	vm9 =	vgt.f32 v17, v24;
	v19 =	vsel vm2, v14, v15  }
0x40: {  	v15 =	vor.u32 $0xF0, v0;
	vm4 =	vmor vm14, vm13;
	vm0 =	vmand vm15, vm8  }
0x41: {  	v28 =	vld [tilespmem:$0x180];
	v19 =	vsel vm3, v15, v19;
	vm15 =	vgt.f32 v21, $-Inf;
	v23 =	vnsel vm4, $0xFF800000, v23  }
0x42: {  	v22 =	vld [tilespmem:$0x130];
	vm8 =	vlt.f32 v25, $-Inf;
	vm0 =	vmor vm9, vm0;
	v21 =	vnsel vm15, $0xFF800000, v21  }
0x43: {  	v29 =	vld [tilespmem:$0x190];
	vm9 =	vgt.f32 v25, $-Inf;
	v17 =	vsel vm0, v17, v24;
	v20 =	vsel vm0, v20, v18  }
0x44: {  	v18 =	vld [tilespmem:$0x160];
	vm6 =	vmor vm9, vm8;
	vm5 =	vgt.f32 v26, v21;
	vm9 =	vgt.f32 v27, v23  }
0x45: {  	v24 =	vld [tilespmem:$0x170];
	vm10 =	vgt.f32 v16, v17;
	vm11 =	veq.f32 v16, v17;
	vm12 =	vlt.u32 v19, v20  }
0x46: {  	v30 =	vld [tilespmem:$0x1A0];
	v25 =	vnsel vm6, $0xFF800000, v25;
	v21 =	vsel vm5, v26, v21;
	vm1 =	vmand vm11, vm12  }
0x47: {  	v32 =	vld [tilespmem:$0x1C0];
	vm11 =	vgt.f32 v22, $-Inf;
	vm0 =	vmor vm10, vm1;
	vm10 =	vlt.f32 v22, $-Inf  }
0x48: {  	v26 =	vld [tilespmem:$0x1D0];
	v23 =	vsel vm9, v27, v23;
	v27 =	vor.u32 $0x140, v0;
	vm1 =	vmor vm11, vm10  }
0x49: {  	vm10 =	vgt.f32 v28, v21;
	vm11 =	vgt.f32 v29, v23;
	v22 =	vnsel vm1, $0xFF800000, v22  }
0x4a: {  	v31 =	vld [tilespmem:$0x1B0];
	v16 =	vsel vm0, v16, v17;
	vm7 =	vgt.f32 v18, v25;
	vm2 =	vgt.f32 v24, v22  }
0x4b: {  	v21 =	vsel vm10, v28, v21;
	v23 =	vsel vm11, v29, v23;
	v22 =	vsel vm2, v24, v22;
	v24 =	vld [tilespmem:$0x1E0]  }
0x4c: {  	v28 =	vor.u32 $0x1C0, v0;
	v29 =	vor.u32 $0x150, v0;
	v18 =	vsel vm7, v18, v25  }
0x4d: {  	v25 =	vld [tilespmem:$0x1F0];
	vm12 =	vgt.f32 v32, v21;
	vm13 =	vgt.f32 v26, v23;
	vm8 =	vgt.f32 v30, v18  }
0x4e: {  	v21 =	vsel vm12, v32, v21;
	v23 =	vsel vm13, v26, v23;
	v26 =	vor.u32 $0x100, v0  }
0x4f: {  	v18 =	vsel vm8, v30, v18;
	vm3 =	vgt.f32 v31, v22;
	v30 =	vor.u32 $0x120, v0  }
0x50: {  	vm15 =	vgt.f32 v23, v21;
	v22 =	vsel vm3, v31, v22;
	vm14 =	vgt.f32 v24, v18  }
0x51: {  	v18 =	vsel vm14, v24, v18;
	v24 =	vsel vm5, v27, v26;
	v27 =	vor.u32 $0x180, v0  }
0x52: {  	vm5 =	vgt.f32 v25, v22;
	v24 =	vsel vm10, v27, v24;
	v27 =	vor.u32 $0x110, v0  }
0x53: {  	v31 =	vor.u32 $0x1D0, v0;
	v25 =	vsel vm5, v25, v22;
	v27 =	vsel vm4, v27, v26  }
0x54: {  	v24 =	vsel vm12, v28, v24;
	v27 =	vsel vm9, v29, v27;
	v29 =	vor.u32 $0x190, v0  }
0x55: {  	v27 =	vsel vm11, v29, v27;
	v29 =	vsel vm6, v30, v26;
	v30 =	vor.u32 $0x160, v0  }
0x56: {  	v29 =	vsel vm7, v30, v29;
	v30 =	vor.u32 $0x1A0, v0;
	v27 =	vsel vm13, v31, v27  }
0x57: {  	vm12 =	veq.f32 v23, v21;
	v28 =	vsel vm8, v30, v29;
	vm13 =	vlt.u32 v27, v24  }
0x58: {  	v31 =	vld [tilespmem:$0x230];
	v29 =	vor.u32 $0x1E0, v0;
	v30 =	vor.u32 $0x130, v0;
	vm4 =	vmand vm12, vm13  }
0x59: {  	v28 =	vsel vm14, v29, v28;
	v26 =	vsel vm1, v30, v26;
	v29 =	vld [tilespmem:$0x200];
	vm8 =	vmor vm15, vm4  }
0x5a: {  	v30 =	vor.u32 $0x170, v0;
	v23 =	vsel vm8, v23, v21;
	v24 =	vsel vm8, v27, v24  }
0x5b: {  	v55 =	vld [tilespmem:$0x240];
	v21 =	vsel vm2, v30, v26;
	v30 =	vor.u32 $0x1B0, v0;
	vm9 =	veq.f32 v18, v23  }
0x5c: {  	v27 =	vld [tilespmem:$0x210];
	vm10 =	vlt.u32 v28, v24;
	v21 =	vsel vm3, v30, v21;
	v30 =	vor.u32 $0x1F0, v0  }
0x5d: {  	v26 =	vld [tilespmem:$0x220];
	vm11 =	vgt.f32 v18, v23;
	vm1 =	vmand vm9, vm10;
	v21 =	vsel vm5, v30, v21  }
0x5e: {  	v33 =	vld [tilespmem:$0x290];
	vm10 =	vlt.f32 v31, $-Inf;
	vm1 =	vmor vm11, vm1;
	vm12 =	vgt.f32 v29, $-Inf  }
0x5f: {  	v30 =	vld [tilespmem:$0x280];
	vm11 =	vgt.f32 v31, $-Inf;
	v18 =	vsel vm1, v18, v23;
	v22 =	vsel vm1, v28, v24  }
0x60: {  	v23 =	vld [tilespmem:$0x250];
	v29 =	vnsel vm12, $0xFF800000, v29;
	vm4 =	vmor vm11, vm10;
	vm1 =	vgt.f32 v25, v18  }
0x61: {  	v24 =	vld [tilespmem:$0x260];
	vm2 =	veq.f32 v25, v18;
	vm13 =	vlt.f32 v27, $-Inf;
	vm14 =	vgt.f32 v27, $-Inf  }
0x62: {  	v28 =	vld [tilespmem:$0x270];
	vm3 =	vlt.u32 v21, v22;
	vm15 =	vlt.f32 v26, $-Inf;
	vm11 =	vgt.f32 v55, v29  }
0x63: {  	v34 =	vld [tilespmem:$0x2A0];
	vm9 =	vgt.f32 v26, $-Inf;
	vm8 =	vmor vm14, vm13;
	v29 =	vsel vm11, v55, v29  }
0x64: {  	v35 =	vld [tilespmem:$0x2B0];
	v31 =	vnsel vm4, $0xFF800000, v31;
	v27 =	vnsel vm8, $0xFF800000, v27;
	vm13 =	vgt.f32 v30, v29  }
0x65: {  	vm7 =	vmor vm9, vm15;
	v29 =	vsel vm13, v30, v29;
	v30 =	vld [tilespmem:$0x2E0];
	vm12 =	vgt.f32 v23, v27  }
0x66: {  	vm2 =	vmand vm2, vm3;
	v26 =	vnsel vm7, $0xFF800000, v26;
	v23 =	vsel vm12, v23, v27;
	v27 =	vld [tilespmem:$0x2C0]  }
0x67: {  	vm1 =	vmor vm1, vm2;
	vm9 =	vgt.f32 v24, v26;
	vm5 =	vgt.f32 v28, v31  }
0x68: {  	v17 =	vsel vm1, v25, v18;
	v24 =	vsel vm9, v24, v26;
	v26 =	vsel vm5, v28, v31;
	v28 =	vld [tilespmem:$0x2D0]  }
0x69: {  	v31 =	vld [tilespmem:$0x2F0];
	vm14 =	vgt.f32 v33, v23;
	vm10 =	vgt.f32 v34, v24;
	vm6 =	vgt.f32 v35, v26  }
0x6a: {  	v23 =	vsel vm14, v33, v23;
	v24 =	vsel vm10, v34, v24;
	v26 =	vsel vm6, v35, v26  }
0x6b: {  	v33 =	vsel vm11, v57, v56;
	vm15 =	vgt.f32 v30, v24;
	vm11 =	vgt.f32 v27, v29  }
0x6c: {  	v24 =	vsel vm15, v30, v24;
	v30 =	vor.u32 $0x290, v0;
	v27 =	vsel vm11, v27, v29  }
0x6d: {  	v29 =	vsel vm13, v58, v33;
	vm13 =	vgt.f32 v28, v23;
	v33 =	vsel vm8, v59, v56  }
0x6e: {  	vm8 =	vgt.f32 v31, v26;
	v33 =	vsel vm12, v60, v33;
	v23 =	vsel vm13, v28, v23  }
0x6f: {  	v26 =	vsel vm8, v31, v26;
	v28 =	vor.u32 $0x2C0, v0;
	v31 =	vor.u32 $0x220, v0  }
0x70: {  	v30 =	vsel vm14, v30, v33;
	v31 =	vsel vm7, v31, v56;
	v28 =	vsel vm11, v28, v29  }
0x71: {  	v38 =	vld [tilespmem:$0x310];
	vm12 =	veq.f32 v23, v27;
	v31 =	vsel vm9, v61, v31;
	v29 =	vsel vm13, v62, v30  }
0x72: {  	vm14 =	vgt.f32 v23, v27;
	v30 =	vsel vm10, v63, v31;
	vm13 =	vlt.u32 v29, v28  }
0x73: {  	v31 =	vor.u32 $0x2E0, v0;
	v63 =	vor.u32 $0x400, v0;
	vm7 =	vmand vm12, vm13  }
0x74: {  	v39 =	vld [tilespmem:$0x320];
	v30 =	vsel vm15, v31, v30;
	v31 =	vsel vm4, v36, v56;
	vm15 =	vmor vm14, vm7  }
0x75: {  	v27 =	vsel vm15, v23, v27;
	v28 =	vsel vm15, v29, v28;
	v23 =	vsel vm5, v37, v31  }
0x76: {  	v31 =	vor.u32 $0x2B0, v0;
	vm15 =	vlt.f32 v38, $-Inf;
	vm9 =	veq.f32 v24, v27  }
0x77: {  	v42 =	vld [tilespmem:$0x3A0];
	vm10 =	vlt.u32 v30, v28;
	v23 =	vsel vm6, v31, v23;
	v31 =	vor.u32 $0x2F0, v0  }
0x78: {  	v25 =	vld [tilespmem:$0x360];
	vm11 =	vgt.f32 v24, v27;
	vm4 =	vmand vm9, vm10;
	v23 =	vsel vm8, v31, v23  }
0x79: {  	v29 =	vld [tilespmem:$0x300];
	vm8 =	vgt.f32 v38, $-Inf;
	vm9 =	vlt.f32 v39, $-Inf;
	vm4 =	vmor vm11, vm4  }
0x7a: {  	v31 =	vld [tilespmem:$0x350];
	vm10 =	vgt.f32 v39, $-Inf;
	v27 =	vsel vm4, v24, v27;
	v24 =	vsel vm4, v30, v28  }
0x7b: {  	vm6 =	vmor vm10, vm9;
	v28 =	vld [tilespmem:$0x330];
	vm12 =	veq.f32 v26, v27;
	vm4 =	vlt.u32 v23, v24  }
0x7c: {  	v30 =	vld [tilespmem:$0x340];
	v33 =	vnsel vm6, $0xFF800000, v39;
	vm13 =	vgt.f32 v26, v27;
	vm3 =	vmand vm12, vm4  }
0x7d: {  	v41 =	vld [tilespmem:$0x390];
	vm7 =	vmor vm8, vm15;
	vm8 =	vgt.f32 v25, v33;
	vm2 =	vmor vm13, vm3  }
0x7e: {  	vm14 =	vgt.f32 v29, $-Inf;
	v25 =	vsel vm8, v25, v33;
	v18 =	vsel vm2, v26, v27;
	v27 =	vld [tilespmem:$0x380]  }
0x7f: {  	v40 =	vld [tilespmem:$0x370];
	vm10 =	vgt.f32 v42, v25;
	v26 =	vnsel vm14, $0xFF800000, v29;
	v29 =	vnsel vm7, $0xFF800000, v38  }
0x80: {  	v36 =	vld [tilespmem:$0x3B0];
	vm11 =	vlt.f32 v28, $-Inf;
	vm12 =	vgt.f32 v28, $-Inf;
	vm9 =	vgt.f32 v31, v29  }
0x81: {  	vm3 =	vmor vm12, vm11;
	vm11 =	vgt.f32 v30, v26;
	v29 =	vsel vm9, v31, v29;
	v31 =	vld [tilespmem:$0x3D0]  }
0x82: {  	v56 =	vor.u32 $0x3F0, v0;
	v25 =	vsel vm10, v42, v25;
	v26 =	vsel vm11, v30, v26;
	v30 =	vld [tilespmem:$0x3C0]  }
0x83: {  	v28 =	vnsel vm3, $0xFF800000, v28;
	vm13 =	vgt.f32 v41, v29;
	vm12 =	vgt.f32 v27, v26  }
0x84: {  	v34 =	vsel vm11, v45, v44;
	vm4 =	vgt.f32 v40, v28;
	v26 =	vsel vm12, v27, v26;
	v27 =	vld [tilespmem:$0x3E0]  }
0x85: {  	v43 =	vld [tilespmem:$0x3F0];
	v45 =	vor.u32 $0x450, v0;
	v29 =	vsel vm13, v41, v29;
	v28 =	vsel vm4, v40, v28  }
0x86: {  	v41 =	vor.u32 $0x440, v0;
	vm5 =	vgt.f32 v36, v28;
	vm11 =	vgt.f32 v31, v29  }
0x87: {  	v28 =	vsel vm5, v36, v28;
	vm14 =	vgt.f32 v30, v26;
	v29 =	vsel vm11, v31, v29  }
0x88: {  	v31 =	vor.u32 $0x310, v0;
	v26 =	vsel vm14, v30, v26;
	v30 =	vor.u32 $0x380, v0  }
0x89: {  	v30 =	vsel vm12, v30, v34;
	vm15 =	vgt.f32 v29, v26;
	vm12 =	vgt.f32 v27, v25  }
0x8a: {  	v46 =	vsel vm12, v27, v25;
	v27 =	vsel vm7, v31, v44;
	vm7 =	vgt.f32 v43, v28  }
0x8b: {  	v31 =	vor.u32 $0x350, v0;
	v25 =	vsel vm7, v43, v28;
	v28 =	vor.u32 $0x3C0, v0  }
0x8c: {  	v27 =	vsel vm9, v31, v27;
	v31 =	vor.u32 $0x390, v0;
	v43 =	vor.u32 $0x480, v0  }
0x8d: {  	v27 =	vsel vm13, v31, v27;
	v31 =	vsel vm6, v47, v44;
	v28 =	vsel vm14, v28, v30  }
0x8e: {  	vm13 =	veq.f32 v29, v26;
	v47 =	vor.u32 $0x490, v0;
	v31 =	vsel vm8, v48, v31  }
0x8f: {  	v27 =	vsel vm11, v49, v27;
	v48 =	vor.u32 $0x420, v0;
	v30 =	vsel vm10, v50, v31  }
0x90: {  	v31 =	vor.u32 $0x3E0, v0;
	vm14 =	vlt.u32 v27, v28;
	v50 =	vor.u32 $0x460, v0  }
0x91: {  	v52 =	vld [tilespmem:$0x400];
	vm6 =	vmand vm13, vm14;
	v30 =	vsel vm12, v31, v30;
	v31 =	vsel vm3, v51, v44  }
0x92: {  	v55 =	vld [tilespmem:$0x430];
	v44 =	vor.u32 $0x410, v0;
	v51 =	vor.u32 $0x4D0, v0;
	vm11 =	vmor vm15, vm6  }
0x93: {  	v26 =	vsel vm11, v29, v26;
	v28 =	vsel vm11, v27, v28;
	v27 =	vsel vm4, v53, v31  }
0x94: {  	vm12 =	veq.f32 v46, v26;
	vm13 =	vlt.u32 v30, v28;
	vm14 =	vgt.f32 v46, v26  }
0x95: {  	v29 =	vld [tilespmem:$0x410];
	v27 =	vsel vm5, v54, v27;
	v54 =	vor.u32 $0x4E0, v0;
	vm3 =	vmand vm12, vm13  }
0x96: {  	v31 =	vld [tilespmem:$0x420];
	v27 =	vsel vm7, v56, v27;
	vm12 =	vgt.f32 v52, $-Inf;
	v56 =	vor.u32 $0x470, v0  }
0x97: {  	v57 =	vld [tilespmem:$0x440];
	vm3 =	vmor vm14, vm3;
	v32 =	vnsel vm12, $0xFF800000, v52;
	vm12 =	vgt.f32 v55, $-Inf  }
0x98: {  	v52 =	vor.u32 $0x4A0, v0;
	v26 =	vsel vm3, v46, v26;
	v28 =	vsel vm3, v30, v28  }
0x99: {  	v46 =	vor.u32 $0x4C0, v0;
	vm15 =	vgt.f32 v25, v26;
	vm8 =	veq.f32 v25, v26  }
0x9a: {  	v58 =	vld [tilespmem:$0x460];
	vm9 =	vlt.u32 v27, v28;
	vm10 =	vlt.f32 v29, $-Inf;
	vm11 =	vgt.f32 v29, $-Inf  }
0x9b: {  	v37 =	vld [tilespmem:$0x480];
	vm13 =	vlt.f32 v31, $-Inf;
	vm14 =	vgt.f32 v31, $-Inf;
	vm4 =	vmand vm8, vm9  }
0x9c: {  	v30 =	vld [tilespmem:$0x450];
	vm7 =	vmor vm11, vm10;
	vm8 =	vmor vm14, vm13;
	vm11 =	vgt.f32 v57, v32  }
0x9d: {  	v59 =	vld [tilespmem:$0x470];
	vm3 =	vmor vm15, vm4;
	v29 =	vnsel vm7, $0xFF800000, v29;
	vm15 =	vlt.f32 v55, $-Inf  }
0x9e: {  	v39 =	vld [tilespmem:$0x4A0];
	v31 =	vnsel vm8, $0xFF800000, v31;
	v32 =	vsel vm11, v57, v32;
	v42 =	vsel vm11, v41, v63  }
0x9f: {  	v40 =	vld [tilespmem:$0x4C0];
	v33 =	vsel vm7, v44, v63;
	v49 =	vsel vm8, v48, v63;
	v44 =	vor.u32 $0x580, v0  }
0xa0: {  	v38 =	vld [tilespmem:$0x490];
	vm4 =	vmor vm12, vm15;
	vm9 =	vgt.f32 v58, v31;
	vm13 =	vgt.f32 v37, v32  }
0xa1: {  	v60 =	vld [tilespmem:$0x4B0];
	v25 =	vsel vm3, v25, v26;
	v35 =	vnsel vm4, $0xFF800000, v55;
	vm12 =	vgt.f32 v30, v29  }
0xa2: {  	v61 =	vld [tilespmem:$0x4D0];
	v32 =	vsel vm13, v37, v32;
	v36 =	vsel vm13, v43, v42;
	v55 =	vor.u32 $0x430, v0  }
0xa3: {  	v62 =	vld [tilespmem:$0x4E0];
	vm5 =	vgt.f32 v59, v35;
	v29 =	vsel vm12, v30, v29;
	v30 =	vsel vm9, v58, v31  }
0xa4: {  	vm11 =	vgt.f32 v40, v32;
	v37 =	vsel vm4, v55, v63;
	v55 =	vor.u32 $0x510, v0  }
0xa5: {  	v31 =	vsel vm5, v59, v35;
	vm14 =	vgt.f32 v38, v29;
	vm10 =	vgt.f32 v39, v30  }
0xa6: {  	v32 =	vsel vm11, v40, v32;
	v29 =	vsel vm14, v38, v29;
	vm6 =	vgt.f32 v60, v31  }
0xa7: {  	v30 =	vsel vm10, v39, v30;
	v38 =	vsel vm9, v50, v49;
	v31 =	vsel vm6, v60, v31  }
0xa8: {  	v35 =	vld [tilespmem:$0x4F0];
	vm13 =	vgt.f32 v61, v29;
	vm15 =	vgt.f32 v62, v30;
	v53 =	vsel vm10, v52, v38  }
0xa9: {  	v60 =	vor.u32 $0x4B0, v0;
	v34 =	vsel vm15, v62, v30;
	v30 =	vsel vm12, v45, v33  }
0xaa: {  	v52 =	vor.u32 $0x500, v0;
	v29 =	vsel vm13, v61, v29;
	v30 =	vsel vm14, v47, v30  }
0xab: {  	v58 =	vld [tilespmem:$0x500];
	v33 =	vsel vm11, v46, v36;
	v36 =	vsel vm15, v54, v53;
	v30 =	vsel vm13, v51, v30  }
0xac: {  	v62 =	vor.u32 $0x4F0, v0;
	vm13 =	veq.f32 v29, v32;
	vm14 =	vlt.u32 v30, v33  }
0xad: {  	v61 =	vld [tilespmem:$0x520];
	vm12 =	vgt.f32 v29, v32;
	vm7 =	vgt.f32 v35, v31;
	vm8 =	vmand vm13, vm14  }
0xae: {  	v59 =	vld [tilespmem:$0x510];
	v53 =	vor.u32 $0x540, v0;
	v35 =	vsel vm7, v35, v31;
	vm13 =	vmor vm12, vm8  }
0xaf: {  	v29 =	vsel vm13, v29, v32;
	v57 =	vsel vm13, v30, v33;
	v30 =	vsel vm5, v56, v37  }
0xb0: {  	v63 =	vld [tilespmem:$0x530];
	vm13 =	vgt.f32 v58, $-Inf;
	vm14 =	veq.f32 v34, v29;
	vm15 =	vlt.u32 v36, v57  }
0xb1: {  	vm12 =	vgt.f32 v34, v29;
	v30 =	vsel vm6, v60, v30;
	v33 =	vnsel vm13, $0xFF800000, v58  }
0xb2: {  	vm13 =	vgt.f32 v61, $-Inf;
	v58 =	vor.u32 $0x590, v0;
	v60 =	vor.u32 $0x560, v0  }
0xb3: {  	v45 =	vld [tilespmem:$0x540];
	vm4 =	vmand vm14, vm15;
	v30 =	vsel vm7, v62, v30;
	vm14 =	vlt.f32 v59, $-Inf  }
0xb4: {  	vm15 =	vgt.f32 v59, $-Inf;
	v62 =	vor.u32 $0x5D0, v0;
	vm4 =	vmor vm12, vm4  }
0xb5: {  	v48 =	vld [tilespmem:$0x570];
	vm9 =	vmor vm15, vm14;
	vm12 =	vlt.f32 v61, $-Inf;
	vm14 =	vlt.f32 v63, $-Inf  }
0xb6: {  	v46 =	vld [tilespmem:$0x550];
	vm15 =	vgt.f32 v63, $-Inf;
	v29 =	vsel vm4, v34, v29;
	v31 =	vsel vm4, v36, v57  }
0xb7: {  	v47 =	vld [tilespmem:$0x560];
	v37 =	vnsel vm9, $0xFF800000, v59;
	vm10 =	vmor vm13, vm12;
	vm7 =	vmor vm15, vm14  }
0xb8: {  	v41 =	vld [tilespmem:$0x580];
	vm12 =	vgt.f32 v45, v33;
	v57 =	vor.u32 $0x550, v0;
	v59 =	vor.u32 $0x520, v0  }
0xb9: {  	vm4 =	vgt.f32 v35, v29;
	vm5 =	veq.f32 v35, v29;
	vm6 =	vlt.u32 v30, v31  }
0xba: {  	v42 =	vld [tilespmem:$0x590];
	v39 =	vnsel vm10, $0xFF800000, v61;
	v40 =	vnsel vm7, $0xFF800000, v63;
	v33 =	vsel vm12, v45, v33  }
0xbb: {  	vm13 =	vgt.f32 v46, v37;
	v61 =	vor.u32 $0x5C0, v0;
	v63 =	vor.u32 $0x5A0, v0  }
0xbc: {  	v49 =	vld [tilespmem:$0x5A0];
	v32 =	vsel vm13, v46, v37;
	vm11 =	vgt.f32 v47, v39;
	vm8 =	vgt.f32 v48, v40  }
0xbd: {  	v50 =	vld [tilespmem:$0x5B0];
	vm14 =	vgt.f32 v41, v33;
	v46 =	vor.u32 $0x530, v0;
	vm5 =	vmand vm5, vm6  }
0xbe: {  	v43 =	vld [tilespmem:$0x5D0];
	v36 =	vsel vm11, v47, v39;
	v38 =	vsel vm8, v48, v40;
	v33 =	vsel vm14, v41, v33  }
0xbf: {  	v51 =	vld [tilespmem:$0x5C0];
	v41 =	vsel vm12, v53, v52;
	vm12 =	vgt.f32 v42, v32;
	v40 =	vsel vm7, v46, v52  }
0xc0: {  	v54 =	vld [tilespmem:$0x5E0];
	v47 =	vor.u32 $0x570, v0;
	vm4 =	vmor vm4, vm5;
	v32 =	vsel vm12, v42, v32  }
0xc1: {  	v45 =	vld [tilespmem:$0x5F0];
	v41 =	vsel vm14, v44, v41;
	vm14 =	vgt.f32 v49, v36;
	v44 =	vsel vm9, v55, v52  }
0xc2: {  	vm9 =	vgt.f32 v50, v38;
	v48 =	vsel vm8, v47, v40;
	v26 =	vsel vm4, v35, v29  }
0xc3: {  	v34 =	vsel vm14, v49, v36;
	v56 =	vsel vm9, v50, v38;
	v37 =	vsel vm13, v57, v44  }
0xc4: {  	vm13 =	vgt.f32 v51, v33;
	v38 =	vsel vm10, v59, v52;
	v49 =	vor.u32 $0x5B0, v0  }
0xc5: {  	v33 =	vsel vm13, v51, v33;
	v37 =	vsel vm12, v58, v37;
	vm12 =	vgt.f32 v43, v32  }
0xc6: {  	vm15 =	vgt.f32 v54, v34;
	v38 =	vsel vm11, v60, v38;
	vm10 =	vgt.f32 v45, v56  }
0xc7: {  	v53 =	vld [tilespmem:$0x620];
	v39 =	vsel vm13, v61, v41;
	v51 =	vor.u32 $0x5F0, v0;
	v41 =	vor.u32 $0x600, v0  }
0xc8: {  	v50 =	vld [tilespmem:$0x600];
	v32 =	vsel vm12, v43, v32;
	v34 =	vsel vm15, v54, v34;
	v37 =	vsel vm12, v62, v37  }
0xc9: {  	v36 =	vsel vm10, v45, v56;
	vm11 =	veq.f32 v32, v33;
	vm12 =	vlt.u32 v37, v39  }
0xca: {  	v38 =	vsel vm14, v63, v38;
	v54 =	vld [tilespmem:$0x630];
	vm13 =	vgt.f32 v32, v33;
	vm11 =	vmand vm11, vm12  }
0xcb: {  	v52 =	vld [tilespmem:$0x610];
	v45 =	vor.u32 $0x5E0, v0;
	v43 =	vor.u32 $0x700, v0;
	vm12 =	vmor vm13, vm11  }
0xcc: {  	v55 =	vld [tilespmem:$0x640];
	v38 =	vsel vm15, v45, v38;
	v33 =	vsel vm12, v32, v33;
	v37 =	vsel vm12, v37, v39  }
0xcd: {  	v32 =	vsel vm9, v49, v48;
	vm12 =	vgt.f32 v50, $-Inf;
	vm9 =	vgt.f32 v53, $-Inf  }
0xce: {  	vm13 =	veq.f32 v34, v33;
	vm14 =	vlt.u32 v38, v37;
	vm15 =	vgt.f32 v34, v33  }
0xcf: {  	v32 =	vsel vm10, v51, v32;
	v58 =	vnsel vm12, $0xFF800000, v50;
	vm12 =	vgt.f32 v54, $-Inf  }
0xd0: {  	v51 =	vor.u32 $0x640, v0;
	vm7 =	vmand vm13, vm14;
	vm13 =	vlt.f32 v52, $-Inf  }
0xd1: {  	vm14 =	vgt.f32 v52, $-Inf;
	vm8 =	vgt.f32 v55, v58;
	vm7 =	vmor vm15, vm7  }
0xd2: {  	v57 =	vld [tilespmem:$0x660];
	vm15 =	vlt.f32 v53, $-Inf;
	v42 =	vsel vm8, v51, v41;
	v34 =	vsel vm7, v34, v33  }
0xd3: {  	v56 =	vld [tilespmem:$0x650];
	v33 =	vsel vm7, v38, v37;
	vm9 =	vmor vm9, vm15;
	vm10 =	veq.f32 v36, v34  }
0xd4: {  	v59 =	vld [tilespmem:$0x670];
	vm7 =	vlt.u32 v32, v33;
	vm11 =	vgt.f32 v36, v34;
	v37 =	vnsel vm9, $0xFF800000, v53  }
0xd5: {  	v61 =	vld [tilespmem:$0x680];
	v53 =	vor.u32 $0x680, v0;
	vm6 =	vmand vm10, vm7;
	vm10 =	vmor vm14, vm13  }
0xd6: {  	v62 =	vld [tilespmem:$0x690];
	vm5 =	vmor vm11, vm6;
	v60 =	vnsel vm10, $0xFF800000, v52;
	vm11 =	vlt.f32 v54, $-Inf  }
0xd7: {  	v63 =	vld [tilespmem:$0x6A0];
	v29 =	vsel vm5, v36, v34;
	vm6 =	vmor vm12, vm11;
	v34 =	vsel vm8, v55, v58  }
0xd8: {  	vm12 =	vgt.f32 v56, v60;
	vm11 =	vgt.f32 v57, v37;
	v55 =	vor.u32 $0x610, v0  }
0xd9: {  	v58 =	vor.u32 $0x690, v0;
	v38 =	vnsel vm6, $0xFF800000, v54;
	v35 =	vsel vm12, v56, v60  }
0xda: {  	v49 =	vld [tilespmem:$0x6C0];
	v37 =	vsel vm11, v57, v37;
	vm13 =	vgt.f32 v61, v34;
	v56 =	vsel vm10, v55, v41  }
0xdb: {  	v48 =	vld [tilespmem:$0x6B0];
	v57 =	vor.u32 $0x650, v0;
	vm7 =	vgt.f32 v59, v38;
	v34 =	vsel vm13, v61, v34  }
0xdc: {  	v50 =	vld [tilespmem:$0x6D0];
	vm14 =	vgt.f32 v62, v35;
	vm15 =	vgt.f32 v63, v37;
	v42 =	vsel vm13, v53, v42  }
0xdd: {  	v52 =	vld [tilespmem:$0x6E0];
	v39 =	vsel vm12, v57, v56;
	v61 =	vor.u32 $0x6C0, v0;
	v53 =	vor.u32 $0x670, v0  }
0xde: {  	v36 =	vsel vm7, v59, v38;
	v35 =	vsel vm14, v62, v35;
	v37 =	vsel vm15, v63, v37  }
0xdf: {  	vm10 =	vgt.f32 v49, v34;
	v39 =	vsel vm14, v58, v39;
	v59 =	vor.u32 $0x620, v0  }
0xe0: {  	v54 =	vld [tilespmem:$0x6F0];
	v62 =	vor.u32 $0x660, v0;
	v63 =	vor.u32 $0x6D0, v0;
	v58 =	vor.u32 $0x6B0, v0  }
0xe1: {  	vm8 =	vgt.f32 v48, v36;
	vm12 =	vgt.f32 v50, v35;
	v38 =	vsel vm10, v49, v34  }
0xe2: {  	vm13 =	vgt.f32 v52, v37;
	v60 =	vsel vm9, v59, v41;
	v49 =	vor.u32 $0x6E0, v0  }
0xe3: {  	v36 =	vsel vm8, v48, v36;
	v35 =	vsel vm12, v50, v35;
	v37 =	vsel vm13, v52, v37  }
0xe4: {  	v40 =	vsel vm11, v62, v60;
	v48 =	vor.u32 $0x6A0, v0;
	v39 =	vsel vm12, v63, v39  }
0xe5: {  	v50 =	vor.u32 $0x630, v0;
	v60 =	vor.u32 $0x6F0, v0;
	vm9 =	vgt.f32 v54, v36  }
0xe6: {  	v52 =	vld [tilespmem:$0x710];
	v40 =	vsel vm15, v48, v40;
	v34 =	vsel vm9, v54, v36;
	v36 =	vsel vm10, v61, v42  }
0xe7: {  	vm12 =	vgt.f32 v35, v38;
	vm10 =	veq.f32 v35, v38;
	vm11 =	vlt.u32 v39, v36  }
0xe8: {  	v41 =	vsel vm6, v50, v41;
	v40 =	vsel vm13, v49, v40;
	vm10 =	vmand vm10, vm11  }
0xe9: {  	v55 =	vld [tilespmem:$0x720];
	v56 =	vsel vm7, v53, v41;
	v53 =	vor.u32 $0x740, v0;
	vm13 =	vmor vm12, vm10  }
0xea: {  	v57 =	vld [tilespmem:$0x730];
	v35 =	vsel vm13, v35, v38;
	v54 =	vsel vm13, v39, v36;
	v36 =	vsel vm8, v58, v56  }
0xeb: {  	v51 =	vld [tilespmem:$0x700];
	vm13 =	vlt.f32 v52, $-Inf;
	v58 =	vor.u32 $0x710, v0;
	vm14 =	veq.f32 v37, v35  }
0xec: {  	v46 =	vld [tilespmem:$0x750];
	vm15 =	vlt.u32 v40, v54;
	vm12 =	vgt.f32 v37, v35;
	v36 =	vsel vm9, v60, v36  }
0xed: {  	v47 =	vld [tilespmem:$0x790];
	v60 =	vor.u32 $0x750, v0;
	vm6 =	vmand vm14, vm15;
	vm14 =	vgt.f32 v52, $-Inf  }
0xee: {  	v59 =	vld [tilespmem:$0x740];
	vm15 =	vlt.f32 v55, $-Inf;
	vm6 =	vmor vm12, vm6;
	vm9 =	vmor vm14, vm13  }
0xef: {  	v61 =	vld [tilespmem:$0x760];
	vm12 =	vgt.f32 v55, $-Inf;
	vm13 =	vlt.f32 v57, $-Inf;
	vm14 =	vgt.f32 v57, $-Inf  }
0xf0: {  	v62 =	vld [tilespmem:$0x770];
	v35 =	vsel vm6, v37, v35;
	v37 =	vsel vm6, v40, v54;
	vm6 =	vgt.f32 v51, $-Inf  }
0xf1: {  	v63 =	vld [tilespmem:$0x780];
	v42 =	vnsel vm9, $0xFF800000, v52;
	vm7 =	vmor vm12, vm15;
	v44 =	vnsel vm6, $0xFF800000, v51  }
0xf2: {  	v39 =	vnsel vm7, $0xFF800000, v55;
	vm6 =	vmor vm14, vm13;
	vm11 =	vgt.f32 v46, v42  }
0xf3: {  	v55 =	vor.u32 $0x780, v0;
	vm12 =	vgt.f32 v59, v44;
	v41 =	vnsel vm6, $0xFF800000, v57  }
0xf4: {  	v54 =	vld [tilespmem:$0x7D0];
	v42 =	vsel vm11, v46, v42;
	vm10 =	vgt.f32 v61, v39;
	v57 =	vor.u32 $0x7C0, v0  }
0xf5: {  	v48 =	vld [tilespmem:$0x7A0];
	v44 =	vsel vm12, v59, v44;
	vm8 =	vgt.f32 v62, v41;
	v38 =	vsel vm10, v61, v39  }
0xf6: {  	v49 =	vld [tilespmem:$0x7C0];
	vm14 =	vgt.f32 v47, v42;
	v61 =	vor.u32 $0x790, v0;
	vm13 =	vgt.f32 v63, v44  }
0xf7: {  	v50 =	vsel vm8, v62, v41;
	v42 =	vsel vm14, v47, v42;
	v47 =	vsel vm9, v58, v43  }
0xf8: {  	v62 =	vor.u32 $0x7D0, v0;
	v58 =	vor.u32 $0x7F0, v0;
	v51 =	vsel vm13, v63, v44  }
0xf9: {  	v52 =	vld [tilespmem:$0x7B0];
	v44 =	vsel vm12, v53, v43;
	v47 =	vsel vm11, v60, v47;
	vm15 =	vgt.f32 v54, v42  }
0xfa: {  	v56 =	vld [tilespmem:$0x7E0];
	v63 =	vor.u32 $0x720, v0;
	v53 =	vor.u32 $0x7E0, v0;
	v44 =	vsel vm13, v55, v44  }
0xfb: {  	vm13 =	vgt.f32 v48, v38;
	vm12 =	vgt.f32 v49, v51;
	v47 =	vsel vm14, v61, v47  }
0xfc: {  	v42 =	vsel vm15, v54, v42;
	v54 =	vor.u32 $0x770, v0;
	v55 =	vor.u32 $0x7B0, v0  }
0xfd: {  	v59 =	vld [tilespmem:$0x7F0];
	v38 =	vsel vm13, v48, v38;
	v40 =	vsel vm12, v49, v51;
	v44 =	vsel vm12, v57, v44  }
0xfe: {  	vm12 =	vgt.f32 v52, v50;
	v46 =	vsel vm15, v62, v47;
	v48 =	vsel vm7, v63, v43  }
0xff: {  	v49 =	vor.u32 $0x760, v0;
	v39 =	vsel vm12, v52, v50;
	vm9 =	vgt.f32 v56, v38  }
0x100: {  	v45 =	vsel vm10, v49, v48;
	v50 =	vor.u32 $0x7A0, v0;
	v52 =	vor.u32 $0x730, v0  }
0x101: {  	vm14 =	vlt.u32 v46, v44;
	vm15 =	vgt.f32 v42, v40;
	v38 =	vsel vm9, v56, v38  }
0x102: {  	vm7 =	vgt.f32 v59, v39;
	v51 =	vsel vm13, v50, v45;
	v43 =	vsel vm6, v52, v43  }
0x103: {  	vm13 =	veq.f32 v42, v40;
	v41 =	vsel vm7, v59, v39;
	v43 =	vsel vm8, v54, v43  }
0x104: {  	vm6 =	vmand vm13, vm14;
	v47 =	vsel vm9, v53, v51;
	vm13 =	vlt.u32 v36, v37  }
0x105: {  	v59 =	vmax.f32 v16, v17;
	v56 =	vsel vm12, v55, v43;
	vm6 =	vmor vm15, vm6  }
0x106: {  	vm12 =	veq.f32 v34, v35;
	v40 =	vsel vm6, v42, v40;
	v57 =	vsel vm6, v46, v44  }
0x107: {  	vm8 =	vmand vm12, vm13;
	vm14 =	veq.f32 v38, v40;
	vm15 =	vlt.u32 v47, v57  }
0x108: {  	v39 =	vsel vm7, v58, v56;
	vm13 =	vgt.f32 v38, v40;
	vm7 =	vmand vm14, vm15  }
0x109: {  	v60 =	vmax.f32 v59, v18;
	vm12 =	vgt.f32 v34, v35;
	vm7 =	vmor vm13, vm7  }
0x10a: {  	v42 =	vmax.f32 v60, v25;
	v38 =	vsel vm7, v38, v40;
	v40 =	vsel vm7, v47, v57  }
0x10b: {  	vm6 =	vmor vm12, vm8;
	vm14 =	veq.f32 v41, v38;
	vm15 =	vlt.u32 v39, v40  }
0x10c: {  	v42 =	vmax.f32 v42, v26;
	vm12 =	vgt.f32 v41, v38;
	vm7 =	vmand vm14, vm15  }
0x10d: {  	v34 =	vsel vm6, v34, v35;
	v42 =	vmax.f32 v42, v29;
	vm7 =	vmor vm12, vm7  }
0x10e: {  	v61 =	vmax.f32 v42, v34;
	v35 =	vsel vm7, v41, v38  }
0x10f: {  	s28 =	sshll.u32 s3, $0x4;
	v38 =	vmax.f32 v61, v35  }
0x110: {  	s29 =	simm.s32 $0x1500;
	s30 =	simm.s32 $0x3;
	s7 =	sadd.s32 s28, s6;
	[tilespmem:$0x1500] =	vst v38  }
0x111: {  	[spmem:s7] =	stream.linear.scatter [tilespmem:s29], [sflag:$0x3], $0x10, $0x38;
	[tilespmem:$0x15D0] =	vst v63  }
0x112: {  	_ =	swait.ge [sflag:s30], $0x10  }
0x113: {  	[sflag:s30] =	ssyncset.done $0x0  }
0x114: {  	[sflag:s30] =	ssyncadd.s32 $0xFFFFFFF0  }
0x115: {  	s31 =	simm.s32 $0x1080;
	[bflag:$0x0] =	sbarrier.arrive $0xFFFF  }
0x116: {  	[tilespmem:s31], [sflag:$0x3] =	stream.linear.gather [spmem:s6], $0x100, $0x38;
	[tilespmem:$0x15D0] =	vst v63  }
0x117: {  	_ =	swait.ge [sflag:s30], $0x100  }
0x118: {  	[sflag:s30] =	ssyncset.done $0x0  }
0x119: {  	[sflag:s30] =	ssyncadd.s32 $0xFFFFFF00  }
0x11a: {  	v62 =	vld [tilespmem:$0x1080]  }
0x11b: {  	v63 =	vld [tilespmem:$0x1090];
	_ =	sdelay $0x2  }
0x11c: {  	v48 =	vld [tilespmem:$0x10A0]  }
0x11d: {  	vm13 =	vgt.f32 v62, $-Inf  }
0x11e: {  	vm14 =	vgt.f32 v63, $-Inf;
	v38 =	vnsel vm13, $0xFF800000, v62  }
0x11f: {  	v50 =	vld [tilespmem:$0x10B0];
	v49 =	vnsel vm14, $0xFF800000, v63;
	vm15 =	vgt.f32 v63, v38  }
0x120: {  	v43 =	vsel vm15, v38, v49  }
0x121: {  	v38 =	vsel vm15, v63, v38;
	vm12 =	vgt.f32 v48, v43  }
0x122: {  	v52 =	vld [tilespmem:$0x10C0];
	vm9 =	vgt.f32 v48, v38;
	v51 =	vsel vm12, v48, v43  }
0x123: {  	v41 =	vsel vm9, v38, v51  }
0x124: {  	v38 =	vsel vm9, v48, v38;
	vm13 =	vgt.f32 v50, v41  }
0x125: {  	v53 =	vld [tilespmem:$0x10D0];
	vm9 =	vgt.f32 v50, v38;
	v41 =	vsel vm13, v50, v41  }
0x126: {  	v41 =	vsel vm9, v38, v41  }
0x127: {  	v38 =	vsel vm9, v50, v38;
	vm14 =	vgt.f32 v52, v41  }
0x128: {  	v54 =	vld [tilespmem:$0x10E0];
	vm9 =	vgt.f32 v52, v38;
	v41 =	vsel vm14, v52, v41  }
0x129: {  	v41 =	vsel vm9, v38, v41  }
0x12a: {  	v38 =	vsel vm9, v52, v38;
	vm15 =	vgt.f32 v53, v41  }
0x12b: {  	v55 =	vld [tilespmem:$0x10F0];
	vm9 =	vgt.f32 v53, v38;
	v41 =	vsel vm15, v53, v41  }
0x12c: {  	v41 =	vsel vm9, v38, v41  }
0x12d: {  	v38 =	vsel vm9, v53, v38;
	vm12 =	vgt.f32 v54, v41  }
0x12e: {  	v56 =	vld [tilespmem:$0x1100];
	vm9 =	vgt.f32 v54, v38;
	v41 =	vsel vm12, v54, v41  }
0x12f: {  	v41 =	vsel vm9, v38, v41  }
0x130: {  	v38 =	vsel vm9, v54, v38;
	vm13 =	vgt.f32 v55, v41  }
0x131: {  	v57 =	vld [tilespmem:$0x1110];
	vm9 =	vgt.f32 v55, v38;
	v41 =	vsel vm13, v55, v41  }
0x132: {  	v41 =	vsel vm9, v38, v41  }
0x133: {  	v38 =	vsel vm9, v55, v38;
	vm14 =	vgt.f32 v56, v41  }
0x134: {  	v58 =	vld [tilespmem:$0x1120];
	vm9 =	vgt.f32 v56, v38;
	v41 =	vsel vm14, v56, v41  }
0x135: {  	v41 =	vsel vm9, v38, v41  }
0x136: {  	v38 =	vsel vm9, v56, v38;
	vm15 =	vgt.f32 v57, v41  }
0x137: {  	v59 =	vld [tilespmem:$0x1130];
	vm9 =	vgt.f32 v57, v38;
	v41 =	vsel vm15, v57, v41  }
0x138: {  	v41 =	vsel vm9, v38, v41  }
0x139: {  	v38 =	vsel vm9, v57, v38;
	vm12 =	vgt.f32 v58, v41  }
0x13a: {  	v60 =	vld [tilespmem:$0x1140];
	vm9 =	vgt.f32 v58, v38;
	v41 =	vsel vm12, v58, v41  }
0x13b: {  	v41 =	vsel vm9, v38, v41  }
0x13c: {  	v38 =	vsel vm9, v58, v38;
	vm13 =	vgt.f32 v59, v41  }
0x13d: {  	v61 =	vld [tilespmem:$0x1150];
	vm9 =	vgt.f32 v59, v38;
	v41 =	vsel vm13, v59, v41  }
0x13e: {  	v41 =	vsel vm9, v38, v41  }
0x13f: {  	v38 =	vsel vm9, v59, v38;
	vm14 =	vgt.f32 v60, v41  }
0x140: {  	v62 =	vld [tilespmem:$0x1160];
	vm9 =	vgt.f32 v60, v38;
	v41 =	vsel vm14, v60, v41  }
0x141: {  	v41 =	vsel vm9, v38, v41  }
0x142: {  	v38 =	vsel vm9, v60, v38;
	vm15 =	vgt.f32 v61, v41  }
0x143: {  	v63 =	vld [tilespmem:$0x1170];
	vm9 =	vgt.f32 v61, v38;
	v41 =	vsel vm15, v61, v41  }
0x144: {  	v41 =	vsel vm9, v38, v41  }
0x145: {  	v38 =	vsel vm9, v61, v38;
	vm12 =	vgt.f32 v62, v41  }
0x146: {  	vm13 =	vgt.f32 v62, v38;
	v41 =	vsel vm12, v62, v41  }
0x147: {  	v41 =	vsel vm13, v38, v41  }
0x148: {  	v38 =	vsel vm13, v62, v38;
	vm14 =	vgt.f32 v63, v41  }
0x149: {  	vm15 =	vgt.f32 v63, v38;
	v41 =	vsel vm14, v63, v41  }
0x14a: {  	v38 =	vsel vm15, v38, v41  }
0x14b: {  	(xrf0) =	vmin.scan.msk.f32 $0xffff, v38;
	_ =	sdelay $0x5  }
0x14c: {  	v38, _, _ =	vpop (xrf0)  }
0x14d: {  	(v2sf) =	vpush v38, $0xF;
	_ =	sdelay $0x7  }
0x14e: {  	v20 =	vsel vm0, v19, v20  }
0x14f: {  	v19 =	vimm.f32 $-Inf;
	v21 =	vsel vm1, v21, v22;
	v22 =	vsel vm2, v23, v24  }
0x150: {  	v23 =	vsel vm3, v27, v28;
	v24 =	vsel vm4, v30, v31;
	v27 =	vsel vm5, v32, v33;
	s6 =	sshll.u32 s3, $0xB  }
0x151: {  	v33 =	vimm.f32 $-Inf;
	v30 =	vsel vm7, v39, v40;
	v20 =	vor.u32 s6, v20  }
0x152: {  	v21 =	vor.u32 s6, v21;
	v22 =	vor.u32 s6, v22;
	v23 =	vor.u32 s6, v23  }
0x153: {  	v24 =	vor.u32 s6, v24;
	v28 =	vor.u32 s6, v27;
	v27 =	vsel vm6, v36, v37  }
0x154: {  	v32 =	vor.u32 s6, v30;
	v30 =	vimm.s32 $0xFFFFFFFF;
	v36 =	vimm.f32 $-Inf  }
0x155: {  	s8 =	simm.s32 $0x0;
	v31 =	vor.u32 s6, v27;
	v27 =	vimm.s32 $0xFFFFFFFF;
	v38 =	vmov s6;
	s7 =	spop (v2sf)  }
.LBB2_3:
0x156: {  	vm0 =	veq.f32 v17, v16;
	vm1 =	vlt.s32 v21, v20  }
0x157: {  	vm2 =	vgt.f32 v17, v16;
	vm0 =	vmand vm0, vm1  }
0x158: {  	vm0 =	vmor vm2, vm0  }
0x159: {  	v37 =	vsel vm0, v17, v16;
	v39 =	vsel vm0, v21, v20  }
0x15a: {  	vm13 =	veq.f32 v18, v37;
	vm14 =	vlt.s32 v22, v39  }
0x15b: {  	vm15 =	vgt.f32 v18, v37;
	vm0 =	vmand vm13, vm14  }
0x15c: {  	vm0 =	vmor vm15, vm0  }
0x15d: {  	v37 =	vsel vm0, v18, v37;
	v39 =	vsel vm0, v22, v39  }
0x15e: {  	vm4 =	veq.f32 v25, v37;
	vm5 =	vlt.s32 v23, v39  }
0x15f: {  	vm6 =	vgt.f32 v25, v37;
	vm0 =	vmand vm4, vm5  }
0x160: {  	vm0 =	vmor vm6, vm0  }
0x161: {  	v37 =	vsel vm0, v25, v37;
	v39 =	vsel vm0, v23, v39  }
0x162: {  	vm7 =	veq.f32 v26, v37;
	vm8 =	vlt.s32 v24, v39  }
0x163: {  	vm9 =	vgt.f32 v26, v37;
	vm0 =	vmand vm7, vm8  }
0x164: {  	vm0 =	vmor vm9, vm0  }
0x165: {  	v37 =	vsel vm0, v26, v37;
	v39 =	vsel vm0, v24, v39  }
0x166: {  	vm10 =	veq.f32 v29, v37;
	vm11 =	vlt.s32 v28, v39  }
0x167: {  	vm12 =	vgt.f32 v29, v37;
	vm0 =	vmand vm10, vm11  }
0x168: {  	vm0 =	vmor vm12, vm0  }
0x169: {  	v37 =	vsel vm0, v29, v37;
	v39 =	vsel vm0, v28, v39  }
0x16a: {  	vm13 =	veq.f32 v34, v37;
	vm14 =	vlt.s32 v31, v39  }
0x16b: {  	vm15 =	vgt.f32 v34, v37;
	vm0 =	vmand vm13, vm14  }
0x16c: {  	vm0 =	vmor vm15, vm0  }
0x16d: {  	v37 =	vsel vm0, v34, v37;
	v39 =	vsel vm0, v31, v39  }
0x16e: {  	vm4 =	veq.f32 v35, v37;
	vm5 =	vlt.s32 v32, v39  }
0x16f: {  	vm6 =	vgt.f32 v35, v37;
	vm0 =	vmand vm4, vm5  }
0x170: {  	vm0 =	vmor vm6, vm0  }
0x171: {  	v40 =	vsel vm0, v35, v37  }
0x172: {  	(xrf0) =	vmax.scan.msk.f32 $0xffff, v40;
	_ =	sdelay $0x5  }
0x173: {  	v41, _, _ =	vpop (xrf0)  }
0x174: {  	v37 =	vbroadcast v41, $0xF  }
0x175: {  	v39 =	vsel vm0, v32, v39  }
0x176: {  	v39 =	vxor.u32 $0x80000000, v39;
	vm7 =	veq.f32 v40, v37  }
0x177: {  	v39 =	vnsel vm7, $0xFFFFFFFF, v39  }
0x178: {  	(xrf0) =	vmin.scan.msk.u32 $0xffff, v39;
	_ =	sdelay $0x5  }
0x179: {  	(v2sf) =	vpush v41, $0xF;
	v39, _, _ =	vpop (xrf0)  }
0x17a: {  	(v2sf) =	vpush v39, $0xF;
	_ =	sdelay $0xd  }
0x17b: {  	s10 =	spop (v2sf)  }
0x17c: {  	s9 =	spop (v2sf)  }
0x17d: {  	s9 =	sxor.u32 $0x80000000, s9  }
0x17e: {  	s11 =	ssub.s32 s9, s6  }
0x17f: {  	v61 =	vmov s11;
	_ =	sdelay $0x4  }
0x180: {  	s12 =	sand.u32 $0xFFFFFF00, s11;
	[tilespmem:v61+s5+$0x0] =	vst.idx.msk $0x1, v19  }
0x181: {  	v39 =	vld [tilespmem:s12+$0x0]  }
0x182: {  	v62 =	vld [tilespmem:s12+$0x10]  }
0x183: {  	v63 =	vld [tilespmem:s12+$0x20]  }
0x184: {  	v42 =	vld [tilespmem:s12+$0x30];
	_ =	sdelay $0x1  }
0x185: {  	v43 =	vld [tilespmem:s12+$0x40]  }
0x186: {  	v44 =	vld [tilespmem:s12+$0x50]  }
0x187: {  	v45 =	vld [tilespmem:s12+$0x60];
	vm8 =	vgt.f32 v39, $-Inf;
	vm9 =	vlt.f32 v62, $-Inf;
	vm10 =	vgt.f32 v62, $-Inf  }
0x188: {  	v46 =	vld [tilespmem:s12+$0x70];
	vm11 =	vlt.f32 v63, $-Inf;
	vm12 =	vgt.f32 v63, $-Inf;
	vm13 =	vlt.f32 v42, $-Inf  }
0x189: {  	v47 =	vld [tilespmem:s12+$0x80];
	vm14 =	vgt.f32 v42, $-Inf;
	vm4 =	vmor vm10, vm9;
	v39 =	vnsel vm8, $0xFF800000, v39  }
0x18a: {  	v48 =	vld [tilespmem:s12+$0x90];
	vm1 =	vmor vm12, vm11;
	vm0 =	vmor vm14, vm13;
	v40 =	vnsel vm4, $0xFF800000, v62  }
0x18b: {  	v49 =	vld [tilespmem:s12+$0xA0];
	vm6 =	vgt.f32 v43, v39;
	v41 =	vnsel vm1, $0xFF800000, v63;
	v42 =	vnsel vm0, $0xFF800000, v42  }
0x18c: {  	v50 =	vld [tilespmem:s12+$0xB0];
	v55 =	vsel vm4, v3, v0;
	v59 =	vsel vm1, v7, v0;
	v60 =	vsel vm0, v12, v0  }
0x18d: {  	v39 =	vsel vm6, v43, v39;
	vm7 =	vgt.f32 v44, v40;
	vm5 =	vgt.f32 v45, v41  }
0x18e: {  	v52 =	vld [tilespmem:s12+$0xC0];
	vm2 =	vgt.f32 v46, v42;
	v56 =	vsel vm6, v1, v0;
	v40 =	vsel vm7, v44, v40  }
0x18f: {  	v53 =	vld [tilespmem:s12+$0xD0];
	v41 =	vsel vm5, v45, v41;
	v42 =	vsel vm2, v46, v42;
	vm8 =	vgt.f32 v47, v39  }
0x190: {  	v54 =	vld [tilespmem:s12+$0xE0];
	v43 =	vsel vm7, v5, v55;
	v45 =	vsel vm5, v8, v59;
	vm9 =	vgt.f32 v48, v40  }
0x191: {  	v58 =	vld [tilespmem:s12+$0xF0];
	v39 =	vsel vm8, v47, v39;
	vm10 =	vgt.f32 v49, v41;
	vm3 =	vgt.f32 v50, v42  }
0x192: {  	v57 =	vsel vm8, v2, v56;
	v40 =	vsel vm9, v48, v40;
	v41 =	vsel vm10, v49, v41  }
0x193: {  	vm11 =	vgt.f32 v52, v39;
	v42 =	vsel vm3, v50, v42;
	v43 =	vsel vm9, v6, v43  }
0x194: {  	v45 =	vsel vm10, v10, v45;
	v39 =	vsel vm11, v52, v39;
	vm15 =	vgt.f32 v53, v40  }
0x195: {  	vm12 =	vgt.f32 v54, v41;
	v44 =	vsel vm11, v4, v57;
	v43 =	vsel vm15, v9, v43  }
0x196: {  	vm8 =	vgt.f32 v58, v42;
	v44 =	vor.u32 s12, v44;
	v43 =	vor.u32 s12, v43  }
0x197: {  	v40 =	vsel vm15, v53, v40;
	v44 =	vadd.s32 v38, v44;
	v43 =	vadd.s32 v38, v43  }
0x198: {  	v45 =	vsel vm12, v11, v45;
	vm13 =	veq.f32 v40, v39;
	vm14 =	vlt.s32 v43, v44  }
0x199: {  	vm15 =	vgt.f32 v40, v39;
	v45 =	vor.u32 s12, v45;
	vm1 =	vmand vm13, vm14  }
0x19a: {  	v41 =	vsel vm12, v54, v41;
	v45 =	vadd.s32 v38, v45;
	vm1 =	vmor vm15, vm1  }
0x19b: {  	v39 =	vsel vm1, v40, v39;
	v40 =	vsel vm2, v13, v60;
	v43 =	vsel vm1, v43, v44  }
0x19c: {  	v40 =	vsel vm3, v14, v40;
	vm9 =	veq.f32 v41, v39;
	vm1 =	vlt.s32 v45, v43  }
0x19d: {  	vm10 =	vgt.f32 v41, v39;
	v40 =	vsel vm8, v15, v40;
	vm0 =	vmand vm9, vm1  }
0x19e: {  	v42 =	vsel vm8, v58, v42;
	v40 =	vor.u32 s12, v40;
	vm0 =	vmor vm10, vm0  }
0x19f: {  	v40 =	vadd.s32 v38, v40;
	v39 =	vsel vm0, v41, v39;
	v61 =	vsel vm0, v45, v43  }
0x1a0: {  	vm11 =	veq.f32 v42, v39;
	vm12 =	vlt.s32 v40, v61  }
0x1a1: {  	vm13 =	vgt.f32 v42, v39;
	vm0 =	vmand vm11, vm12  }
0x1a2: {  	s11 =	sshrl.u32 s11, $0x8;
	vm0 =	vmor vm13, vm0  }
0x1a3: {  	p1 =	seq.s32 s11, $0x1;
	v39 =	vsel vm0, v42, v39;
	v40 =	vsel vm0, v40, v61  }
0x1a4: {  	p2 =	seq.s32 s11, $0x3;
	v17 =	vpsel p1, v39, v17;
	v21 =	vpsel p1, v40, v21;
	p1 =	sgt.u32 s8, $0x17  }
0x1a5: {  	s31 =	sadd.s32 $0xFFFFFFF0, s8;
	v25 =	vpsel p2, v39, v25;
	v23 =	vpsel p2, v40, v23;
	p2 =	sge.f32 @!p1 s10, s7  }
0x1a6: {  	p0 =	seq.s32 s11, $0x0;
	v62 =	vmov s8;
	v63 =	vmov s31  }
0x1a7: {  	vm14 =	veq.s32 v62, v0;
	v16 =	vpsel p0, v39, v16;
	v20 =	vpsel p0, v40, v20;
	p0 =	por p1, !p2  }
.Ltmp1:
0x1a8: {  	p6 =	seq.s32 s11, $0x2;
	v36 =	vsel vm14, v37, v36;
	vm15 =	veq.s32 v63, v0;
	v30 =	vsel vm14, s9, v30;
	(pc) =	sbr.rel @!p0 .LBB2_3-.Ltmp1, $4  }
0x1a9: {  	p3 =	seq.s32 s11, $0x4;
	v33 =	vsel vm15, v37, v33;
	v27 =	vsel vm15, s9, v27;
	v18 =	vpsel p6, v39, v18  }
0x1aa: {  	p4 =	seq.s32 s11, $0x5;
	p5 =	seq.s32 s11, $0x6;
	v22 =	vpsel p6, v40, v22;
	v26 =	vpsel p3, v39, v26;
	v24 =	vpsel p3, v40, v24  }
0x1ab: {  	v29 =	vpsel p4, v39, v29;
	v28 =	vpsel p4, v40, v28;
	v34 =	vpsel p5, v39, v34;
	p6 =	seq.s32 s11, $0x7  }
0x1ac: {  	v31 =	vpsel p5, v40, v31;
	s8 =	sadd.s32 $0x1, s8;
	v35 =	vpsel p6, v39, v35;
	v32 =	vpsel p6, v40, v32  }
0x1ad: {  	[tilespmem:$0x1000] =	vst v36  }
0x1ae: {  	[tilespmem:$0x1010] =	vst v33  }
0x1af: {  	s4 =	sshrl.u32 s4, $0x2;
	[tilespmem:$0x1020] =	vst v30  }
0x1b0: {  	[tilespmem:$0x1030] =	vst v27;
	s5 =	simm.s32 $0x1000;
	s4 =	sadd.s32 s4, s2  }
0x1b1: {  	[spmem:s4] =	stream.linear.scatter [tilespmem:s5], [sflag:$0x3], $0x40, $0x38;
	[tilespmem:$0x15D0] =	vst v63  }
0x1b2: {  	s4 =	simm.s32 $0x3  }
0x1b3: {  	_ =	swait.ge [sflag:s4], $0x40  }
0x1b4: {  	[sflag:s4] =	ssyncset.done $0x0  }
0x1b5: {  	s31 =	simm.s32 $0x2;
	[sflag:s4] =	ssyncadd.s32 $0xFFFFFFC0  }
0x1b6: {  	_ =	swait.ge [sflag:s31], $0x800  }
0x1b7: {  	[sflag:s31] =	ssyncset.done $0x0  }
0x1b8: {  	[sflag:s31] =	ssyncadd.s32 $0xFFFFF800  }
0x1b9: {  	p0 =	sne.s32 s3, $0x0;
	[bflag:$0x0] =	sbarrier.arrive $0xFFFF  }
0x1ba: {  	_ =	sfence.sel @p0 $0x180000  }
0x1bb: {  	[bflag:$0x0] =	sbarrier.arrive @p0 $0xFFFF  }
0x1bc: {  	_ =	strace @p0 $0x90000047  }
0x1bd: {  	[bflag:$0x2] =	sbarrier.arrive @p0 $0xFFFF  }
0x1be: {  	_ =	shalt @p0  }
.LBB2_5:
0x1bf: {  	v0 =	vlaneseq.u32  }
0x1c0: {  	s3 =	simm.s32 $0x1080;
	v1 =	vmul.u32 $0x40, v0  }
0x1c1: {  	v2 =	vimm.s32 $0x0;
	[tilespmem:s3], [sflag:$0x3] =	stream.linear.gather [spmem:s2], $0x400, $0x38;
	[tilespmem:$0x15D0] =	vst v63  }
0x1c2: {  	_ =	swait.ge [sflag:s4], $0x400;
	v3 =	vadd.s32 v1, v2  }
0x1c3: {  	[sflag:s4] =	ssyncset.done $0x0  }
0x1c4: {  	v4 =	vimm.s32 $0xFFFFFFFF;
	[sflag:s4] =	ssyncadd.s32 $0xFFFFFC00  }
0x1c5: {  	[tilespmem:$0x1500] =	vst v4  }
0x1c6: {  	[tilespmem:$0x1510] =	vst v4  }
0x1c7: {  	v4 =	vld.idx.msk [tilespmem:v3+s3+$0x0], $0xffff;
	_ =	sdelay $0x4  }
0x1c8: {  	(xrf0) =	vmax.scan.msk.f32 $0xffff, v4;
	_ =	sdelay $0x5  }
0x1c9: {  	v3, _, _ =	vpop (xrf0)  }
0x1ca: {  	v5 =	vbroadcast v3, $0xF  }
0x1cb: {  	v3 =	vor.u32 $0x20, v1  }
0x1cc: {  	v6 =	vadd.s32 v3, v2;
	vm0 =	veq.f32 v5, v4  }
0x1cd: {  	v5 =	vmctz.xlane vm0;
	_ =	sdelay $0x1  }
0x1ce: {  	s6 =	simm.s32 $0x0;
	vm0 =	veq.s32 v5, v0  }
0x1cf: {  	v7 =	vmov s6;
	v5 =	vsel vm0, $0x1, v2  }
0x1d0: {  	v6 =	vld.idx.msk [tilespmem:v6+s3+$0x0], $0xffff;
	v5 =	vadd.s32 v5, v2  }
0x1d1: {  	s5 =	simm.s32 $0x1;
	v8 =	vadd.s32 v1, v5  }
0x1d2: {  	s2 =	simm.s32 $0x1480;
	s6 =	simm.s32 $0x2;
	s4 =	simm.s32 $0x1500  }
.LBB2_6:
0x1d3: {  	p0 =	sne.s32 s6, $0x18  }
0x1d4: {  	[tilespmem:v7+s2+$0x0] =	vst.idx.msk vm0, v4  }
0x1d5: {  	[tilespmem:v7+s4+$0x0] =	vst.idx.msk vm0, v6  }
0x1d6: {  	v4 =	vld.idx.msk [tilespmem:v8+s3+$0x0], $0xffff;
	_ =	sdelay $0x5  }
0x1d7: {  	(xrf0) =	vmax.scan.msk.f32 $0xffff, v4;
	_ =	sdelay $0x5  }
0x1d8: {  	v6, _, _ =	vpop (xrf0)  }
0x1d9: {  	v6 =	vbroadcast v6, $0xF  }
0x1da: {  	v7 =	vadd.s32 v3, v5  }
0x1db: {  	vm0 =	veq.f32 v6, v4  }
0x1dc: {  	v6 =	vmctz.xlane vm0;
	_ =	sdelay $0x1  }
.Ltmp2:
0x1dd: {  	vm0 =	veq.s32 v6, v0;
	(pc) =	sbr.rel @p0 .LBB2_6-.Ltmp2, $4  }
0x1de: {  	v6 =	vld.idx.msk [tilespmem:v7+s3+$0x0], $0xffff;
	v7 =	vmov s5;
	v8 =	vsel vm0, $0x1, v2;
	s5 =	smov.u32 s6  }
0x1df: {  	v5 =	vadd.s32 v8, v5  }
0x1e0: {  	v8 =	vadd.s32 v1, v5  }
0x1e1: {  	s6 =	sadd.s32 $0x1, s6  }
0x1e2: {  	_ =	sdelay $0x4  }
0x1e3: {  	[tilespmem:v7+s2+$0x0] =	vst.idx.msk vm0, v4  }
0x1e4: {  	[tilespmem:v7+s4+$0x0] =	vst.idx.msk vm0, v6  }
0x1e5: {  	v1 =	vld.idx.msk [tilespmem:v8+s3+$0x0], $0xffff;
	_ =	sdelay $0x4  }
0x1e6: {  	(xrf0) =	vmax.scan.msk.f32 $0xffff, v1;
	_ =	sdelay $0x5  }
0x1e7: {  	v2, _, _ =	vpop (xrf0)  }
0x1e8: {  	v2 =	vbroadcast v2, $0xF;
	_ =	sdelay $0x1  }
0x1e9: {  	v3 =	vadd.s32 v3, v5;
	vm12 =	veq.f32 v2, v1  }
0x1ea: {  	v2 =	vmctz.xlane vm12;
	_ =	sdelay $0x1  }
0x1eb: {  	vm0 =	veq.s32 v2, v0  }
0x1ec: {  	v54 =	vmov s5  }
0x1ed: {  	v55 =	vld.idx.msk [tilespmem:v3+s3+$0x0], $0xffff;
	_ =	sdelay $0x3  }
0x1ee: {  	[tilespmem:v54+s2+$0x0] =	vst.idx.msk vm0, v1  }
0x1ef: {  	[tilespmem:v54+s4+$0x0] =	vst.idx.msk vm0, v55  }
0x1f0: {  	v0 =	vld [tilespmem:$0x1480]  }
0x1f1: {  	v1 =	vld [tilespmem:$0x1500]  }
0x1f2: {  	v2 =	vld [tilespmem:$0x1510]  }
0x1f3: {  	v56 =	vld [tilespmem:$0x1490];
	_ =	sdelay $0x2  }
0x1f4: {  	vm13 =	veq.s32 v1, $0x0  }
0x1f5: {  	vm14 =	veq.s32 v2, $0x0;
	v57 =	vnsel vm13, $0xFF800000, v0  }
0x1f6: {  	v58 =	vnsel vm14, $0xFF800000, v56;
	(xrf0) =	vmax.scan.msk.f32 $0xffff, v57  }
0x1f7: {  	(xrf0) =	vmax.scan.msk.f32 $0xffff, v58;
	_ =	sdelay $0x4  }
0x1f8: {  	v59, _, _ =	vpop (xrf0)  }
0x1f9: {  	(v2sf) =	vpush v59, $0xF;
	v60, _, _ =	vpop (xrf0)  }
0x1fa: {  	(v2sf) =	vpush v60, $0xF;
	_ =	sdelay $0xd  }
0x1fb: {  	s25 =	spop (v2sf)  }
0x1fc: {  	s26 =	spop (v2sf)  }
0x1fd: {  	s2 =	smax.f32 s25, s26  }
0x1fe: {  	vm15 =	vlt.s32 v1, $0x0;
	p0 =	seq.f32 s2, $-Inf  }
0x1ff: {  	vm1 =	vlt.s32 v2, $0x0;
	v62 =	vsel vm15, $0x0, v1  }
0x200: {  	v63 =	vsel vm1, $0x0, v2;
	[tilespmem:$0x1500] =	vst v62;
	s2 =	simm.s32 @p0 $0x0  }
0x201: {  	[tilespmem:$0x1510] =	vst v63;
	v0 =	vsel vm15, s2, v0  }
0x202: {  	s28 =	simm.s32 $0x20;
	v61 =	vsel vm1, s2, v56;
	[tilespmem:$0x1480] =	vst v0  }
0x203: {  	s29 =	simm.s32 $0x1500;
	s30 =	simm.s32 $0x1480;
	s31 =	simm.s32 $0x1;
	[tilespmem:$0x1490] =	vst v61  }
0x204: {  	[hbm4b:s1+s28] =	stream.indirect.scatter [tilespmem:s30], [sflag:$0x1], $0x1, s29, s28, $0xb8;
	[tilespmem:$0x15D0] =	vst v63  }
0x205: {  	_ =	swait.ge [sflag:s31], $0x20  }
0x206: {  	[sflag:s31] =	ssyncset.done $0x0  }
0x207: {  	[sflag:s31] =	ssyncadd.s32 $0xFFFFFFE0  }
0x208: {  	_ =	sfence.sel $0x180000  }
0x209: {  	[bflag:$0x0] =	sbarrier.arrive $0xFFFF  }
0x20a: {  	_ =	strace $0x90000047  }
0x20b: {  	s0 =	sadd.s32 $0x100000, s0;
	[bflag:$0x2] =	sbarrier.arrive $0xFFFF  }
0x20c: {  	[sflag:s0] =	ssyncadd.tile.s32 $0x1;
	_ =	shalt  }
.Lfunc_end2:
_tile_overlayer_lowered:
.L_overlay_start_2:
0x20d: {  	(tag) =	ssettag $0x2  }
0x20e: {  	s0 =	rddreg [dreg:$0x0];
	s2 =	stileid.u32  }
0x20f: {  	s1 =	rddreg [dreg:$0x1];
	p0 =	sne.s32 s2, $0x0  }
0x210: {  	s3 =	rddreg [dreg:$0x2];
	[bflag:$0x3] =	sbarrier.arrive $0xFFFF;
	s2 =	simm.s32 @!p0 $0x1C03  }
0x211: {  	[timem:s3], [sflag:s2] =	dma.local @!p0 [hbm:s0], s1  }
0x212: {  	s0 =	simm.s32 @!p0 $0x3  }
0x213: {  	_ =	swait.ge @!p0 [sflag:s0], s1  }
0x214: {  	s1 =	ssub.s32 @!p0 $0x0, s1;
	[sflag:s0] =	ssyncset.done @!p0 $0x0  }
0x215: {  	[sflag:s0] =	ssyncadd.s32 @!p0 s1  }
0x216: {  	[bflag:$0x3] =	sbarrier.arrive $0xFFFF  }
0x217: {  	_ =	shalt  }

</sc_bundles>
